<compile_context>
chip_gen: v7x
topology: tpu7x:2x2x1
jax: 0.10.2.dev20260603
libtpu: 0.0.44.dev20260713+nightly
codegen_flags: <defaults>
</compile_context>

<pallas_src>
import jax
import jax.numpy as jnp
from jax import lax
from jax.experimental import pallas as pl
from jax.experimental.pallas import tpu as pltpu
from jax.experimental.pallas import tpu_sc as plsc

N = 10000
E = 320000
D = 128
C = 16

NC = 2
NS = 16
NW = NC * NS
L = 16

EPW = E // NW
RLEN = 1250
ROWS = EPW // RLEN
NPW = N // NS

_MESH = plsc.VectorSubcoreMesh(
    core_axis_name="c", subcore_axis_name="s", num_cores=NC, num_subcores=NS
)
_SC_PARAMS = pltpu.CompilerParams(
    needs_layout_passes=False, use_tc_tiling_on_sc=False
)


CW = 640
CWL = N - 15 * CW


def _deg_body(
    src, dst, dego_out, degi_out,
    sidx_v, didx_v, dego_v, degi_v, rbuf_v, ov_v, dego_sh, degi_sh,
):
    c = lax.axis_index("c")
    s = lax.axis_index("s")
    wid = c * NS + s
    pltpu.sync_copy(src.at[wid], sidx_v)
    pltpu.sync_copy(dst.at[wid], didx_v)

    zero16 = jnp.zeros((L,), jnp.float32)
    ones16 = jnp.ones((L,), jnp.float32)

    def zb(i, carry):
        base = i * (5 * L)
        for u in range(5):
            dego_v[pl.ds(base + u * L, L)] = zero16
            degi_v[pl.ds(base + u * L, L)] = zero16
        return carry

    lax.fori_loop(0, N // (5 * L), zb, 0)

    def eb(i, carry):
        base = i * (5 * L)
        for u in range(5):
            sv = sidx_v[pl.ds(base + u * L, L)]
            plsc.addupdate_scatter(dego_v, [sv], ones16)
            dv = didx_v[pl.ds(base + u * L, L)]
            plsc.addupdate_scatter(degi_v, [dv], ones16)
        return carry

    lax.fori_loop(0, EPW // (5 * L), eb, 0)

    pltpu.sync_copy(dego_v, dego_sh.at[s])
    pltpu.sync_copy(degi_v, degi_sh.at[s])
    plsc.subcore_barrier()

    def reduce_block(sh, out, off, width):
        pltpu.sync_copy(sh.at[:, pl.ds(off, width)], rbuf_v.at[:, pl.ds(0, width)])

        def gb(g, carry):
            acc = rbuf_v[0, pl.ds(g * L, L)]
            for w in range(1, NS):
                acc = acc + rbuf_v[w, pl.ds(g * L, L)]
            ov_v[pl.ds(g * L, L)] = acc
            return carry

        lax.fori_loop(0, width // L, gb, 0)
        pltpu.sync_copy(ov_v.at[pl.ds(0, width)], out.at[c, pl.ds(off, width)])

    @pl.when(s < 15)
    def _():
        reduce_block(dego_sh, dego_out, s * CW, CW)
        reduce_block(degi_sh, degi_out, s * CW, CW)

    @pl.when(s == 15)
    def _():
        reduce_block(dego_sh, dego_out, 15 * CW, CWL)
        reduce_block(degi_sh, degi_out, 15 * CW, CWL)


_deg_call = pl.kernel(
    _deg_body,
    out_type=(
        jax.ShapeDtypeStruct((NC, N), jnp.float32),
        jax.ShapeDtypeStruct((NC, N), jnp.float32),
    ),
    mesh=_MESH,
    scratch_types=[
        pltpu.VMEM((EPW,), jnp.int32),
        pltpu.VMEM((EPW,), jnp.int32),
        pltpu.VMEM((N,), jnp.float32),
        pltpu.VMEM((N,), jnp.float32),
        pltpu.VMEM((NS, CW), jnp.float32),
        pltpu.VMEM((CW,), jnp.float32),
        pltpu.VMEM_SHARED((NS, N), jnp.float32),
        pltpu.VMEM_SHARED((NS, N), jnp.float32),
    ],
    compiler_params=_SC_PARAMS,
)


BN = 1000


def _mid_body(x_ref, w_ref, dgo_ref, dgi_ref, h_ref, nd_ref):
    h0 = jnp.dot(x_ref[...], w_ref[...], preferred_element_type=jnp.float32)
    ns = lax.rsqrt(jnp.maximum(jnp.sum(dgo_ref[...], axis=0), 1.0))
    h_ref[...] = h0 * ns[:, None]
    nd = lax.rsqrt(jnp.maximum(jnp.sum(dgi_ref[...], axis=0), 1.0))
    nd_ref[...] = jnp.broadcast_to(nd[:, None], (N, C))


_mid_call = pl.pallas_call(
    _mid_body,
    out_shape=[
        jax.ShapeDtypeStruct((N, C), jnp.float32),
        jax.ShapeDtypeStruct((N, C), jnp.float32),
    ],
)


def _agg_body(
    h, src_r, dst_r, aggp, sidx_v, didx_v, msg_v, msg2_v, buf_v, agg_s, sem, sem2
):
    c = lax.axis_index("c")
    s = lax.axis_index("s")
    wid = c * NS + s
    pltpu.sync_copy(src_r.at[wid], sidx_v)
    pltpu.sync_copy(dst_r.at[wid], didx_v)

    def zb(i, carry):
        buf_v[i, :] = jnp.zeros((C,), jnp.float32)
        return carry

    lax.fori_loop(0, NPW, zb, 0)
    pltpu.sync_copy(buf_v, agg_s.at[pl.ds(s * NPW, NPW)])
    plsc.subcore_barrier()

    pltpu.async_copy(h.at[sidx_v.at[0]], msg_v, sem)

    def eb(jj, carry):
        j0 = 2 * jj
        j1 = j0 + 1
        pltpu.async_copy(h.at[sidx_v.at[j1]], msg2_v, sem2)
        pltpu.make_async_copy(h.at[sidx_v.at[j0]], msg_v, sem).wait()
        pltpu.sync_copy(msg_v, agg_s.at[didx_v.at[j0]], add=True)

        @pl.when(jj + 1 < ROWS // 2)
        def _():
            pltpu.async_copy(h.at[sidx_v.at[j0 + 2]], msg_v, sem)

        pltpu.make_async_copy(h.at[sidx_v.at[j1]], msg2_v, sem2).wait()
        pltpu.sync_copy(msg2_v, agg_s.at[didx_v.at[j1]], add=True)
        return carry

    lax.fori_loop(0, ROWS // 2, eb, 0)
    plsc.subcore_barrier()

    pltpu.sync_copy(agg_s.at[pl.ds(s * NPW, NPW)], buf_v)
    pltpu.sync_copy(buf_v, aggp.at[c, s])


_agg_call = pl.kernel(
    _agg_body,
    out_type=jax.ShapeDtypeStruct((NC, NS, NPW, C), jnp.float32),
    mesh=_MESH,
    scratch_types=[
        pltpu.VMEM((ROWS, RLEN), jnp.int32),
        pltpu.VMEM((ROWS, RLEN), jnp.int32),
        pltpu.VMEM((RLEN, C), jnp.float32),
        pltpu.VMEM((RLEN, C), jnp.float32),
        pltpu.VMEM((NPW, C), jnp.float32),
        pltpu.VMEM_SHARED((N, C), jnp.float32),
        pltpu.SemaphoreType.DMA,
        pltpu.SemaphoreType.DMA,
    ],
    compiler_params=_SC_PARAMS,
)


R0 = 312
R1 = NPW - R0


def _fin_body(aggp, nd2, bias, out, a0_v, a1_v, nd_v, b_v, o_v):
    c = lax.axis_index("c")
    s = lax.axis_index("s")
    pltpu.sync_copy(bias, b_v)
    bvec = b_v[...]

    def run(off, nr):
        r0 = s * NPW + off
        pltpu.sync_copy(aggp.at[0, s, pl.ds(off, nr)], a0_v.at[pl.ds(0, nr)])
        pltpu.sync_copy(aggp.at[1, s, pl.ds(off, nr)], a1_v.at[pl.ds(0, nr)])
        pltpu.sync_copy(nd2.at[pl.ds(s * NPW + off, nr)], nd_v.at[pl.ds(0, nr)])

        def rb(r, carry):
            o_v[r, :] = (a0_v[r, :] + a1_v[r, :]) * nd_v[r, :] + bvec
            return carry

        lax.fori_loop(0, nr, rb, 0)
        pltpu.sync_copy(o_v.at[pl.ds(0, nr)], out.at[pl.ds(r0, nr)])

    @pl.when(c == 0)
    def _():
        run(0, R0)

    @pl.when(c == 1)
    def _():
        run(R0, R1)


_fin_call = pl.kernel(
    _fin_body,
    out_type=jax.ShapeDtypeStruct((N, C), jnp.float32),
    mesh=_MESH,
    scratch_types=[
        pltpu.VMEM((R1, C), jnp.float32),
        pltpu.VMEM((R1, C), jnp.float32),
        pltpu.VMEM((R1, C), jnp.float32),
        pltpu.VMEM((C,), jnp.float32),
        pltpu.VMEM((R1, C), jnp.float32),
    ],
    compiler_params=_SC_PARAMS,
)


def kernel(in_feat, edge_index, W, b):
    src2 = edge_index[0].reshape(NW, EPW)
    dst2 = edge_index[1].reshape(NW, EPW)
    dego_p, degi_p = _deg_call(src2, dst2)
    h, nde = _mid_call(in_feat, W, dego_p, degi_p)
    aggp = _agg_call(
        h, src2.reshape(NW, ROWS, RLEN), dst2.reshape(NW, ROWS, RLEN)
    )
    return _fin_call(aggp, nde, b)

# --- scband reference (transcript-rebuilt; emitter-appended) ---
"""Pipeline reference for scband-node-classification-head-38792144618153 (READ-ONLY COPY).

The authoritative reference and input builder live on the scoring server;
editing this copy changes nothing except your own understanding.
"""

import jax, jax.numpy as jnp
import numpy as np

N = 10000
E = 320000
D = 128
C = 16


def setup_inputs(seed: int = 0) -> dict:
    key = jax.random.key(seed)
    k1, k2, k3 = jax.random.split(key, 3)
    in_feat = jax.random.normal(k1, (N, D), dtype=jnp.float32)
    edge_index = jax.random.randint(k2, (2, E), 0, N, dtype=jnp.int32)
    # GraphConv learned parameters (glorot init for weight, zeros for bias)
    limit = np.sqrt(6.0 / (D + C))
    W = jax.random.uniform(k3, (D, C), dtype=jnp.float32, minval=-limit, maxval=limit)
    b = jnp.zeros((C,), dtype=jnp.float32)
    return {"in_feat": in_feat, "edge_index": edge_index, "W": W, "b": b}


def reference(in_feat, edge_index, W, b):
    # DGL GraphConv with norm='both':
    #   h = D_in^{-1/2} * A^T * D_out^{-1/2} * X * W + b
    # Since out_feats < in_feats, apply weight before aggregation (as DGL does).
    src = edge_index[0]
    dst = edge_index[1]
    n = in_feat.shape[0]
    ones = jnp.ones((src.shape[0],), dtype=in_feat.dtype)
    deg_out = jnp.zeros((n,), dtype=in_feat.dtype).at[src].add(ones)
    deg_in = jnp.zeros((n,), dtype=in_feat.dtype).at[dst].add(ones)
    norm_src = jnp.power(jnp.maximum(deg_out, 1.0), -0.5)
    norm_dst = jnp.power(jnp.maximum(deg_in, 1.0), -0.5)
    h = in_feat * norm_src[:, None]
    h = h @ W
    msg = jnp.take(h, src, axis=0)
    agg = jnp.zeros((n, h.shape[1]), dtype=h.dtype).at[dst].add(msg)
    out = agg * norm_dst[:, None] + b
    return out

if __name__ == "__main__":
    import jax
    _d = setup_inputs()
    print(jax.jit(kernel)(*tuple(_d.values())))

</pallas_src>

<mosaic_0001>
#map = affine_map<(d0, d1) -> (0, 0, 0, 0)>
#map1 = affine_map<(d0, d1) -> (0, 0)>
#map2 = affine_map<(d0, d1) -> (0)>
module attributes {stable_mosaic.version = 14 : i64} {
  func.func @_fin_body(%arg0: i32, %arg1: i32, %arg2: memref<2x16x625x16xf32, #tpu.memory_space<hbm>>, %arg3: memref<10000x16xf32, #tpu.memory_space<hbm>>, %arg4: memref<16xf32, #tpu.memory_space<hbm>>, %arg5: memref<10000x16xf32, #tpu.memory_space<hbm>>, %arg6: memref<313x16xf32, #tpu.memory_space<vmem>>, %arg7: memref<313x16xf32, #tpu.memory_space<vmem>>, %arg8: memref<313x16xf32, #tpu.memory_space<vmem>>, %arg9: memref<16xf32, #tpu.memory_space<vmem>>, %arg10: memref<313x16xf32, #tpu.memory_space<vmem>>) attributes {dimension_semantics = [#tpu.dimension_semantics<core_parallel>, #tpu.dimension_semantics<subcore_parallel>], iteration_bounds = array<i64: 2, 16>, scalar_prefetch = 0 : i64, scratch_operands = 5 : i64, tpu.core_type = #tpu.core_type<sc_vector_subcore>, window_params = [{transform_indices = #map}, {transform_indices = #map1}, {transform_indices = #map2}, {transform_indices = #map1}]} {
    "tpu.region"() ({
      %run_scoped3A = tpu.sem_alloc : memref<!tpu.dma_semaphore, #tpu.memory_space<semaphore_mem>>
      tpu.enqueue_dma source(%arg4 : memref<16xf32, #tpu.memory_space<hbm>>) target(%arg9 : memref<16xf32, #tpu.memory_space<vmem>>) target_semaphore(%run_scoped3A : memref<!tpu.dma_semaphore, #tpu.memory_space<semaphore_mem>>)
      tpu.wait_dma2 semaphore(%run_scoped3A : memref<!tpu.dma_semaphore, #tpu.memory_space<semaphore_mem>>) src(%arg4 : memref<16xf32, #tpu.memory_space<hbm>>) dst(%arg9 : memref<16xf32, #tpu.memory_space<vmem>>)
      tpu.yield
    }) : () -> ()
    %get3A = arith.constant 0 : index
    %get3A_0 = tpu.vector_load %arg9[%get3A] {strides = array<i32>} : memref<16xf32, #tpu.memory_space<vmem>>, vector<16xf32>,
    %eq3A = arith.constant 0 : i32
    %eq3A_1 = arith.cmpi eq, %arg0, %eq3A : i32
    %convert_element_type3A = arith.extui %eq3A_1 : i1 to i32
    %cond3A = arith.constant 0 : i32
    %cond3A_2 = arith.cmpi ne, %convert_element_type3A, %cond3A : i32
    scf.if %cond3A_2 {
      %mul3A = arith.constant 625 : i32
      %mul3A_8 = arith.muli %arg1, %mul3A : i32
      %add3A = arith.constant 0 : i32
      %add3A_9 = arith.addi %mul3A_8, %add3A : i32
      %run_scoped3A = arith.constant 0 : i32
      "tpu.region"() ({
        %run_scoped3A_20 = tpu.sem_alloc : memref<!tpu.dma_semaphore, #tpu.memory_space<semaphore_mem>>
        %dma_start3A = arith.constant 0 : i32
        %dma_start3A_21 = arith.constant 0 : i32
        %dma_start3A_22 = tpu.memref_slice %arg6[%dma_start3A, %dma_start3A_21] : memref<313x16xf32, #tpu.memory_space<vmem>> -> memref<312x16xf32, #tpu.memory_space<vmem>>
        %dma_start3A_23 = arith.constant 0 : i32
        %dma_start3A_24 = arith.constant 0 : i32
        %dma_start3A_25 = tpu.memref_slice %arg2[%run_scoped3A, %arg1, %dma_start3A_23, %dma_start3A_24] : memref<2x16x625x16xf32, #tpu.memory_space<hbm>> -> memref<1x1x312x16xf32, #tpu.memory_space<hbm>>
        %dma_start3A_26 = tpu.memref_squeeze %dma_start3A_25 : memref<1x1x312x16xf32, #tpu.memory_space<hbm>> -> memref<312x16xf32, #tpu.memory_space<hbm>>
        %dma_start3A_27 = arith.constant 0 : i32
        %dma_start3A_28 = arith.constant 0 : i32
        %dma_start3A_29 = tpu.memref_slice %arg6[%dma_start3A_27, %dma_start3A_28] : memref<313x16xf32, #tpu.memory_space<vmem>> -> memref<312x16xf32, #tpu.memory_space<vmem>>
        %dma_start3A_30 = arith.constant 0 : i32
        %dma_start3A_31 = arith.constant 0 : i32
        %dma_start3A_32 = tpu.memref_slice %arg2[%run_scoped3A, %arg1, %dma_start3A_30, %dma_start3A_31] : memref<2x16x625x16xf32, #tpu.memory_space<hbm>> -> memref<1x1x312x16xf32, #tpu.memory_space<hbm>>
        %dma_start3A_33 = tpu.memref_squeeze %dma_start3A_32 : memref<1x1x312x16xf32, #tpu.memory_space<hbm>> -> memref<312x16xf32, #tpu.memory_space<hbm>>
        tpu.enqueue_dma source(%dma_start3A_33 : memref<312x16xf32, #tpu.memory_space<hbm>>) target(%dma_start3A_29 : memref<312x16xf32, #tpu.memory_space<vmem>>) target_semaphore(%run_scoped3A_20 : memref<!tpu.dma_semaphore, #tpu.memory_space<semaphore_mem>>)
        %dma_wait3A = arith.constant 0 : i32
        %dma_wait3A_34 = arith.constant 0 : i32
        %dma_wait3A_35 = tpu.memref_slice %arg6[%dma_wait3A, %dma_wait3A_34] : memref<313x16xf32, #tpu.memory_space<vmem>> -> memref<312x16xf32, #tpu.memory_space<vmem>>
        %dma_wait3A_36 = arith.constant 0 : i32
        %dma_wait3A_37 = arith.constant 0 : i32
        %dma_wait3A_38 = tpu.memref_slice %arg2[%run_scoped3A, %arg1, %dma_wait3A_36, %dma_wait3A_37] : memref<2x16x625x16xf32, #tpu.memory_space<hbm>> -> memref<1x1x312x16xf32, #tpu.memory_space<hbm>>
        %dma_wait3A_39 = tpu.memref_squeeze %dma_wait3A_38 : memref<1x1x312x16xf32, #tpu.memory_space<hbm>> -> memref<312x16xf32, #tpu.memory_space<hbm>>
        %dma_wait3A_40 = arith.constant 0 : i32
        %dma_wait3A_41 = arith.constant 0 : i32
        %dma_wait3A_42 = tpu.memref_slice %arg6[%dma_wait3A_40, %dma_wait3A_41] : memref<313x16xf32, #tpu.memory_space<vmem>> -> memref<312x16xf32, #tpu.memory_space<vmem>>
        %dma_wait3A_43 = arith.constant 0 : i32
        %dma_wait3A_44 = arith.constant 0 : i32
        %dma_wait3A_45 = tpu.memref_slice %arg2[%run_scoped3A, %arg1, %dma_wait3A_43, %dma_wait3A_44] : memref<2x16x625x16xf32, #tpu.memory_space<hbm>> -> memref<1x1x312x16xf32, #tpu.memory_space<hbm>>
        %dma_wait3A_46 = tpu.memref_squeeze %dma_wait3A_45 : memref<1x1x312x16xf32, #tpu.memory_space<hbm>> -> memref<312x16xf32, #tpu.memory_space<hbm>>
        tpu.wait_dma2 semaphore(%run_scoped3A_20 : memref<!tpu.dma_semaphore, #tpu.memory_space<semaphore_mem>>) src(%dma_wait3A_46 : memref<312x16xf32, #tpu.memory_space<hbm>>) dst(%dma_wait3A_42 : memref<312x16xf32, #tpu.memory_space<vmem>>)
        tpu.yield
      }) : () -> ()
      %run_scoped3A_10 = arith.constant 1 : i32
      "tpu.region"() ({
        %run_scoped3A_20 = tpu.sem_alloc : memref<!tpu.dma_semaphore, #tpu.memory_space<semaphore_mem>>
        %dma_start3A = arith.constant 0 : i32
        %dma_start3A_21 = arith.constant 0 : i32
        %dma_start3A_22 = tpu.memref_slice %arg7[%dma_start3A, %dma_start3A_21] : memref<313x16xf32, #tpu.memory_space<vmem>> -> memref<312x16xf32, #tpu.memory_space<vmem>>
        %dma_start3A_23 = arith.constant 0 : i32
        %dma_start3A_24 = arith.constant 0 : i32
        %dma_start3A_25 = tpu.memref_slice %arg2[%run_scoped3A_10, %arg1, %dma_start3A_23, %dma_start3A_24] : memref<2x16x625x16xf32, #tpu.memory_space<hbm>> -> memref<1x1x312x16xf32, #tpu.memory_space<hbm>>
        %dma_start3A_26 = tpu.memref_squeeze %dma_start3A_25 : memref<1x1x312x16xf32, #tpu.memory_space<hbm>> -> memref<312x16xf32, #tpu.memory_space<hbm>>
        %dma_start3A_27 = arith.constant 0 : i32
        %dma_start3A_28 = arith.constant 0 : i32
        %dma_start3A_29 = tpu.memref_slice %arg7[%dma_start3A_27, %dma_start3A_28] : memref<313x16xf32, #tpu.memory_space<vmem>> -> memref<312x16xf32, #tpu.memory_space<vmem>>
        %dma_start3A_30 = arith.constant 0 : i32
        %dma_start3A_31 = arith.constant 0 : i32
        %dma_start3A_32 = tpu.memref_slice %arg2[%run_scoped3A_10, %arg1, %dma_start3A_30, %dma_start3A_31] : memref<2x16x625x16xf32, #tpu.memory_space<hbm>> -> memref<1x1x312x16xf32, #tpu.memory_space<hbm>>
        %dma_start3A_33 = tpu.memref_squeeze %dma_start3A_32 : memref<1x1x312x16xf32, #tpu.memory_space<hbm>> -> memref<312x16xf32, #tpu.memory_space<hbm>>
        tpu.enqueue_dma source(%dma_start3A_33 : memref<312x16xf32, #tpu.memory_space<hbm>>) target(%dma_start3A_29 : memref<312x16xf32, #tpu.memory_space<vmem>>) target_semaphore(%run_scoped3A_20 : memref<!tpu.dma_semaphore, #tpu.memory_space<semaphore_mem>>)
        %dma_wait3A = arith.constant 0 : i32
        %dma_wait3A_34 = arith.constant 0 : i32
        %dma_wait3A_35 = tpu.memref_slice %arg7[%dma_wait3A, %dma_wait3A_34] : memref<313x16xf32, #tpu.memory_space<vmem>> -> memref<312x16xf32, #tpu.memory_space<vmem>>
        %dma_wait3A_36 = arith.constant 0 : i32
        %dma_wait3A_37 = arith.constant 0 : i32
        %dma_wait3A_38 = tpu.memref_slice %arg2[%run_scoped3A_10, %arg1, %dma_wait3A_36, %dma_wait3A_37] : memref<2x16x625x16xf32, #tpu.memory_space<hbm>> -> memref<1x1x312x16xf32, #tpu.memory_space<hbm>>
        %dma_wait3A_39 = tpu.memref_squeeze %dma_wait3A_38 : memref<1x1x312x16xf32, #tpu.memory_space<hbm>> -> memref<312x16xf32, #tpu.memory_space<hbm>>
        %dma_wait3A_40 = arith.constant 0 : i32
        %dma_wait3A_41 = arith.constant 0 : i32
        %dma_wait3A_42 = tpu.memref_slice %arg7[%dma_wait3A_40, %dma_wait3A_41] : memref<313x16xf32, #tpu.memory_space<vmem>> -> memref<312x16xf32, #tpu.memory_space<vmem>>
        %dma_wait3A_43 = arith.constant 0 : i32
        %dma_wait3A_44 = arith.constant 0 : i32
        %dma_wait3A_45 = tpu.memref_slice %arg2[%run_scoped3A_10, %arg1, %dma_wait3A_43, %dma_wait3A_44] : memref<2x16x625x16xf32, #tpu.memory_space<hbm>> -> memref<1x1x312x16xf32, #tpu.memory_space<hbm>>
        %dma_wait3A_46 = tpu.memref_squeeze %dma_wait3A_45 : memref<1x1x312x16xf32, #tpu.memory_space<hbm>> -> memref<312x16xf32, #tpu.memory_space<hbm>>
        tpu.wait_dma2 semaphore(%run_scoped3A_20 : memref<!tpu.dma_semaphore, #tpu.memory_space<semaphore_mem>>) src(%dma_wait3A_46 : memref<312x16xf32, #tpu.memory_space<hbm>>) dst(%dma_wait3A_42 : memref<312x16xf32, #tpu.memory_space<vmem>>)
        tpu.yield
      }) : () -> ()
      %mul3A_11 = arith.constant 625 : i32
      %mul3A_12 = arith.muli %arg1, %mul3A_11 : i32
      %add3A_13 = arith.constant 0 : i32
      %add3A_14 = arith.addi %mul3A_12, %add3A_13 : i32
      "tpu.region"() ({
        %run_scoped3A_20 = tpu.sem_alloc : memref<!tpu.dma_semaphore, #tpu.memory_space<semaphore_mem>>
        %dma_start3A = arith.constant 0 : i32
        %dma_start3A_21 = arith.constant 0 : i32
        %dma_start3A_22 = tpu.memref_slice %arg8[%dma_start3A, %dma_start3A_21] : memref<313x16xf32, #tpu.memory_space<vmem>> -> memref<312x16xf32, #tpu.memory_space<vmem>>
        %dma_start3A_23 = arith.constant 0 : i32
        %dma_start3A_24 = tpu.memref_slice %arg3[%add3A_14, %dma_start3A_23] : memref<10000x16xf32, #tpu.memory_space<hbm>> -> memref<312x16xf32, #tpu.memory_space<hbm>>
        %dma_start3A_25 = arith.constant 0 : i32
        %dma_start3A_26 = arith.constant 0 : i32
        %dma_start3A_27 = tpu.memref_slice %arg8[%dma_start3A_25, %dma_start3A_26] : memref<313x16xf32, #tpu.memory_space<vmem>> -> memref<312x16xf32, #tpu.memory_space<vmem>>
        %dma_start3A_28 = arith.constant 0 : i32
        %dma_start3A_29 = tpu.memref_slice %arg3[%add3A_14, %dma_start3A_28] : memref<10000x16xf32, #tpu.memory_space<hbm>> -> memref<312x16xf32, #tpu.memory_space<hbm>>
        tpu.enqueue_dma source(%dma_start3A_29 : memref<312x16xf32, #tpu.memory_space<hbm>>) target(%dma_start3A_27 : memref<312x16xf32, #tpu.memory_space<vmem>>) target_semaphore(%run_scoped3A_20 : memref<!tpu.dma_semaphore, #tpu.memory_space<semaphore_mem>>)
        %dma_wait3A = arith.constant 0 : i32
        %dma_wait3A_30 = arith.constant 0 : i32
        %dma_wait3A_31 = tpu.memref_slice %arg8[%dma_wait3A, %dma_wait3A_30] : memref<313x16xf32, #tpu.memory_space<vmem>> -> memref<312x16xf32, #tpu.memory_space<vmem>>
        %dma_wait3A_32 = arith.constant 0 : i32
        %dma_wait3A_33 = tpu.memref_slice %arg3[%add3A_14, %dma_wait3A_32] : memref<10000x16xf32, #tpu.memory_space<hbm>> -> memref<312x16xf32, #tpu.memory_space<hbm>>
        %dma_wait3A_34 = arith.constant 0 : i32
        %dma_wait3A_35 = arith.constant 0 : i32
        %dma_wait3A_36 = tpu.memref_slice %arg8[%dma_wait3A_34, %dma_wait3A_35] : memref<313x16xf32, #tpu.memory_space<vmem>> -> memref<312x16xf32, #tpu.memory_space<vmem>>
        %dma_wait3A_37 = arith.constant 0 : i32
        %dma_wait3A_38 = tpu.memref_slice %arg3[%add3A_14, %dma_wait3A_37] : memref<10000x16xf32, #tpu.memory_space<hbm>> -> memref<312x16xf32, #tpu.memory_space<hbm>>
        tpu.wait_dma2 semaphore(%run_scoped3A_20 : memref<!tpu.dma_semaphore, #tpu.memory_space<semaphore_mem>>) src(%dma_wait3A_38 : memref<312x16xf32, #tpu.memory_space<hbm>>) dst(%dma_wait3A_36 : memref<312x16xf32, #tpu.memory_space<vmem>>)
        tpu.yield
      }) : () -> ()
      %scan3A = arith.constant 0 : i32
      %scan3A_15 = arith.constant 0 : i32
      %scan3A_16 = arith.constant 312 : i32
      %scan3A_17 = arith.addi %scan3A_15, %scan3A_16 : i32
      %scan3A_18 = arith.constant 1 : i32
      scf.for %scan3A_20 = %scan3A_15 to %scan3A_17 step %scan3A_18  : i32 {
        %get3A_21 = arith.index_cast %scan3A_20 : i32 to index
        %get3A_22 = arith.constant 0 : index
        %get3A_23 = tpu.vector_load %arg6[%get3A_21, %get3A_22] {strides = array<i32>} : memref<313x16xf32, #tpu.memory_space<vmem>>, vector<16xf32>,
        %get3A_24 = arith.index_cast %scan3A_20 : i32 to index
        %get3A_25 = arith.constant 0 : index
        %get3A_26 = tpu.vector_load %arg7[%get3A_24, %get3A_25] {strides = array<i32>} : memref<313x16xf32, #tpu.memory_space<vmem>>, vector<16xf32>,
        %add3A_27 = arith.addf %get3A_23, %get3A_26 : vector<16xf32>
        %get3A_28 = arith.index_cast %scan3A_20 : i32 to index
        %get3A_29 = arith.constant 0 : index
        %get3A_30 = tpu.vector_load %arg8[%get3A_28, %get3A_29] {strides = array<i32>} : memref<313x16xf32, #tpu.memory_space<vmem>>, vector<16xf32>,
        %mul3A_31 = arith.mulf %add3A_27, %get3A_30 : vector<16xf32>
        %add3A_32 = arith.addf %mul3A_31, %get3A_0 : vector<16xf32>
        %swap3A = arith.index_cast %scan3A_20 : i32 to index
        %swap3A_33 = arith.constant 0 : index
        %swap3A_34 = tpu.vector_load %arg10[%swap3A, %swap3A_33] {strides = array<i32>} : memref<313x16xf32, #tpu.memory_space<vmem>>, vector<16xf32>,
        tpu.vector_store %arg10[%swap3A, %swap3A_33], %add3A_32 {strides = array<i32>} : memref<313x16xf32, #tpu.memory_space<vmem>>, vector<16xf32>,
      }
      %scan3A_19 = arith.constant 312 : i32
      "tpu.region"() ({
        %run_scoped3A_20 = tpu.sem_alloc : memref<!tpu.dma_semaphore, #tpu.memory_space<semaphore_mem>>
        %dma_start3A = arith.constant 0 : i32
        %dma_start3A_21 = arith.constant 0 : i32
        %dma_start3A_22 = tpu.memref_slice %arg10[%dma_start3A, %dma_start3A_21] : memref<313x16xf32, #tpu.memory_space<vmem>> -> memref<312x16xf32, #tpu.memory_space<vmem>>
        %dma_start3A_23 = arith.constant 0 : i32
        %dma_start3A_24 = tpu.memref_slice %arg5[%add3A_9, %dma_start3A_23] : memref<10000x16xf32, #tpu.memory_space<hbm>> -> memref<312x16xf32, #tpu.memory_space<hbm>>
        %dma_start3A_25 = arith.constant 0 : i32
        %dma_start3A_26 = tpu.memref_slice %arg5[%add3A_9, %dma_start3A_25] : memref<10000x16xf32, #tpu.memory_space<hbm>> -> memref<312x16xf32, #tpu.memory_space<hbm>>
        %dma_start3A_27 = arith.constant 0 : i32
        %dma_start3A_28 = arith.constant 0 : i32
        %dma_start3A_29 = tpu.memref_slice %arg10[%dma_start3A_27, %dma_start3A_28] : memref<313x16xf32, #tpu.memory_space<vmem>> -> memref<312x16xf32, #tpu.memory_space<vmem>>
        tpu.enqueue_dma source(%dma_start3A_29 : memref<312x16xf32, #tpu.memory_space<vmem>>) target(%dma_start3A_26 : memref<312x16xf32, #tpu.memory_space<hbm>>) target_semaphore(%run_scoped3A_20 : memref<!tpu.dma_semaphore, #tpu.memory_space<semaphore_mem>>)
        %dma_wait3A = arith.constant 0 : i32
        %dma_wait3A_30 = arith.constant 0 : i32
        %dma_wait3A_31 = tpu.memref_slice %arg10[%dma_wait3A, %dma_wait3A_30] : memref<313x16xf32, #tpu.memory_space<vmem>> -> memref<312x16xf32, #tpu.memory_space<vmem>>
        %dma_wait3A_32 = arith.constant 0 : i32
        %dma_wait3A_33 = tpu.memref_slice %arg5[%add3A_9, %dma_wait3A_32] : memref<10000x16xf32, #tpu.memory_space<hbm>> -> memref<312x16xf32, #tpu.memory_space<hbm>>
        %dma_wait3A_34 = arith.constant 0 : i32
        %dma_wait3A_35 = tpu.memref_slice %arg5[%add3A_9, %dma_wait3A_34] : memref<10000x16xf32, #tpu.memory_space<hbm>> -> memref<312x16xf32, #tpu.memory_space<hbm>>
        %dma_wait3A_36 = arith.constant 0 : i32
        %dma_wait3A_37 = arith.constant 0 : i32
        %dma_wait3A_38 = tpu.memref_slice %arg10[%dma_wait3A_36, %dma_wait3A_37] : memref<313x16xf32, #tpu.memory_space<vmem>> -> memref<312x16xf32, #tpu.memory_space<vmem>>
        tpu.wait_dma2 semaphore(%run_scoped3A_20 : memref<!tpu.dma_semaphore, #tpu.memory_space<semaphore_mem>>) src(%dma_wait3A_38 : memref<312x16xf32, #tpu.memory_space<vmem>>) dst(%dma_wait3A_35 : memref<312x16xf32, #tpu.memory_space<hbm>>)
        tpu.yield
      }) : () -> ()
    } else {
    }
    %eq3A_3 = arith.constant 1 : i32
    %eq3A_4 = arith.cmpi eq, %arg0, %eq3A_3 : i32
    %convert_element_type3A_5 = arith.extui %eq3A_4 : i1 to i32
    %cond3A_6 = arith.constant 0 : i32
    %cond3A_7 = arith.cmpi ne, %convert_element_type3A_5, %cond3A_6 : i32
    scf.if %cond3A_7 {
      %mul3A = arith.constant 625 : i32
      %mul3A_8 = arith.muli %arg1, %mul3A : i32
      %add3A = arith.constant 312 : i32
      %add3A_9 = arith.addi %mul3A_8, %add3A : i32
      %run_scoped3A = arith.constant 0 : i32
      "tpu.region"() ({
        %run_scoped3A_20 = tpu.sem_alloc : memref<!tpu.dma_semaphore, #tpu.memory_space<semaphore_mem>>
        %dma_start3A = arith.constant 0 : i32
        %dma_start3A_21 = arith.constant 0 : i32
        %dma_start3A_22 = tpu.memref_slice %arg6[%dma_start3A, %dma_start3A_21] : memref<313x16xf32, #tpu.memory_space<vmem>> -> memref<313x16xf32, #tpu.memory_space<vmem>>
        %dma_start3A_23 = arith.constant 312 : i32
        %dma_start3A_24 = arith.constant 0 : i32
        %dma_start3A_25 = tpu.memref_slice %arg2[%run_scoped3A, %arg1, %dma_start3A_23, %dma_start3A_24] : memref<2x16x625x16xf32, #tpu.memory_space<hbm>> -> memref<1x1x313x16xf32, #tpu.memory_space<hbm>>
        %dma_start3A_26 = tpu.memref_squeeze %dma_start3A_25 : memref<1x1x313x16xf32, #tpu.memory_space<hbm>> -> memref<313x16xf32, #tpu.memory_space<hbm>>
        %dma_start3A_27 = arith.constant 0 : i32
        %dma_start3A_28 = arith.constant 0 : i32
        %dma_start3A_29 = tpu.memref_slice %arg6[%dma_start3A_27, %dma_start3A_28] : memref<313x16xf32, #tpu.memory_space<vmem>> -> memref<313x16xf32, #tpu.memory_space<vmem>>
        %dma_start3A_30 = arith.constant 312 : i32
        %dma_start3A_31 = arith.constant 0 : i32
        %dma_start3A_32 = tpu.memref_slice %arg2[%run_scoped3A, %arg1, %dma_start3A_30, %dma_start3A_31] : memref<2x16x625x16xf32, #tpu.memory_space<hbm>> -> memref<1x1x313x16xf32, #tpu.memory_space<hbm>>
        %dma_start3A_33 = tpu.memref_squeeze %dma_start3A_32 : memref<1x1x313x16xf32, #tpu.memory_space<hbm>> -> memref<313x16xf32, #tpu.memory_space<hbm>>
        tpu.enqueue_dma source(%dma_start3A_33 : memref<313x16xf32, #tpu.memory_space<hbm>>) target(%dma_start3A_29 : memref<313x16xf32, #tpu.memory_space<vmem>>) target_semaphore(%run_scoped3A_20 : memref<!tpu.dma_semaphore, #tpu.memory_space<semaphore_mem>>)
        %dma_wait3A = arith.constant 0 : i32
        %dma_wait3A_34 = arith.constant 0 : i32
        %dma_wait3A_35 = tpu.memref_slice %arg6[%dma_wait3A, %dma_wait3A_34] : memref<313x16xf32, #tpu.memory_space<vmem>> -> memref<313x16xf32, #tpu.memory_space<vmem>>
        %dma_wait3A_36 = arith.constant 312 : i32
        %dma_wait3A_37 = arith.constant 0 : i32
        %dma_wait3A_38 = tpu.memref_slice %arg2[%run_scoped3A, %arg1, %dma_wait3A_36, %dma_wait3A_37] : memref<2x16x625x16xf32, #tpu.memory_space<hbm>> -> memref<1x1x313x16xf32, #tpu.memory_space<hbm>>
        %dma_wait3A_39 = tpu.memref_squeeze %dma_wait3A_38 : memref<1x1x313x16xf32, #tpu.memory_space<hbm>> -> memref<313x16xf32, #tpu.memory_space<hbm>>
        %dma_wait3A_40 = arith.constant 0 : i32
        %dma_wait3A_41 = arith.constant 0 : i32
        %dma_wait3A_42 = tpu.memref_slice %arg6[%dma_wait3A_40, %dma_wait3A_41] : memref<313x16xf32, #tpu.memory_space<vmem>> -> memref<313x16xf32, #tpu.memory_space<vmem>>
        %dma_wait3A_43 = arith.constant 312 : i32
        %dma_wait3A_44 = arith.constant 0 : i32
        %dma_wait3A_45 = tpu.memref_slice %arg2[%run_scoped3A, %arg1, %dma_wait3A_43, %dma_wait3A_44] : memref<2x16x625x16xf32, #tpu.memory_space<hbm>> -> memref<1x1x313x16xf32, #tpu.memory_space<hbm>>
        %dma_wait3A_46 = tpu.memref_squeeze %dma_wait3A_45 : memref<1x1x313x16xf32, #tpu.memory_space<hbm>> -> memref<313x16xf32, #tpu.memory_space<hbm>>
        tpu.wait_dma2 semaphore(%run_scoped3A_20 : memref<!tpu.dma_semaphore, #tpu.memory_space<semaphore_mem>>) src(%dma_wait3A_46 : memref<313x16xf32, #tpu.memory_space<hbm>>) dst(%dma_wait3A_42 : memref<313x16xf32, #tpu.memory_space<vmem>>)
        tpu.yield
      }) : () -> ()
      %run_scoped3A_10 = arith.constant 1 : i32
      "tpu.region"() ({
        %run_scoped3A_20 = tpu.sem_alloc : memref<!tpu.dma_semaphore, #tpu.memory_space<semaphore_mem>>
        %dma_start3A = arith.constant 0 : i32
        %dma_start3A_21 = arith.constant 0 : i32
        %dma_start3A_22 = tpu.memref_slice %arg7[%dma_start3A, %dma_start3A_21] : memref<313x16xf32, #tpu.memory_space<vmem>> -> memref<313x16xf32, #tpu.memory_space<vmem>>
        %dma_start3A_23 = arith.constant 312 : i32
        %dma_start3A_24 = arith.constant 0 : i32
        %dma_start3A_25 = tpu.memref_slice %arg2[%run_scoped3A_10, %arg1, %dma_start3A_23, %dma_start3A_24] : memref<2x16x625x16xf32, #tpu.memory_space<hbm>> -> memref<1x1x313x16xf32, #tpu.memory_space<hbm>>
        %dma_start3A_26 = tpu.memref_squeeze %dma_start3A_25 : memref<1x1x313x16xf32, #tpu.memory_space<hbm>> -> memref<313x16xf32, #tpu.memory_space<hbm>>
        %dma_start3A_27 = arith.constant 0 : i32
        %dma_start3A_28 = arith.constant 0 : i32
        %dma_start3A_29 = tpu.memref_slice %arg7[%dma_start3A_27, %dma_start3A_28] : memref<313x16xf32, #tpu.memory_space<vmem>> -> memref<313x16xf32, #tpu.memory_space<vmem>>
        %dma_start3A_30 = arith.constant 312 : i32
        %dma_start3A_31 = arith.constant 0 : i32
        %dma_start3A_32 = tpu.memref_slice %arg2[%run_scoped3A_10, %arg1, %dma_start3A_30, %dma_start3A_31] : memref<2x16x625x16xf32, #tpu.memory_space<hbm>> -> memref<1x1x313x16xf32, #tpu.memory_space<hbm>>
        %dma_start3A_33 = tpu.memref_squeeze %dma_start3A_32 : memref<1x1x313x16xf32, #tpu.memory_space<hbm>> -> memref<313x16xf32, #tpu.memory_space<hbm>>
        tpu.enqueue_dma source(%dma_start3A_33 : memref<313x16xf32, #tpu.memory_space<hbm>>) target(%dma_start3A_29 : memref<313x16xf32, #tpu.memory_space<vmem>>) target_semaphore(%run_scoped3A_20 : memref<!tpu.dma_semaphore, #tpu.memory_space<semaphore_mem>>)
        %dma_wait3A = arith.constant 0 : i32
        %dma_wait3A_34 = arith.constant 0 : i32
        %dma_wait3A_35 = tpu.memref_slice %arg7[%dma_wait3A, %dma_wait3A_34] : memref<313x16xf32, #tpu.memory_space<vmem>> -> memref<313x16xf32, #tpu.memory_space<vmem>>
        %dma_wait3A_36 = arith.constant 312 : i32
        %dma_wait3A_37 = arith.constant 0 : i32
        %dma_wait3A_38 = tpu.memref_slice %arg2[%run_scoped3A_10, %arg1, %dma_wait3A_36, %dma_wait3A_37] : memref<2x16x625x16xf32, #tpu.memory_space<hbm>> -> memref<1x1x313x16xf32, #tpu.memory_space<hbm>>
        %dma_wait3A_39 = tpu.memref_squeeze %dma_wait3A_38 : memref<1x1x313x16xf32, #tpu.memory_space<hbm>> -> memref<313x16xf32, #tpu.memory_space<hbm>>
        %dma_wait3A_40 = arith.constant 0 : i32
        %dma_wait3A_41 = arith.constant 0 : i32
        %dma_wait3A_42 = tpu.memref_slice %arg7[%dma_wait3A_40, %dma_wait3A_41] : memref<313x16xf32, #tpu.memory_space<vmem>> -> memref<313x16xf32, #tpu.memory_space<vmem>>
        %dma_wait3A_43 = arith.constant 312 : i32
        %dma_wait3A_44 = arith.constant 0 : i32
        %dma_wait3A_45 = tpu.memref_slice %arg2[%run_scoped3A_10, %arg1, %dma_wait3A_43, %dma_wait3A_44] : memref<2x16x625x16xf32, #tpu.memory_space<hbm>> -> memref<1x1x313x16xf32, #tpu.memory_space<hbm>>
        %dma_wait3A_46 = tpu.memref_squeeze %dma_wait3A_45 : memref<1x1x313x16xf32, #tpu.memory_space<hbm>> -> memref<313x16xf32, #tpu.memory_space<hbm>>
        tpu.wait_dma2 semaphore(%run_scoped3A_20 : memref<!tpu.dma_semaphore, #tpu.memory_space<semaphore_mem>>) src(%dma_wait3A_46 : memref<313x16xf32, #tpu.memory_space<hbm>>) dst(%dma_wait3A_42 : memref<313x16xf32, #tpu.memory_space<vmem>>)
        tpu.yield
      }) : () -> ()
      %mul3A_11 = arith.constant 625 : i32
      %mul3A_12 = arith.muli %arg1, %mul3A_11 : i32
      %add3A_13 = arith.constant 312 : i32
      %add3A_14 = arith.addi %mul3A_12, %add3A_13 : i32
      "tpu.region"() ({
        %run_scoped3A_20 = tpu.sem_alloc : memref<!tpu.dma_semaphore, #tpu.memory_space<semaphore_mem>>
        %dma_start3A = arith.constant 0 : i32
        %dma_start3A_21 = arith.constant 0 : i32
        %dma_start3A_22 = tpu.memref_slice %arg8[%dma_start3A, %dma_start3A_21] : memref<313x16xf32, #tpu.memory_space<vmem>> -> memref<313x16xf32, #tpu.memory_space<vmem>>
        %dma_start3A_23 = arith.constant 0 : i32
        %dma_start3A_24 = tpu.memref_slice %arg3[%add3A_14, %dma_start3A_23] : memref<10000x16xf32, #tpu.memory_space<hbm>> -> memref<313x16xf32, #tpu.memory_space<hbm>>
        %dma_start3A_25 = arith.constant 0 : i32
        %dma_start3A_26 = arith.constant 0 : i32
        %dma_start3A_27 = tpu.memref_slice %arg8[%dma_start3A_25, %dma_start3A_26] : memref<313x16xf32, #tpu.memory_space<vmem>> -> memref<313x16xf32, #tpu.memory_space<vmem>>
        %dma_start3A_28 = arith.constant 0 : i32
        %dma_start3A_29 = tpu.memref_slice %arg3[%add3A_14, %dma_start3A_28] : memref<10000x16xf32, #tpu.memory_space<hbm>> -> memref<313x16xf32, #tpu.memory_space<hbm>>
        tpu.enqueue_dma source(%dma_start3A_29 : memref<313x16xf32, #tpu.memory_space<hbm>>) target(%dma_start3A_27 : memref<313x16xf32, #tpu.memory_space<vmem>>) target_semaphore(%run_scoped3A_20 : memref<!tpu.dma_semaphore, #tpu.memory_space<semaphore_mem>>)
        %dma_wait3A = arith.constant 0 : i32
        %dma_wait3A_30 = arith.constant 0 : i32
        %dma_wait3A_31 = tpu.memref_slice %arg8[%dma_wait3A, %dma_wait3A_30] : memref<313x16xf32, #tpu.memory_space<vmem>> -> memref<313x16xf32, #tpu.memory_space<vmem>>
        %dma_wait3A_32 = arith.constant 0 : i32
        %dma_wait3A_33 = tpu.memref_slice %arg3[%add3A_14, %dma_wait3A_32] : memref<10000x16xf32, #tpu.memory_space<hbm>> -> memref<313x16xf32, #tpu.memory_space<hbm>>
        %dma_wait3A_34 = arith.constant 0 : i32
        %dma_wait3A_35 = arith.constant 0 : i32
        %dma_wait3A_36 = tpu.memref_slice %arg8[%dma_wait3A_34, %dma_wait3A_35] : memref<313x16xf32, #tpu.memory_space<vmem>> -> memref<313x16xf32, #tpu.memory_space<vmem>>
        %dma_wait3A_37 = arith.constant 0 : i32
        %dma_wait3A_38 = tpu.memref_slice %arg3[%add3A_14, %dma_wait3A_37] : memref<10000x16xf32, #tpu.memory_space<hbm>> -> memref<313x16xf32, #tpu.memory_space<hbm>>
        tpu.wait_dma2 semaphore(%run_scoped3A_20 : memref<!tpu.dma_semaphore, #tpu.memory_space<semaphore_mem>>) src(%dma_wait3A_38 : memref<313x16xf32, #tpu.memory_space<hbm>>) dst(%dma_wait3A_36 : memref<313x16xf32, #tpu.memory_space<vmem>>)
        tpu.yield
      }) : () -> ()
      %scan3A = arith.constant 0 : i32
      %scan3A_15 = arith.constant 0 : i32
      %scan3A_16 = arith.constant 313 : i32
      %scan3A_17 = arith.addi %scan3A_15, %scan3A_16 : i32
      %scan3A_18 = arith.constant 1 : i32
      scf.for %scan3A_20 = %scan3A_15 to %scan3A_17 step %scan3A_18  : i32 {
        %get3A_21 = arith.index_cast %scan3A_20 : i32 to index
        %get3A_22 = arith.constant 0 : index
        %get3A_23 = tpu.vector_load %arg6[%get3A_21, %get3A_22] {strides = array<i32>} : memref<313x16xf32, #tpu.memory_space<vmem>>, vector<16xf32>,
        %get3A_24 = arith.index_cast %scan3A_20 : i32 to index
        %get3A_25 = arith.constant 0 : index
        %get3A_26 = tpu.vector_load %arg7[%get3A_24, %get3A_25] {strides = array<i32>} : memref<313x16xf32, #tpu.memory_space<vmem>>, vector<16xf32>,
        %add3A_27 = arith.addf %get3A_23, %get3A_26 : vector<16xf32>
        %get3A_28 = arith.index_cast %scan3A_20 : i32 to index
        %get3A_29 = arith.constant 0 : index
        %get3A_30 = tpu.vector_load %arg8[%get3A_28, %get3A_29] {strides = array<i32>} : memref<313x16xf32, #tpu.memory_space<vmem>>, vector<16xf32>,
        %mul3A_31 = arith.mulf %add3A_27, %get3A_30 : vector<16xf32>
        %add3A_32 = arith.addf %mul3A_31, %get3A_0 : vector<16xf32>
        %swap3A = arith.index_cast %scan3A_20 : i32 to index
        %swap3A_33 = arith.constant 0 : index
        %swap3A_34 = tpu.vector_load %arg10[%swap3A, %swap3A_33] {strides = array<i32>} : memref<313x16xf32, #tpu.memory_space<vmem>>, vector<16xf32>,
        tpu.vector_store %arg10[%swap3A, %swap3A_33], %add3A_32 {strides = array<i32>} : memref<313x16xf32, #tpu.memory_space<vmem>>, vector<16xf32>,
      }
      %scan3A_19 = arith.constant 313 : i32
      "tpu.region"() ({
        %run_scoped3A_20 = tpu.sem_alloc : memref<!tpu.dma_semaphore, #tpu.memory_space<semaphore_mem>>
        %dma_start3A = arith.constant 0 : i32
        %dma_start3A_21 = arith.constant 0 : i32
        %dma_start3A_22 = tpu.memref_slice %arg10[%dma_start3A, %dma_start3A_21] : memref<313x16xf32, #tpu.memory_space<vmem>> -> memref<313x16xf32, #tpu.memory_space<vmem>>
        %dma_start3A_23 = arith.constant 0 : i32
        %dma_start3A_24 = tpu.memref_slice %arg5[%add3A_9, %dma_start3A_23] : memref<10000x16xf32, #tpu.memory_space<hbm>> -> memref<313x16xf32, #tpu.memory_space<hbm>>
        %dma_start3A_25 = arith.constant 0 : i32
        %dma_start3A_26 = tpu.memref_slice %arg5[%add3A_9, %dma_start3A_25] : memref<10000x16xf32, #tpu.memory_space<hbm>> -> memref<313x16xf32, #tpu.memory_space<hbm>>
        %dma_start3A_27 = arith.constant 0 : i32
        %dma_start3A_28 = arith.constant 0 : i32
        %dma_start3A_29 = tpu.memref_slice %arg10[%dma_start3A_27, %dma_start3A_28] : memref<313x16xf32, #tpu.memory_space<vmem>> -> memref<313x16xf32, #tpu.memory_space<vmem>>
        tpu.enqueue_dma source(%dma_start3A_29 : memref<313x16xf32, #tpu.memory_space<vmem>>) target(%dma_start3A_26 : memref<313x16xf32, #tpu.memory_space<hbm>>) target_semaphore(%run_scoped3A_20 : memref<!tpu.dma_semaphore, #tpu.memory_space<semaphore_mem>>)
        %dma_wait3A = arith.constant 0 : i32
        %dma_wait3A_30 = arith.constant 0 : i32
        %dma_wait3A_31 = tpu.memref_slice %arg10[%dma_wait3A, %dma_wait3A_30] : memref<313x16xf32, #tpu.memory_space<vmem>> -> memref<313x16xf32, #tpu.memory_space<vmem>>
        %dma_wait3A_32 = arith.constant 0 : i32
        %dma_wait3A_33 = tpu.memref_slice %arg5[%add3A_9, %dma_wait3A_32] : memref<10000x16xf32, #tpu.memory_space<hbm>> -> memref<313x16xf32, #tpu.memory_space<hbm>>
        %dma_wait3A_34 = arith.constant 0 : i32
        %dma_wait3A_35 = tpu.memref_slice %arg5[%add3A_9, %dma_wait3A_34] : memref<10000x16xf32, #tpu.memory_space<hbm>> -> memref<313x16xf32, #tpu.memory_space<hbm>>
        %dma_wait3A_36 = arith.constant 0 : i32
        %dma_wait3A_37 = arith.constant 0 : i32
        %dma_wait3A_38 = tpu.memref_slice %arg10[%dma_wait3A_36, %dma_wait3A_37] : memref<313x16xf32, #tpu.memory_space<vmem>> -> memref<313x16xf32, #tpu.memory_space<vmem>>
        tpu.wait_dma2 semaphore(%run_scoped3A_20 : memref<!tpu.dma_semaphore, #tpu.memory_space<semaphore_mem>>) src(%dma_wait3A_38 : memref<313x16xf32, #tpu.memory_space<vmem>>) dst(%dma_wait3A_35 : memref<313x16xf32, #tpu.memory_space<hbm>>)
        tpu.yield
      }) : () -> ()
    } else {
    }
    return
  }
}

#map = affine_map<(d0, d1) -> (0, 0)>
module attributes {stable_mosaic.version = 14 : i64} {
  func.func @_deg_body(%arg0: i32, %arg1: i32, %arg2: memref<32x10000xi32, #tpu.memory_space<hbm>>, %arg3: memref<32x10000xi32, #tpu.memory_space<hbm>>, %arg4: memref<2x10000xf32, #tpu.memory_space<hbm>>, %arg5: memref<2x10000xf32, #tpu.memory_space<hbm>>, %arg6: memref<10000xi32, #tpu.memory_space<vmem>>, %arg7: memref<10000xi32, #tpu.memory_space<vmem>>, %arg8: memref<10000xf32, #tpu.memory_space<vmem>>, %arg9: memref<10000xf32, #tpu.memory_space<vmem>>, %arg10: memref<16x640xf32, #tpu.memory_space<vmem>>, %arg11: memref<640xf32, #tpu.memory_space<vmem>>, %arg12: memref<16x10000xf32, #tpu.memory_space<vmem_shared>>, %arg13: memref<16x10000xf32, #tpu.memory_space<vmem_shared>>) attributes {dimension_semantics = [#tpu.dimension_semantics<core_parallel>, #tpu.dimension_semantics<subcore_parallel>], iteration_bounds = array<i64: 2, 16>, scalar_prefetch = 0 : i64, scratch_operands = 8 : i64, tpu.core_type = #tpu.core_type<sc_vector_subcore>, window_params = [{transform_indices = #map}, {transform_indices = #map}, {transform_indices = #map}, {transform_indices = #map}]} {
    %mul3A = arith.constant 16 : i32
    %mul3A_0 = arith.muli %arg0, %mul3A : i32
    %add3A = arith.addi %mul3A_0, %arg1 : i32
    "tpu.region"() ({
      %run_scoped3A = tpu.sem_alloc : memref<!tpu.dma_semaphore, #tpu.memory_space<semaphore_mem>>
      %dma_start3A = arith.constant 0 : i32
      %dma_start3A_21 = tpu.memref_slice %arg2[%add3A, %dma_start3A] : memref<32x10000xi32, #tpu.memory_space<hbm>> -> memref<1x10000xi32, #tpu.memory_space<hbm>>
      %dma_start3A_22 = tpu.memref_squeeze %dma_start3A_21 : memref<1x10000xi32, #tpu.memory_space<hbm>> -> memref<10000xi32, #tpu.memory_space<hbm>>
      %dma_start3A_23 = arith.constant 0 : i32
      %dma_start3A_24 = tpu.memref_slice %arg2[%add3A, %dma_start3A_23] : memref<32x10000xi32, #tpu.memory_space<hbm>> -> memref<1x10000xi32, #tpu.memory_space<hbm>>
      %dma_start3A_25 = tpu.memref_squeeze %dma_start3A_24 : memref<1x10000xi32, #tpu.memory_space<hbm>> -> memref<10000xi32, #tpu.memory_space<hbm>>
      tpu.enqueue_dma source(%dma_start3A_25 : memref<10000xi32, #tpu.memory_space<hbm>>) target(%arg6 : memref<10000xi32, #tpu.memory_space<vmem>>) target_semaphore(%run_scoped3A : memref<!tpu.dma_semaphore, #tpu.memory_space<semaphore_mem>>)
      %dma_wait3A = arith.constant 0 : i32
      %dma_wait3A_26 = tpu.memref_slice %arg2[%add3A, %dma_wait3A] : memref<32x10000xi32, #tpu.memory_space<hbm>> -> memref<1x10000xi32, #tpu.memory_space<hbm>>
      %dma_wait3A_27 = tpu.memref_squeeze %dma_wait3A_26 : memref<1x10000xi32, #tpu.memory_space<hbm>> -> memref<10000xi32, #tpu.memory_space<hbm>>
      %dma_wait3A_28 = arith.constant 0 : i32
      %dma_wait3A_29 = tpu.memref_slice %arg2[%add3A, %dma_wait3A_28] : memref<32x10000xi32, #tpu.memory_space<hbm>> -> memref<1x10000xi32, #tpu.memory_space<hbm>>
      %dma_wait3A_30 = tpu.memref_squeeze %dma_wait3A_29 : memref<1x10000xi32, #tpu.memory_space<hbm>> -> memref<10000xi32, #tpu.memory_space<hbm>>
      tpu.wait_dma2 semaphore(%run_scoped3A : memref<!tpu.dma_semaphore, #tpu.memory_space<semaphore_mem>>) src(%dma_wait3A_30 : memref<10000xi32, #tpu.memory_space<hbm>>) dst(%arg6 : memref<10000xi32, #tpu.memory_space<vmem>>)
      tpu.yield
    }) : () -> ()
    "tpu.region"() ({
      %run_scoped3A = tpu.sem_alloc : memref<!tpu.dma_semaphore, #tpu.memory_space<semaphore_mem>>
      %dma_start3A = arith.constant 0 : i32
      %dma_start3A_21 = tpu.memref_slice %arg3[%add3A, %dma_start3A] : memref<32x10000xi32, #tpu.memory_space<hbm>> -> memref<1x10000xi32, #tpu.memory_space<hbm>>
      %dma_start3A_22 = tpu.memref_squeeze %dma_start3A_21 : memref<1x10000xi32, #tpu.memory_space<hbm>> -> memref<10000xi32, #tpu.memory_space<hbm>>
      %dma_start3A_23 = arith.constant 0 : i32
      %dma_start3A_24 = tpu.memref_slice %arg3[%add3A, %dma_start3A_23] : memref<32x10000xi32, #tpu.memory_space<hbm>> -> memref<1x10000xi32, #tpu.memory_space<hbm>>
      %dma_start3A_25 = tpu.memref_squeeze %dma_start3A_24 : memref<1x10000xi32, #tpu.memory_space<hbm>> -> memref<10000xi32, #tpu.memory_space<hbm>>
      tpu.enqueue_dma source(%dma_start3A_25 : memref<10000xi32, #tpu.memory_space<hbm>>) target(%arg7 : memref<10000xi32, #tpu.memory_space<vmem>>) target_semaphore(%run_scoped3A : memref<!tpu.dma_semaphore, #tpu.memory_space<semaphore_mem>>)
      %dma_wait3A = arith.constant 0 : i32
      %dma_wait3A_26 = tpu.memref_slice %arg3[%add3A, %dma_wait3A] : memref<32x10000xi32, #tpu.memory_space<hbm>> -> memref<1x10000xi32, #tpu.memory_space<hbm>>
      %dma_wait3A_27 = tpu.memref_squeeze %dma_wait3A_26 : memref<1x10000xi32, #tpu.memory_space<hbm>> -> memref<10000xi32, #tpu.memory_space<hbm>>
      %dma_wait3A_28 = arith.constant 0 : i32
      %dma_wait3A_29 = tpu.memref_slice %arg3[%add3A, %dma_wait3A_28] : memref<32x10000xi32, #tpu.memory_space<hbm>> -> memref<1x10000xi32, #tpu.memory_space<hbm>>
      %dma_wait3A_30 = tpu.memref_squeeze %dma_wait3A_29 : memref<1x10000xi32, #tpu.memory_space<hbm>> -> memref<10000xi32, #tpu.memory_space<hbm>>
      tpu.wait_dma2 semaphore(%run_scoped3A : memref<!tpu.dma_semaphore, #tpu.memory_space<semaphore_mem>>) src(%dma_wait3A_30 : memref<10000xi32, #tpu.memory_space<hbm>>) dst(%arg7 : memref<10000xi32, #tpu.memory_space<vmem>>)
      tpu.yield
    }) : () -> ()
    %broadcast_in_dim3A = arith.constant 0.000000e+00 : f32
    %broadcast_in_dim3A_1 = vector.broadcast %broadcast_in_dim3A : f32 to vector<16xf32>
    %broadcast_in_dim3A_2 = arith.constant 1.000000e+00 : f32
    %broadcast_in_dim3A_3 = vector.broadcast %broadcast_in_dim3A_2 : f32 to vector<16xf32>
    %scan3A = arith.constant 0 : i32
    %scan3A_4 = arith.constant 0 : i32
    %scan3A_5 = arith.constant 125 : i32
    %scan3A_6 = arith.addi %scan3A_4, %scan3A_5 : i32
    %scan3A_7 = arith.constant 1 : i32
    scf.for %scan3A_21 = %scan3A_4 to %scan3A_6 step %scan3A_7  : i32 {
      %mul3A_22 = arith.constant 80 : i32
      %mul3A_23 = arith.muli %scan3A_21, %mul3A_22 : i32
      %add3A_24 = arith.constant 0 : i32
      %add3A_25 = arith.addi %mul3A_23, %add3A_24 : i32
      %swap3A = arith.index_cast %add3A_25 : i32 to index
      %swap3A_26 = tpu.vector_load %arg8[%swap3A] {strides = array<i32>} : memref<10000xf32, #tpu.memory_space<vmem>>, vector<16xf32>,
      tpu.vector_store %arg8[%swap3A], %broadcast_in_dim3A_1 {strides = array<i32>} : memref<10000xf32, #tpu.memory_space<vmem>>, vector<16xf32>,
      %add3A_27 = arith.constant 0 : i32
      %add3A_28 = arith.addi %mul3A_23, %add3A_27 : i32
      %swap3A_29 = arith.index_cast %add3A_28 : i32 to index
      %swap3A_30 = tpu.vector_load %arg9[%swap3A_29] {strides = array<i32>} : memref<10000xf32, #tpu.memory_space<vmem>>, vector<16xf32>,
      tpu.vector_store %arg9[%swap3A_29], %broadcast_in_dim3A_1 {strides = array<i32>} : memref<10000xf32, #tpu.memory_space<vmem>>, vector<16xf32>,
      %add3A_31 = arith.constant 16 : i32
      %add3A_32 = arith.addi %mul3A_23, %add3A_31 : i32
      %swap3A_33 = arith.index_cast %add3A_32 : i32 to index
      %swap3A_34 = tpu.vector_load %arg8[%swap3A_33] {strides = array<i32>} : memref<10000xf32, #tpu.memory_space<vmem>>, vector<16xf32>,
      tpu.vector_store %arg8[%swap3A_33], %broadcast_in_dim3A_1 {strides = array<i32>} : memref<10000xf32, #tpu.memory_space<vmem>>, vector<16xf32>,
      %add3A_35 = arith.constant 16 : i32
      %add3A_36 = arith.addi %mul3A_23, %add3A_35 : i32
      %swap3A_37 = arith.index_cast %add3A_36 : i32 to index
      %swap3A_38 = tpu.vector_load %arg9[%swap3A_37] {strides = array<i32>} : memref<10000xf32, #tpu.memory_space<vmem>>, vector<16xf32>,
      tpu.vector_store %arg9[%swap3A_37], %broadcast_in_dim3A_1 {strides = array<i32>} : memref<10000xf32, #tpu.memory_space<vmem>>, vector<16xf32>,
      %add3A_39 = arith.constant 32 : i32
      %add3A_40 = arith.addi %mul3A_23, %add3A_39 : i32
      %swap3A_41 = arith.index_cast %add3A_40 : i32 to index
      %swap3A_42 = tpu.vector_load %arg8[%swap3A_41] {strides = array<i32>} : memref<10000xf32, #tpu.memory_space<vmem>>, vector<16xf32>,
      tpu.vector_store %arg8[%swap3A_41], %broadcast_in_dim3A_1 {strides = array<i32>} : memref<10000xf32, #tpu.memory_space<vmem>>, vector<16xf32>,
      %add3A_43 = arith.constant 32 : i32
      %add3A_44 = arith.addi %mul3A_23, %add3A_43 : i32
      %swap3A_45 = arith.index_cast %add3A_44 : i32 to index
      %swap3A_46 = tpu.vector_load %arg9[%swap3A_45] {strides = array<i32>} : memref<10000xf32, #tpu.memory_space<vmem>>, vector<16xf32>,
      tpu.vector_store %arg9[%swap3A_45], %broadcast_in_dim3A_1 {strides = array<i32>} : memref<10000xf32, #tpu.memory_space<vmem>>, vector<16xf32>,
      %add3A_47 = arith.constant 48 : i32
      %add3A_48 = arith.addi %mul3A_23, %add3A_47 : i32
      %swap3A_49 = arith.index_cast %add3A_48 : i32 to index
      %swap3A_50 = tpu.vector_load %arg8[%swap3A_49] {strides = array<i32>} : memref<10000xf32, #tpu.memory_space<vmem>>, vector<16xf32>,
      tpu.vector_store %arg8[%swap3A_49], %broadcast_in_dim3A_1 {strides = array<i32>} : memref<10000xf32, #tpu.memory_space<vmem>>, vector<16xf32>,
      %add3A_51 = arith.constant 48 : i32
      %add3A_52 = arith.addi %mul3A_23, %add3A_51 : i32
      %swap3A_53 = arith.index_cast %add3A_52 : i32 to index
      %swap3A_54 = tpu.vector_load %arg9[%swap3A_53] {strides = array<i32>} : memref<10000xf32, #tpu.memory_space<vmem>>, vector<16xf32>,
      tpu.vector_store %arg9[%swap3A_53], %broadcast_in_dim3A_1 {strides = array<i32>} : memref<10000xf32, #tpu.memory_space<vmem>>, vector<16xf32>,
      %add3A_55 = arith.constant 64 : i32
      %add3A_56 = arith.addi %mul3A_23, %add3A_55 : i32
      %swap3A_57 = arith.index_cast %add3A_56 : i32 to index
      %swap3A_58 = tpu.vector_load %arg8[%swap3A_57] {strides = array<i32>} : memref<10000xf32, #tpu.memory_space<vmem>>, vector<16xf32>,
      tpu.vector_store %arg8[%swap3A_57], %broadcast_in_dim3A_1 {strides = array<i32>} : memref<10000xf32, #tpu.memory_space<vmem>>, vector<16xf32>,
      %add3A_59 = arith.constant 64 : i32
      %add3A_60 = arith.addi %mul3A_23, %add3A_59 : i32
      %swap3A_61 = arith.index_cast %add3A_60 : i32 to index
      %swap3A_62 = tpu.vector_load %arg9[%swap3A_61] {strides = array<i32>} : memref<10000xf32, #tpu.memory_space<vmem>>, vector<16xf32>,
      tpu.vector_store %arg9[%swap3A_61], %broadcast_in_dim3A_1 {strides = array<i32>} : memref<10000xf32, #tpu.memory_space<vmem>>, vector<16xf32>,
    }
    %scan3A_8 = arith.constant 125 : i32
    %scan3A_9 = arith.constant 0 : i32
    %scan3A_10 = arith.constant 0 : i32
    %scan3A_11 = arith.constant 125 : i32
    %scan3A_12 = arith.addi %scan3A_10, %scan3A_11 : i32
    %scan3A_13 = arith.constant 1 : i32
    scf.for %scan3A_21 = %scan3A_10 to %scan3A_12 step %scan3A_13  : i32 {
      %mul3A_22 = arith.constant 80 : i32
      %mul3A_23 = arith.muli %scan3A_21, %mul3A_22 : i32
      %add3A_24 = arith.constant 0 : i32
      %add3A_25 = arith.addi %mul3A_23, %add3A_24 : i32
      %get3A = arith.index_cast %add3A_25 : i32 to index
      %get3A_26 = tpu.vector_load %arg6[%get3A] {strides = array<i32>} : memref<10000xi32, #tpu.memory_space<vmem>>, vector<16xi32>,
      tpu.vector_store_idx %arg8[%get3A_26], %broadcast_in_dim3A_3 {add = true} : memref<10000xf32, #tpu.memory_space<vmem>>[vector<16xi32>], vector<16xf32>,
      %add3A_27 = arith.constant 0 : i32
      %add3A_28 = arith.addi %mul3A_23, %add3A_27 : i32
      %get3A_29 = arith.index_cast %add3A_28 : i32 to index
      %get3A_30 = tpu.vector_load %arg7[%get3A_29] {strides = array<i32>} : memref<10000xi32, #tpu.memory_space<vmem>>, vector<16xi32>,
      tpu.vector_store_idx %arg9[%get3A_30], %broadcast_in_dim3A_3 {add = true} : memref<10000xf32, #tpu.memory_space<vmem>>[vector<16xi32>], vector<16xf32>,
      %add3A_31 = arith.constant 16 : i32
      %add3A_32 = arith.addi %mul3A_23, %add3A_31 : i32
      %get3A_33 = arith.index_cast %add3A_32 : i32 to index
      %get3A_34 = tpu.vector_load %arg6[%get3A_33] {strides = array<i32>} : memref<10000xi32, #tpu.memory_space<vmem>>, vector<16xi32>,
      tpu.vector_store_idx %arg8[%get3A_34], %broadcast_in_dim3A_3 {add = true} : memref<10000xf32, #tpu.memory_space<vmem>>[vector<16xi32>], vector<16xf32>,
      %add3A_35 = arith.constant 16 : i32
      %add3A_36 = arith.addi %mul3A_23, %add3A_35 : i32
      %get3A_37 = arith.index_cast %add3A_36 : i32 to index
      %get3A_38 = tpu.vector_load %arg7[%get3A_37] {strides = array<i32>} : memref<10000xi32, #tpu.memory_space<vmem>>, vector<16xi32>,
      tpu.vector_store_idx %arg9[%get3A_38], %broadcast_in_dim3A_3 {add = true} : memref<10000xf32, #tpu.memory_space<vmem>>[vector<16xi32>], vector<16xf32>,
      %add3A_39 = arith.constant 32 : i32
      %add3A_40 = arith.addi %mul3A_23, %add3A_39 : i32
      %get3A_41 = arith.index_cast %add3A_40 : i32 to index
      %get3A_42 = tpu.vector_load %arg6[%get3A_41] {strides = array<i32>} : memref<10000xi32, #tpu.memory_space<vmem>>, vector<16xi32>,
      tpu.vector_store_idx %arg8[%get3A_42], %broadcast_in_dim3A_3 {add = true} : memref<10000xf32, #tpu.memory_space<vmem>>[vector<16xi32>], vector<16xf32>,
      %add3A_43 = arith.constant 32 : i32
      %add3A_44 = arith.addi %mul3A_23, %add3A_43 : i32
      %get3A_45 = arith.index_cast %add3A_44 : i32 to index
      %get3A_46 = tpu.vector_load %arg7[%get3A_45] {strides = array<i32>} : memref<10000xi32, #tpu.memory_space<vmem>>, vector<16xi32>,
      tpu.vector_store_idx %arg9[%get3A_46], %broadcast_in_dim3A_3 {add = true} : memref<10000xf32, #tpu.memory_space<vmem>>[vector<16xi32>], vector<16xf32>,
      %add3A_47 = arith.constant 48 : i32
      %add3A_48 = arith.addi %mul3A_23, %add3A_47 : i32
      %get3A_49 = arith.index_cast %add3A_48 : i32 to index
      %get3A_50 = tpu.vector_load %arg6[%get3A_49] {strides = array<i32>} : memref<10000xi32, #tpu.memory_space<vmem>>, vector<16xi32>,
      tpu.vector_store_idx %arg8[%get3A_50], %broadcast_in_dim3A_3 {add = true} : memref<10000xf32, #tpu.memory_space<vmem>>[vector<16xi32>], vector<16xf32>,
      %add3A_51 = arith.constant 48 : i32
      %add3A_52 = arith.addi %mul3A_23, %add3A_51 : i32
      %get3A_53 = arith.index_cast %add3A_52 : i32 to index
      %get3A_54 = tpu.vector_load %arg7[%get3A_53] {strides = array<i32>} : memref<10000xi32, #tpu.memory_space<vmem>>, vector<16xi32>,
      tpu.vector_store_idx %arg9[%get3A_54], %broadcast_in_dim3A_3 {add = true} : memref<10000xf32, #tpu.memory_space<vmem>>[vector<16xi32>], vector<16xf32>,
      %add3A_55 = arith.constant 64 : i32
      %add3A_56 = arith.addi %mul3A_23, %add3A_55 : i32
      %get3A_57 = arith.index_cast %add3A_56 : i32 to index
      %get3A_58 = tpu.vector_load %arg6[%get3A_57] {strides = array<i32>} : memref<10000xi32, #tpu.memory_space<vmem>>, vector<16xi32>,
      tpu.vector_store_idx %arg8[%get3A_58], %broadcast_in_dim3A_3 {add = true} : memref<10000xf32, #tpu.memory_space<vmem>>[vector<16xi32>], vector<16xf32>,
      %add3A_59 = arith.constant 64 : i32
      %add3A_60 = arith.addi %mul3A_23, %add3A_59 : i32
      %get3A_61 = arith.index_cast %add3A_60 : i32 to index
      %get3A_62 = tpu.vector_load %arg7[%get3A_61] {strides = array<i32>} : memref<10000xi32, #tpu.memory_space<vmem>>, vector<16xi32>,
      tpu.vector_store_idx %arg9[%get3A_62], %broadcast_in_dim3A_3 {add = true} : memref<10000xf32, #tpu.memory_space<vmem>>[vector<16xi32>], vector<16xf32>,
    }
    %scan3A_14 = arith.constant 125 : i32
    "tpu.region"() ({
      %run_scoped3A = tpu.sem_alloc : memref<!tpu.dma_semaphore, #tpu.memory_space<semaphore_mem>>
      %dma_start3A = arith.constant 0 : i32
      %dma_start3A_21 = tpu.memref_slice %arg12[%arg1, %dma_start3A] : memref<16x10000xf32, #tpu.memory_space<vmem_shared>> -> memref<1x10000xf32, #tpu.memory_space<vmem_shared>>
      %dma_start3A_22 = tpu.memref_squeeze %dma_start3A_21 : memref<1x10000xf32, #tpu.memory_space<vmem_shared>> -> memref<10000xf32, #tpu.memory_space<vmem_shared>>
      %dma_start3A_23 = arith.constant 0 : i32
      %dma_start3A_24 = tpu.memref_slice %arg12[%arg1, %dma_start3A_23] : memref<16x10000xf32, #tpu.memory_space<vmem_shared>> -> memref<1x10000xf32, #tpu.memory_space<vmem_shared>>
      %dma_start3A_25 = tpu.memref_squeeze %dma_start3A_24 : memref<1x10000xf32, #tpu.memory_space<vmem_shared>> -> memref<10000xf32, #tpu.memory_space<vmem_shared>>
      tpu.enqueue_dma source(%arg8 : memref<10000xf32, #tpu.memory_space<vmem>>) target(%dma_start3A_25 : memref<10000xf32, #tpu.memory_space<vmem_shared>>) target_semaphore(%run_scoped3A : memref<!tpu.dma_semaphore, #tpu.memory_space<semaphore_mem>>)
      %dma_wait3A = arith.constant 0 : i32
      %dma_wait3A_26 = tpu.memref_slice %arg12[%arg1, %dma_wait3A] : memref<16x10000xf32, #tpu.memory_space<vmem_shared>> -> memref<1x10000xf32, #tpu.memory_space<vmem_shared>>
      %dma_wait3A_27 = tpu.memref_squeeze %dma_wait3A_26 : memref<1x10000xf32, #tpu.memory_space<vmem_shared>> -> memref<10000xf32, #tpu.memory_space<vmem_shared>>
      %dma_wait3A_28 = arith.constant 0 : i32
      %dma_wait3A_29 = tpu.memref_slice %arg12[%arg1, %dma_wait3A_28] : memref<16x10000xf32, #tpu.memory_space<vmem_shared>> -> memref<1x10000xf32, #tpu.memory_space<vmem_shared>>
      %dma_wait3A_30 = tpu.memref_squeeze %dma_wait3A_29 : memref<1x10000xf32, #tpu.memory_space<vmem_shared>> -> memref<10000xf32, #tpu.memory_space<vmem_shared>>
      tpu.wait_dma2 semaphore(%run_scoped3A : memref<!tpu.dma_semaphore, #tpu.memory_space<semaphore_mem>>) src(%arg8 : memref<10000xf32, #tpu.memory_space<vmem>>) dst(%dma_wait3A_30 : memref<10000xf32, #tpu.memory_space<vmem_shared>>)
      tpu.yield
    }) : () -> ()
    "tpu.region"() ({
      %run_scoped3A = tpu.sem_alloc : memref<!tpu.dma_semaphore, #tpu.memory_space<semaphore_mem>>
      %dma_start3A = arith.constant 0 : i32
      %dma_start3A_21 = tpu.memref_slice %arg13[%arg1, %dma_start3A] : memref<16x10000xf32, #tpu.memory_space<vmem_shared>> -> memref<1x10000xf32, #tpu.memory_space<vmem_shared>>
      %dma_start3A_22 = tpu.memref_squeeze %dma_start3A_21 : memref<1x10000xf32, #tpu.memory_space<vmem_shared>> -> memref<10000xf32, #tpu.memory_space<vmem_shared>>
      %dma_start3A_23 = arith.constant 0 : i32
      %dma_start3A_24 = tpu.memref_slice %arg13[%arg1, %dma_start3A_23] : memref<16x10000xf32, #tpu.memory_space<vmem_shared>> -> memref<1x10000xf32, #tpu.memory_space<vmem_shared>>
      %dma_start3A_25 = tpu.memref_squeeze %dma_start3A_24 : memref<1x10000xf32, #tpu.memory_space<vmem_shared>> -> memref<10000xf32, #tpu.memory_space<vmem_shared>>
      tpu.enqueue_dma source(%arg9 : memref<10000xf32, #tpu.memory_space<vmem>>) target(%dma_start3A_25 : memref<10000xf32, #tpu.memory_space<vmem_shared>>) target_semaphore(%run_scoped3A : memref<!tpu.dma_semaphore, #tpu.memory_space<semaphore_mem>>)
      %dma_wait3A = arith.constant 0 : i32
      %dma_wait3A_26 = tpu.memref_slice %arg13[%arg1, %dma_wait3A] : memref<16x10000xf32, #tpu.memory_space<vmem_shared>> -> memref<1x10000xf32, #tpu.memory_space<vmem_shared>>
      %dma_wait3A_27 = tpu.memref_squeeze %dma_wait3A_26 : memref<1x10000xf32, #tpu.memory_space<vmem_shared>> -> memref<10000xf32, #tpu.memory_space<vmem_shared>>
      %dma_wait3A_28 = arith.constant 0 : i32
      %dma_wait3A_29 = tpu.memref_slice %arg13[%arg1, %dma_wait3A_28] : memref<16x10000xf32, #tpu.memory_space<vmem_shared>> -> memref<1x10000xf32, #tpu.memory_space<vmem_shared>>
      %dma_wait3A_30 = tpu.memref_squeeze %dma_wait3A_29 : memref<1x10000xf32, #tpu.memory_space<vmem_shared>> -> memref<10000xf32, #tpu.memory_space<vmem_shared>>
      tpu.wait_dma2 semaphore(%run_scoped3A : memref<!tpu.dma_semaphore, #tpu.memory_space<semaphore_mem>>) src(%arg9 : memref<10000xf32, #tpu.memory_space<vmem>>) dst(%dma_wait3A_30 : memref<10000xf32, #tpu.memory_space<vmem_shared>>)
      tpu.yield
    }) : () -> ()
    %barrier3A = arith.constant 0 : index
    tpu.barrier barrier_id(%barrier3A)
    %lt3A = arith.constant 15 : i32
    %lt3A_15 = arith.cmpi slt, %arg1, %lt3A : i32
    %convert_element_type3A = arith.extui %lt3A_15 : i1 to i32
    %cond3A = arith.constant 0 : i32
    %cond3A_16 = arith.cmpi ne, %convert_element_type3A, %cond3A : i32
    scf.if %cond3A_16 {
      %mul3A_21 = arith.constant 640 : i32
      %mul3A_22 = arith.muli %arg1, %mul3A_21 : i32
      "tpu.region"() ({
        %run_scoped3A = tpu.sem_alloc : memref<!tpu.dma_semaphore, #tpu.memory_space<semaphore_mem>>
        %dma_start3A = arith.constant 0 : i32
        %dma_start3A_37 = arith.constant 0 : i32
        %dma_start3A_38 = tpu.memref_slice %arg10[%dma_start3A, %dma_start3A_37] : memref<16x640xf32, #tpu.memory_space<vmem>> -> memref<16x640xf32, #tpu.memory_space<vmem>>
        %dma_start3A_39 = arith.constant 0 : i32
        %dma_start3A_40 = tpu.memref_slice %arg12[%dma_start3A_39, %mul3A_22] : memref<16x10000xf32, #tpu.memory_space<vmem_shared>> -> memref<16x640xf32, #tpu.memory_space<vmem_shared>>
        %dma_start3A_41 = arith.constant 0 : i32
        %dma_start3A_42 = arith.constant 0 : i32
        %dma_start3A_43 = tpu.memref_slice %arg10[%dma_start3A_41, %dma_start3A_42] : memref<16x640xf32, #tpu.memory_space<vmem>> -> memref<16x640xf32, #tpu.memory_space<vmem>>
        %dma_start3A_44 = arith.constant 0 : i32
        %dma_start3A_45 = tpu.memref_slice %arg12[%dma_start3A_44, %mul3A_22] : memref<16x10000xf32, #tpu.memory_space<vmem_shared>> -> memref<16x640xf32, #tpu.memory_space<vmem_shared>>
        tpu.enqueue_dma source(%dma_start3A_45 : memref<16x640xf32, #tpu.memory_space<vmem_shared>>) target(%dma_start3A_43 : memref<16x640xf32, #tpu.memory_space<vmem>>) target_semaphore(%run_scoped3A : memref<!tpu.dma_semaphore, #tpu.memory_space<semaphore_mem>>)
        %dma_wait3A = arith.constant 0 : i32
        %dma_wait3A_46 = arith.constant 0 : i32
        %dma_wait3A_47 = tpu.memref_slice %arg10[%dma_wait3A, %dma_wait3A_46] : memref<16x640xf32, #tpu.memory_space<vmem>> -> memref<16x640xf32, #tpu.memory_space<vmem>>
        %dma_wait3A_48 = arith.constant 0 : i32
        %dma_wait3A_49 = tpu.memref_slice %arg12[%dma_wait3A_48, %mul3A_22] : memref<16x10000xf32, #tpu.memory_space<vmem_shared>> -> memref<16x640xf32, #tpu.memory_space<vmem_shared>>
        %dma_wait3A_50 = arith.constant 0 : i32
        %dma_wait3A_51 = arith.constant 0 : i32
        %dma_wait3A_52 = tpu.memref_slice %arg10[%dma_wait3A_50, %dma_wait3A_51] : memref<16x640xf32, #tpu.memory_space<vmem>> -> memref<16x640xf32, #tpu.memory_space<vmem>>
        %dma_wait3A_53 = arith.constant 0 : i32
        %dma_wait3A_54 = tpu.memref_slice %arg12[%dma_wait3A_53, %mul3A_22] : memref<16x10000xf32, #tpu.memory_space<vmem_shared>> -> memref<16x640xf32, #tpu.memory_space<vmem_shared>>
        tpu.wait_dma2 semaphore(%run_scoped3A : memref<!tpu.dma_semaphore, #tpu.memory_space<semaphore_mem>>) src(%dma_wait3A_54 : memref<16x640xf32, #tpu.memory_space<vmem_shared>>) dst(%dma_wait3A_52 : memref<16x640xf32, #tpu.memory_space<vmem>>)
        tpu.yield
      }) : () -> ()
      %scan3A_23 = arith.constant 0 : i32
      %scan3A_24 = arith.constant 0 : i32
      %scan3A_25 = arith.constant 40 : i32
      %scan3A_26 = arith.addi %scan3A_24, %scan3A_25 : i32
      %scan3A_27 = arith.constant 1 : i32
      scf.for %scan3A_37 = %scan3A_24 to %scan3A_26 step %scan3A_27  : i32 {
        %mul3A_38 = arith.constant 16 : i32
        %mul3A_39 = arith.muli %scan3A_37, %mul3A_38 : i32
        %get3A = arith.constant 0 : i32
        %get3A_40 = arith.index_cast %get3A : i32 to index
        %get3A_41 = arith.index_cast %mul3A_39 : i32 to index
        %get3A_42 = tpu.vector_load %arg10[%get3A_40, %get3A_41] {strides = array<i32>} : memref<16x640xf32, #tpu.memory_space<vmem>>, vector<16xf32>,
        %mul3A_43 = arith.constant 16 : i32
        %mul3A_44 = arith.muli %scan3A_37, %mul3A_43 : i32
        %get3A_45 = arith.constant 1 : i32
        %get3A_46 = arith.index_cast %get3A_45 : i32 to index
        %get3A_47 = arith.index_cast %mul3A_44 : i32 to index
        %get3A_48 = tpu.vector_load %arg10[%get3A_46, %get3A_47] {strides = array<i32>} : memref<16x640xf32, #tpu.memory_space<vmem>>, vector<16xf32>,
        %add3A_49 = arith.addf %get3A_42, %get3A_48 : vector<16xf32>
        %mul3A_50 = arith.constant 16 : i32
        %mul3A_51 = arith.muli %scan3A_37, %mul3A_50 : i32
        %get3A_52 = arith.constant 2 : i32
        %get3A_53 = arith.index_cast %get3A_52 : i32 to index
        %get3A_54 = arith.index_cast %mul3A_51 : i32 to index
        %get3A_55 = tpu.vector_load %arg10[%get3A_53, %get3A_54] {strides = array<i32>} : memref<16x640xf32, #tpu.memory_space<vmem>>, vector<16xf32>,
        %add3A_56 = arith.addf %add3A_49, %get3A_55 : vector<16xf32>
        %mul3A_57 = arith.constant 16 : i32
        %mul3A_58 = arith.muli %scan3A_37, %mul3A_57 : i32
        %get3A_59 = arith.constant 3 : i32
        %get3A_60 = arith.index_cast %get3A_59 : i32 to index
        %get3A_61 = arith.index_cast %mul3A_58 : i32 to index
        %get3A_62 = tpu.vector_load %arg10[%get3A_60, %get3A_61] {strides = array<i32>} : memref<16x640xf32, #tpu.memory_space<vmem>>, vector<16xf32>,
        %add3A_63 = arith.addf %add3A_56, %get3A_62 : vector<16xf32>
        %mul3A_64 = arith.constant 16 : i32
        %mul3A_65 = arith.muli %scan3A_37, %mul3A_64 : i32
        %get3A_66 = arith.constant 4 : i32
        %get3A_67 = arith.index_cast %get3A_66 : i32 to index
        %get3A_68 = arith.index_cast %mul3A_65 : i32 to index
        %get3A_69 = tpu.vector_load %arg10[%get3A_67, %get3A_68] {strides = array<i32>} : memref<16x640xf32, #tpu.memory_space<vmem>>, vector<16xf32>,
        %add3A_70 = arith.addf %add3A_63, %get3A_69 : vector<16xf32>
        %mul3A_71 = arith.constant 16 : i32
        %mul3A_72 = arith.muli %scan3A_37, %mul3A_71 : i32
        %get3A_73 = arith.constant 5 : i32
        %get3A_74 = arith.index_cast %get3A_73 : i32 to index
        %get3A_75 = arith.index_cast %mul3A_72 : i32 to index
        %get3A_76 = tpu.vector_load %arg10[%get3A_74, %get3A_75] {strides = array<i32>} : memref<16x640xf32, #tpu.memory_space<vmem>>, vector<16xf32>,
        %add3A_77 = arith.addf %add3A_70, %get3A_76 : vector<16xf32>
        %mul3A_78 = arith.constant 16 : i32
        %mul3A_79 = arith.muli %scan3A_37, %mul3A_78 : i32
        %get3A_80 = arith.constant 6 : i32
        %get3A_81 = arith.index_cast %get3A_80 : i32 to index
        %get3A_82 = arith.index_cast %mul3A_79 : i32 to index
        %get3A_83 = tpu.vector_load %arg10[%get3A_81, %get3A_82] {strides = array<i32>} : memref<16x640xf32, #tpu.memory_space<vmem>>, vector<16xf32>,
        %add3A_84 = arith.addf %add3A_77, %get3A_83 : vector<16xf32>
        %mul3A_85 = arith.constant 16 : i32
        %mul3A_86 = arith.muli %scan3A_37, %mul3A_85 : i32
        %get3A_87 = arith.constant 7 : i32
        %get3A_88 = arith.index_cast %get3A_87 : i32 to index
        %get3A_89 = arith.index_cast %mul3A_86 : i32 to index
        %get3A_90 = tpu.vector_load %arg10[%get3A_88, %get3A_89] {strides = array<i32>} : memref<16x640xf32, #tpu.memory_space<vmem>>, vector<16xf32>,
        %add3A_91 = arith.addf %add3A_84, %get3A_90 : vector<16xf32>
        %mul3A_92 = arith.constant 16 : i32
        %mul3A_93 = arith.muli %scan3A_37, %mul3A_92 : i32
        %get3A_94 = arith.constant 8 : i32
        %get3A_95 = arith.index_cast %get3A_94 : i32 to index
        %get3A_96 = arith.index_cast %mul3A_93 : i32 to index
        %get3A_97 = tpu.vector_load %arg10[%get3A_95, %get3A_96] {strides = array<i32>} : memref<16x640xf32, #tpu.memory_space<vmem>>, vector<16xf32>,
        %add3A_98 = arith.addf %add3A_91, %get3A_97 : vector<16xf32>
        %mul3A_99 = arith.constant 16 : i32
        %mul3A_100 = arith.muli %scan3A_37, %mul3A_99 : i32
        %get3A_101 = arith.constant 9 : i32
        %get3A_102 = arith.index_cast %get3A_101 : i32 to index
        %get3A_103 = arith.index_cast %mul3A_100 : i32 to index
        %get3A_104 = tpu.vector_load %arg10[%get3A_102, %get3A_103] {strides = array<i32>} : memref<16x640xf32, #tpu.memory_space<vmem>>, vector<16xf32>,
        %add3A_105 = arith.addf %add3A_98, %get3A_104 : vector<16xf32>
        %mul3A_106 = arith.constant 16 : i32
        %mul3A_107 = arith.muli %scan3A_37, %mul3A_106 : i32
        %get3A_108 = arith.constant 10 : i32
        %get3A_109 = arith.index_cast %get3A_108 : i32 to index
        %get3A_110 = arith.index_cast %mul3A_107 : i32 to index
        %get3A_111 = tpu.vector_load %arg10[%get3A_109, %get3A_110] {strides = array<i32>} : memref<16x640xf32, #tpu.memory_space<vmem>>, vector<16xf32>,
        %add3A_112 = arith.addf %add3A_105, %get3A_111 : vector<16xf32>
        %mul3A_113 = arith.constant 16 : i32
        %mul3A_114 = arith.muli %scan3A_37, %mul3A_113 : i32
        %get3A_115 = arith.constant 11 : i32
        %get3A_116 = arith.index_cast %get3A_115 : i32 to index
        %get3A_117 = arith.index_cast %mul3A_114 : i32 to index
        %get3A_118 = tpu.vector_load %arg10[%get3A_116, %get3A_117] {strides = array<i32>} : memref<16x640xf32, #tpu.memory_space<vmem>>, vector<16xf32>,
        %add3A_119 = arith.addf %add3A_112, %get3A_118 : vector<16xf32>
        %mul3A_120 = arith.constant 16 : i32
        %mul3A_121 = arith.muli %scan3A_37, %mul3A_120 : i32
        %get3A_122 = arith.constant 12 : i32
        %get3A_123 = arith.index_cast %get3A_122 : i32 to index
        %get3A_124 = arith.index_cast %mul3A_121 : i32 to index
        %get3A_125 = tpu.vector_load %arg10[%get3A_123, %get3A_124] {strides = array<i32>} : memref<16x640xf32, #tpu.memory_space<vmem>>, vector<16xf32>,
        %add3A_126 = arith.addf %add3A_119, %get3A_125 : vector<16xf32>
        %mul3A_127 = arith.constant 16 : i32
        %mul3A_128 = arith.muli %scan3A_37, %mul3A_127 : i32
        %get3A_129 = arith.constant 13 : i32
        %get3A_130 = arith.index_cast %get3A_129 : i32 to index
        %get3A_131 = arith.index_cast %mul3A_128 : i32 to index
        %get3A_132 = tpu.vector_load %arg10[%get3A_130, %get3A_131] {strides = array<i32>} : memref<16x640xf32, #tpu.memory_space<vmem>>, vector<16xf32>,
        %add3A_133 = arith.addf %add3A_126, %get3A_132 : vector<16xf32>
        %mul3A_134 = arith.constant 16 : i32
        %mul3A_135 = arith.muli %scan3A_37, %mul3A_134 : i32
        %get3A_136 = arith.constant 14 : i32
        %get3A_137 = arith.index_cast %get3A_136 : i32 to index
        %get3A_138 = arith.index_cast %mul3A_135 : i32 to index
        %get3A_139 = tpu.vector_load %arg10[%get3A_137, %get3A_138] {strides = array<i32>} : memref<16x640xf32, #tpu.memory_space<vmem>>, vector<16xf32>,
        %add3A_140 = arith.addf %add3A_133, %get3A_139 : vector<16xf32>
        %mul3A_141 = arith.constant 16 : i32
        %mul3A_142 = arith.muli %scan3A_37, %mul3A_141 : i32
        %get3A_143 = arith.constant 15 : i32
        %get3A_144 = arith.index_cast %get3A_143 : i32 to index
        %get3A_145 = arith.index_cast %mul3A_142 : i32 to index
        %get3A_146 = tpu.vector_load %arg10[%get3A_144, %get3A_145] {strides = array<i32>} : memref<16x640xf32, #tpu.memory_space<vmem>>, vector<16xf32>,
        %add3A_147 = arith.addf %add3A_140, %get3A_146 : vector<16xf32>
        %mul3A_148 = arith.constant 16 : i32
        %mul3A_149 = arith.muli %scan3A_37, %mul3A_148 : i32
        %swap3A = arith.index_cast %mul3A_149 : i32 to index
        %swap3A_150 = tpu.vector_load %arg11[%swap3A] {strides = array<i32>} : memref<640xf32, #tpu.memory_space<vmem>>, vector<16xf32>,
        tpu.vector_store %arg11[%swap3A], %add3A_147 {strides = array<i32>} : memref<640xf32, #tpu.memory_space<vmem>>, vector<16xf32>,
      }
      %scan3A_28 = arith.constant 40 : i32
      "tpu.region"() ({
        %run_scoped3A = tpu.sem_alloc : memref<!tpu.dma_semaphore, #tpu.memory_space<semaphore_mem>>
        %dma_start3A = arith.constant 0 : i32
        %dma_start3A_37 = tpu.memref_slice %arg11[%dma_start3A] : memref<640xf32, #tpu.memory_space<vmem>> -> memref<640xf32, #tpu.memory_space<vmem>>
        %dma_start3A_38 = tpu.memref_slice %arg4[%arg0, %mul3A_22] : memref<2x10000xf32, #tpu.memory_space<hbm>> -> memref<1x640xf32, #tpu.memory_space<hbm>>
        %dma_start3A_39 = tpu.memref_squeeze %dma_start3A_38 : memref<1x640xf32, #tpu.memory_space<hbm>> -> memref<640xf32, #tpu.memory_space<hbm>>
        %dma_start3A_40 = tpu.memref_slice %arg4[%arg0, %mul3A_22] : memref<2x10000xf32, #tpu.memory_space<hbm>> -> memref<1x640xf32, #tpu.memory_space<hbm>>
        %dma_start3A_41 = tpu.memref_squeeze %dma_start3A_40 : memref<1x640xf32, #tpu.memory_space<hbm>> -> memref<640xf32, #tpu.memory_space<hbm>>
        %dma_start3A_42 = arith.constant 0 : i32
        %dma_start3A_43 = tpu.memref_slice %arg11[%dma_start3A_42] : memref<640xf32, #tpu.memory_space<vmem>> -> memref<640xf32, #tpu.memory_space<vmem>>
        tpu.enqueue_dma source(%dma_start3A_43 : memref<640xf32, #tpu.memory_space<vmem>>) target(%dma_start3A_41 : memref<640xf32, #tpu.memory_space<hbm>>) target_semaphore(%run_scoped3A : memref<!tpu.dma_semaphore, #tpu.memory_space<semaphore_mem>>)
        %dma_wait3A = arith.constant 0 : i32
        %dma_wait3A_44 = tpu.memref_slice %arg11[%dma_wait3A] : memref<640xf32, #tpu.memory_space<vmem>> -> memref<640xf32, #tpu.memory_space<vmem>>
        %dma_wait3A_45 = tpu.memref_slice %arg4[%arg0, %mul3A_22] : memref<2x10000xf32, #tpu.memory_space<hbm>> -> memref<1x640xf32, #tpu.memory_space<hbm>>
        %dma_wait3A_46 = tpu.memref_squeeze %dma_wait3A_45 : memref<1x640xf32, #tpu.memory_space<hbm>> -> memref<640xf32, #tpu.memory_space<hbm>>
        %dma_wait3A_47 = tpu.memref_slice %arg4[%arg0, %mul3A_22] : memref<2x10000xf32, #tpu.memory_space<hbm>> -> memref<1x640xf32, #tpu.memory_space<hbm>>
        %dma_wait3A_48 = tpu.memref_squeeze %dma_wait3A_47 : memref<1x640xf32, #tpu.memory_space<hbm>> -> memref<640xf32, #tpu.memory_space<hbm>>
        %dma_wait3A_49 = arith.constant 0 : i32
        %dma_wait3A_50 = tpu.memref_slice %arg11[%dma_wait3A_49] : memref<640xf32, #tpu.memory_space<vmem>> -> memref<640xf32, #tpu.memory_space<vmem>>
        tpu.wait_dma2 semaphore(%run_scoped3A : memref<!tpu.dma_semaphore, #tpu.memory_space<semaphore_mem>>) src(%dma_wait3A_50 : memref<640xf32, #tpu.memory_space<vmem>>) dst(%dma_wait3A_48 : memref<640xf32, #tpu.memory_space<hbm>>)
        tpu.yield
      }) : () -> ()
      %mul3A_29 = arith.constant 640 : i32
      %mul3A_30 = arith.muli %arg1, %mul3A_29 : i32
      "tpu.region"() ({
        %run_scoped3A = tpu.sem_alloc : memref<!tpu.dma_semaphore, #tpu.memory_space<semaphore_mem>>
        %dma_start3A = arith.constant 0 : i32
        %dma_start3A_37 = arith.constant 0 : i32
        %dma_start3A_38 = tpu.memref_slice %arg10[%dma_start3A, %dma_start3A_37] : memref<16x640xf32, #tpu.memory_space<vmem>> -> memref<16x640xf32, #tpu.memory_space<vmem>>
        %dma_start3A_39 = arith.constant 0 : i32
        %dma_start3A_40 = tpu.memref_slice %arg13[%dma_start3A_39, %mul3A_30] : memref<16x10000xf32, #tpu.memory_space<vmem_shared>> -> memref<16x640xf32, #tpu.memory_space<vmem_shared>>
        %dma_start3A_41 = arith.constant 0 : i32
        %dma_start3A_42 = arith.constant 0 : i32
        %dma_start3A_43 = tpu.memref_slice %arg10[%dma_start3A_41, %dma_start3A_42] : memref<16x640xf32, #tpu.memory_space<vmem>> -> memref<16x640xf32, #tpu.memory_space<vmem>>
        %dma_start3A_44 = arith.constant 0 : i32
        %dma_start3A_45 = tpu.memref_slice %arg13[%dma_start3A_44, %mul3A_30] : memref<16x10000xf32, #tpu.memory_space<vmem_shared>> -> memref<16x640xf32, #tpu.memory_space<vmem_shared>>
        tpu.enqueue_dma source(%dma_start3A_45 : memref<16x640xf32, #tpu.memory_space<vmem_shared>>) target(%dma_start3A_43 : memref<16x640xf32, #tpu.memory_space<vmem>>) target_semaphore(%run_scoped3A : memref<!tpu.dma_semaphore, #tpu.memory_space<semaphore_mem>>)
        %dma_wait3A = arith.constant 0 : i32
        %dma_wait3A_46 = arith.constant 0 : i32
        %dma_wait3A_47 = tpu.memref_slice %arg10[%dma_wait3A, %dma_wait3A_46] : memref<16x640xf32, #tpu.memory_space<vmem>> -> memref<16x640xf32, #tpu.memory_space<vmem>>
        %dma_wait3A_48 = arith.constant 0 : i32
        %dma_wait3A_49 = tpu.memref_slice %arg13[%dma_wait3A_48, %mul3A_30] : memref<16x10000xf32, #tpu.memory_space<vmem_shared>> -> memref<16x640xf32, #tpu.memory_space<vmem_shared>>
        %dma_wait3A_50 = arith.constant 0 : i32
        %dma_wait3A_51 = arith.constant 0 : i32
        %dma_wait3A_52 = tpu.memref_slice %arg10[%dma_wait3A_50, %dma_wait3A_51] : memref<16x640xf32, #tpu.memory_space<vmem>> -> memref<16x640xf32, #tpu.memory_space<vmem>>
        %dma_wait3A_53 = arith.constant 0 : i32
        %dma_wait3A_54 = tpu.memref_slice %arg13[%dma_wait3A_53, %mul3A_30] : memref<16x10000xf32, #tpu.memory_space<vmem_shared>> -> memref<16x640xf32, #tpu.memory_space<vmem_shared>>
        tpu.wait_dma2 semaphore(%run_scoped3A : memref<!tpu.dma_semaphore, #tpu.memory_space<semaphore_mem>>) src(%dma_wait3A_54 : memref<16x640xf32, #tpu.memory_space<vmem_shared>>) dst(%dma_wait3A_52 : memref<16x640xf32, #tpu.memory_space<vmem>>)
        tpu.yield
      }) : () -> ()
      %scan3A_31 = arith.constant 0 : i32
      %scan3A_32 = arith.constant 0 : i32
      %scan3A_33 = arith.constant 40 : i32
      %scan3A_34 = arith.addi %scan3A_32, %scan3A_33 : i32
      %scan3A_35 = arith.constant 1 : i32
      scf.for %scan3A_37 = %scan3A_32 to %scan3A_34 step %scan3A_35  : i32 {
        %mul3A_38 = arith.constant 16 : i32
        %mul3A_39 = arith.muli %scan3A_37, %mul3A_38 : i32
        %get3A = arith.constant 0 : i32
        %get3A_40 = arith.index_cast %get3A : i32 to index
        %get3A_41 = arith.index_cast %mul3A_39 : i32 to index
        %get3A_42 = tpu.vector_load %arg10[%get3A_40, %get3A_41] {strides = array<i32>} : memref<16x640xf32, #tpu.memory_space<vmem>>, vector<16xf32>,
        %mul3A_43 = arith.constant 16 : i32
        %mul3A_44 = arith.muli %scan3A_37, %mul3A_43 : i32
        %get3A_45 = arith.constant 1 : i32
        %get3A_46 = arith.index_cast %get3A_45 : i32 to index
        %get3A_47 = arith.index_cast %mul3A_44 : i32 to index
        %get3A_48 = tpu.vector_load %arg10[%get3A_46, %get3A_47] {strides = array<i32>} : memref<16x640xf32, #tpu.memory_space<vmem>>, vector<16xf32>,
        %add3A_49 = arith.addf %get3A_42, %get3A_48 : vector<16xf32>
        %mul3A_50 = arith.constant 16 : i32
        %mul3A_51 = arith.muli %scan3A_37, %mul3A_50 : i32
        %get3A_52 = arith.constant 2 : i32
        %get3A_53 = arith.index_cast %get3A_52 : i32 to index
        %get3A_54 = arith.index_cast %mul3A_51 : i32 to index
        %get3A_55 = tpu.vector_load %arg10[%get3A_53, %get3A_54] {strides = array<i32>} : memref<16x640xf32, #tpu.memory_space<vmem>>, vector<16xf32>,
        %add3A_56 = arith.addf %add3A_49, %get3A_55 : vector<16xf32>
        %mul3A_57 = arith.constant 16 : i32
        %mul3A_58 = arith.muli %scan3A_37, %mul3A_57 : i32
        %get3A_59 = arith.constant 3 : i32
        %get3A_60 = arith.index_cast %get3A_59 : i32 to index
        %get3A_61 = arith.index_cast %mul3A_58 : i32 to index
        %get3A_62 = tpu.vector_load %arg10[%get3A_60, %get3A_61] {strides = array<i32>} : memref<16x640xf32, #tpu.memory_space<vmem>>, vector<16xf32>,
        %add3A_63 = arith.addf %add3A_56, %get3A_62 : vector<16xf32>
        %mul3A_64 = arith.constant 16 : i32
        %mul3A_65 = arith.muli %scan3A_37, %mul3A_64 : i32
        %get3A_66 = arith.constant 4 : i32
        %get3A_67 = arith.index_cast %get3A_66 : i32 to index
        %get3A_68 = arith.index_cast %mul3A_65 : i32 to index
        %get3A_69 = tpu.vector_load %arg10[%get3A_67, %get3A_68] {strides = array<i32>} : memref<16x640xf32, #tpu.memory_space<vmem>>, vector<16xf32>,
        %add3A_70 = arith.addf %add3A_63, %get3A_69 : vector<16xf32>
        %mul3A_71 = arith.constant 16 : i32
        %mul3A_72 = arith.muli %scan3A_37, %mul3A_71 : i32
        %get3A_73 = arith.constant 5 : i32
        %get3A_74 = arith.index_cast %get3A_73 : i32 to index
        %get3A_75 = arith.index_cast %mul3A_72 : i32 to index
        %get3A_76 = tpu.vector_load %arg10[%get3A_74, %get3A_75] {strides = array<i32>} : memref<16x640xf32, #tpu.memory_space<vmem>>, vector<16xf32>,
        %add3A_77 = arith.addf %add3A_70, %get3A_76 : vector<16xf32>
        %mul3A_78 = arith.constant 16 : i32
        %mul3A_79 = arith.muli %scan3A_37, %mul3A_78 : i32
        %get3A_80 = arith.constant 6 : i32
        %get3A_81 = arith.index_cast %get3A_80 : i32 to index
        %get3A_82 = arith.index_cast %mul3A_79 : i32 to index
        %get3A_83 = tpu.vector_load %arg10[%get3A_81, %get3A_82] {strides = array<i32>} : memref<16x640xf32, #tpu.memory_space<vmem>>, vector<16xf32>,
        %add3A_84 = arith.addf %add3A_77, %get3A_83 : vector<16xf32>
        %mul3A_85 = arith.constant 16 : i32
        %mul3A_86 = arith.muli %scan3A_37, %mul3A_85 : i32
        %get3A_87 = arith.constant 7 : i32
        %get3A_88 = arith.index_cast %get3A_87 : i32 to index
        %get3A_89 = arith.index_cast %mul3A_86 : i32 to index
        %get3A_90 = tpu.vector_load %arg10[%get3A_88, %get3A_89] {strides = array<i32>} : memref<16x640xf32, #tpu.memory_space<vmem>>, vector<16xf32>,
        %add3A_91 = arith.addf %add3A_84, %get3A_90 : vector<16xf32>
        %mul3A_92 = arith.constant 16 : i32
        %mul3A_93 = arith.muli %scan3A_37, %mul3A_92 : i32
        %get3A_94 = arith.constant 8 : i32
        %get3A_95 = arith.index_cast %get3A_94 : i32 to index
        %get3A_96 = arith.index_cast %mul3A_93 : i32 to index
        %get3A_97 = tpu.vector_load %arg10[%get3A_95, %get3A_96] {strides = array<i32>} : memref<16x640xf32, #tpu.memory_space<vmem>>, vector<16xf32>,
        %add3A_98 = arith.addf %add3A_91, %get3A_97 : vector<16xf32>
        %mul3A_99 = arith.constant 16 : i32
        %mul3A_100 = arith.muli %scan3A_37, %mul3A_99 : i32
        %get3A_101 = arith.constant 9 : i32
        %get3A_102 = arith.index_cast %get3A_101 : i32 to index
        %get3A_103 = arith.index_cast %mul3A_100 : i32 to index
        %get3A_104 = tpu.vector_load %arg10[%get3A_102, %get3A_103] {strides = array<i32>} : memref<16x640xf32, #tpu.memory_space<vmem>>, vector<16xf32>,
        %add3A_105 = arith.addf %add3A_98, %get3A_104 : vector<16xf32>
        %mul3A_106 = arith.constant 16 : i32
        %mul3A_107 = arith.muli %scan3A_37, %mul3A_106 : i32
        %get3A_108 = arith.constant 10 : i32
        %get3A_109 = arith.index_cast %get3A_108 : i32 to index
        %get3A_110 = arith.index_cast %mul3A_107 : i32 to index
        %get3A_111 = tpu.vector_load %arg10[%get3A_109, %get3A_110] {strides = array<i32>} : memref<16x640xf32, #tpu.memory_space<vmem>>, vector<16xf32>,
        %add3A_112 = arith.addf %add3A_105, %get3A_111 : vector<16xf32>
        %mul3A_113 = arith.constant 16 : i32
        %mul3A_114 = arith.muli %scan3A_37, %mul3A_113 : i32
        %get3A_115 = arith.constant 11 : i32
        %get3A_116 = arith.index_cast %get3A_115 : i32 to index
        %get3A_117 = arith.index_cast %mul3A_114 : i32 to index
        %get3A_118 = tpu.vector_load %arg10[%get3A_116, %get3A_117] {strides = array<i32>} : memref<16x640xf32, #tpu.memory_space<vmem>>, vector<16xf32>,
        %add3A_119 = arith.addf %add3A_112, %get3A_118 : vector<16xf32>
        %mul3A_120 = arith.constant 16 : i32
        %mul3A_121 = arith.muli %scan3A_37, %mul3A_120 : i32
        %get3A_122 = arith.constant 12 : i32
        %get3A_123 = arith.index_cast %get3A_122 : i32 to index
        %get3A_124 = arith.index_cast %mul3A_121 : i32 to index
        %get3A_125 = tpu.vector_load %arg10[%get3A_123, %get3A_124] {strides = array<i32>} : memref<16x640xf32, #tpu.memory_space<vmem>>, vector<16xf32>,
        %add3A_126 = arith.addf %add3A_119, %get3A_125 : vector<16xf32>
        %mul3A_127 = arith.constant 16 : i32
        %mul3A_128 = arith.muli %scan3A_37, %mul3A_127 : i32
        %get3A_129 = arith.constant 13 : i32
        %get3A_130 = arith.index_cast %get3A_129 : i32 to index
        %get3A_131 = arith.index_cast %mul3A_128 : i32 to index
        %get3A_132 = tpu.vector_load %arg10[%get3A_130, %get3A_131] {strides = array<i32>} : memref<16x640xf32, #tpu.memory_space<vmem>>, vector<16xf32>,
        %add3A_133 = arith.addf %add3A_126, %get3A_132 : vector<16xf32>
        %mul3A_134 = arith.constant 16 : i32
        %mul3A_135 = arith.muli %scan3A_37, %mul3A_134 : i32
        %get3A_136 = arith.constant 14 : i32
        %get3A_137 = arith.index_cast %get3A_136 : i32 to index
        %get3A_138 = arith.index_cast %mul3A_135 : i32 to index
        %get3A_139 = tpu.vector_load %arg10[%get3A_137, %get3A_138] {strides = array<i32>} : memref<16x640xf32, #tpu.memory_space<vmem>>, vector<16xf32>,
        %add3A_140 = arith.addf %add3A_133, %get3A_139 : vector<16xf32>
        %mul3A_141 = arith.constant 16 : i32
        %mul3A_142 = arith.muli %scan3A_37, %mul3A_141 : i32
        %get3A_143 = arith.constant 15 : i32
        %get3A_144 = arith.index_cast %get3A_143 : i32 to index
        %get3A_145 = arith.index_cast %mul3A_142 : i32 to index
        %get3A_146 = tpu.vector_load %arg10[%get3A_144, %get3A_145] {strides = array<i32>} : memref<16x640xf32, #tpu.memory_space<vmem>>, vector<16xf32>,
        %add3A_147 = arith.addf %add3A_140, %get3A_146 : vector<16xf32>
        %mul3A_148 = arith.constant 16 : i32
        %mul3A_149 = arith.muli %scan3A_37, %mul3A_148 : i32
        %swap3A = arith.index_cast %mul3A_149 : i32 to index
        %swap3A_150 = tpu.vector_load %arg11[%swap3A] {strides = array<i32>} : memref<640xf32, #tpu.memory_space<vmem>>, vector<16xf32>,
        tpu.vector_store %arg11[%swap3A], %add3A_147 {strides = array<i32>} : memref<640xf32, #tpu.memory_space<vmem>>, vector<16xf32>,
      }
      %scan3A_36 = arith.constant 40 : i32
      "tpu.region"() ({
        %run_scoped3A = tpu.sem_alloc : memref<!tpu.dma_semaphore, #tpu.memory_space<semaphore_mem>>
        %dma_start3A = arith.constant 0 : i32
        %dma_start3A_37 = tpu.memref_slice %arg11[%dma_start3A] : memref<640xf32, #tpu.memory_space<vmem>> -> memref<640xf32, #tpu.memory_space<vmem>>
        %dma_start3A_38 = tpu.memref_slice %arg5[%arg0, %mul3A_30] : memref<2x10000xf32, #tpu.memory_space<hbm>> -> memref<1x640xf32, #tpu.memory_space<hbm>>
        %dma_start3A_39 = tpu.memref_squeeze %dma_start3A_38 : memref<1x640xf32, #tpu.memory_space<hbm>> -> memref<640xf32, #tpu.memory_space<hbm>>
        %dma_start3A_40 = tpu.memref_slice %arg5[%arg0, %mul3A_30] : memref<2x10000xf32, #tpu.memory_space<hbm>> -> memref<1x640xf32, #tpu.memory_space<hbm>>
        %dma_start3A_41 = tpu.memref_squeeze %dma_start3A_40 : memref<1x640xf32, #tpu.memory_space<hbm>> -> memref<640xf32, #tpu.memory_space<hbm>>
        %dma_start3A_42 = arith.constant 0 : i32
        %dma_start3A_43 = tpu.memref_slice %arg11[%dma_start3A_42] : memref<640xf32, #tpu.memory_space<vmem>> -> memref<640xf32, #tpu.memory_space<vmem>>
        tpu.enqueue_dma source(%dma_start3A_43 : memref<640xf32, #tpu.memory_space<vmem>>) target(%dma_start3A_41 : memref<640xf32, #tpu.memory_space<hbm>>) target_semaphore(%run_scoped3A : memref<!tpu.dma_semaphore, #tpu.memory_space<semaphore_mem>>)
        %dma_wait3A = arith.constant 0 : i32
        %dma_wait3A_44 = tpu.memref_slice %arg11[%dma_wait3A] : memref<640xf32, #tpu.memory_space<vmem>> -> memref<640xf32, #tpu.memory_space<vmem>>
        %dma_wait3A_45 = tpu.memref_slice %arg5[%arg0, %mul3A_30] : memref<2x10000xf32, #tpu.memory_space<hbm>> -> memref<1x640xf32, #tpu.memory_space<hbm>>
        %dma_wait3A_46 = tpu.memref_squeeze %dma_wait3A_45 : memref<1x640xf32, #tpu.memory_space<hbm>> -> memref<640xf32, #tpu.memory_space<hbm>>
        %dma_wait3A_47 = tpu.memref_slice %arg5[%arg0, %mul3A_30] : memref<2x10000xf32, #tpu.memory_space<hbm>> -> memref<1x640xf32, #tpu.memory_space<hbm>>
        %dma_wait3A_48 = tpu.memref_squeeze %dma_wait3A_47 : memref<1x640xf32, #tpu.memory_space<hbm>> -> memref<640xf32, #tpu.memory_space<hbm>>
        %dma_wait3A_49 = arith.constant 0 : i32
        %dma_wait3A_50 = tpu.memref_slice %arg11[%dma_wait3A_49] : memref<640xf32, #tpu.memory_space<vmem>> -> memref<640xf32, #tpu.memory_space<vmem>>
        tpu.wait_dma2 semaphore(%run_scoped3A : memref<!tpu.dma_semaphore, #tpu.memory_space<semaphore_mem>>) src(%dma_wait3A_50 : memref<640xf32, #tpu.memory_space<vmem>>) dst(%dma_wait3A_48 : memref<640xf32, #tpu.memory_space<hbm>>)
        tpu.yield
      }) : () -> ()
    } else {
    }
    %eq3A = arith.constant 15 : i32
    %eq3A_17 = arith.cmpi eq, %arg1, %eq3A : i32
    %convert_element_type3A_18 = arith.extui %eq3A_17 : i1 to i32
    %cond3A_19 = arith.constant 0 : i32
    %cond3A_20 = arith.cmpi ne, %convert_element_type3A_18, %cond3A_19 : i32
    scf.if %cond3A_20 {
      "tpu.region"() ({
        %run_scoped3A = tpu.sem_alloc : memref<!tpu.dma_semaphore, #tpu.memory_space<semaphore_mem>>
        %dma_start3A = arith.constant 0 : i32
        %dma_start3A_33 = arith.constant 0 : i32
        %dma_start3A_34 = tpu.memref_slice %arg10[%dma_start3A, %dma_start3A_33] : memref<16x640xf32, #tpu.memory_space<vmem>> -> memref<16x400xf32, #tpu.memory_space<vmem>>
        %dma_start3A_35 = arith.constant 0 : i32
        %dma_start3A_36 = arith.constant 9600 : i32
        %dma_start3A_37 = tpu.memref_slice %arg12[%dma_start3A_35, %dma_start3A_36] : memref<16x10000xf32, #tpu.memory_space<vmem_shared>> -> memref<16x400xf32, #tpu.memory_space<vmem_shared>>
        %dma_start3A_38 = arith.constant 0 : i32
        %dma_start3A_39 = arith.constant 0 : i32
        %dma_start3A_40 = tpu.memref_slice %arg10[%dma_start3A_38, %dma_start3A_39] : memref<16x640xf32, #tpu.memory_space<vmem>> -> memref<16x400xf32, #tpu.memory_space<vmem>>
        %dma_start3A_41 = arith.constant 0 : i32
        %dma_start3A_42 = arith.constant 9600 : i32
        %dma_start3A_43 = tpu.memref_slice %arg12[%dma_start3A_41, %dma_start3A_42] : memref<16x10000xf32, #tpu.memory_space<vmem_shared>> -> memref<16x400xf32, #tpu.memory_space<vmem_shared>>
        tpu.enqueue_dma source(%dma_start3A_43 : memref<16x400xf32, #tpu.memory_space<vmem_shared>>) target(%dma_start3A_40 : memref<16x400xf32, #tpu.memory_space<vmem>>) target_semaphore(%run_scoped3A : memref<!tpu.dma_semaphore, #tpu.memory_space<semaphore_mem>>)
        %dma_wait3A = arith.constant 0 : i32
        %dma_wait3A_44 = arith.constant 0 : i32
        %dma_wait3A_45 = tpu.memref_slice %arg10[%dma_wait3A, %dma_wait3A_44] : memref<16x640xf32, #tpu.memory_space<vmem>> -> memref<16x400xf32, #tpu.memory_space<vmem>>
        %dma_wait3A_46 = arith.constant 0 : i32
        %dma_wait3A_47 = arith.constant 9600 : i32
        %dma_wait3A_48 = tpu.memref_slice %arg12[%dma_wait3A_46, %dma_wait3A_47] : memref<16x10000xf32, #tpu.memory_space<vmem_shared>> -> memref<16x400xf32, #tpu.memory_space<vmem_shared>>
        %dma_wait3A_49 = arith.constant 0 : i32
        %dma_wait3A_50 = arith.constant 0 : i32
        %dma_wait3A_51 = tpu.memref_slice %arg10[%dma_wait3A_49, %dma_wait3A_50] : memref<16x640xf32, #tpu.memory_space<vmem>> -> memref<16x400xf32, #tpu.memory_space<vmem>>
        %dma_wait3A_52 = arith.constant 0 : i32
        %dma_wait3A_53 = arith.constant 9600 : i32
        %dma_wait3A_54 = tpu.memref_slice %arg12[%dma_wait3A_52, %dma_wait3A_53] : memref<16x10000xf32, #tpu.memory_space<vmem_shared>> -> memref<16x400xf32, #tpu.memory_space<vmem_shared>>
        tpu.wait_dma2 semaphore(%run_scoped3A : memref<!tpu.dma_semaphore, #tpu.memory_space<semaphore_mem>>) src(%dma_wait3A_54 : memref<16x400xf32, #tpu.memory_space<vmem_shared>>) dst(%dma_wait3A_51 : memref<16x400xf32, #tpu.memory_space<vmem>>)
        tpu.yield
      }) : () -> ()
      %scan3A_21 = arith.constant 0 : i32
      %scan3A_22 = arith.constant 0 : i32
      %scan3A_23 = arith.constant 25 : i32
      %scan3A_24 = arith.addi %scan3A_22, %scan3A_23 : i32
      %scan3A_25 = arith.constant 1 : i32
      scf.for %scan3A_33 = %scan3A_22 to %scan3A_24 step %scan3A_25  : i32 {
        %mul3A_34 = arith.constant 16 : i32
        %mul3A_35 = arith.muli %scan3A_33, %mul3A_34 : i32
        %get3A = arith.constant 0 : i32
        %get3A_36 = arith.index_cast %get3A : i32 to index
        %get3A_37 = arith.index_cast %mul3A_35 : i32 to index
        %get3A_38 = tpu.vector_load %arg10[%get3A_36, %get3A_37] {strides = array<i32>} : memref<16x640xf32, #tpu.memory_space<vmem>>, vector<16xf32>,
        %mul3A_39 = arith.constant 16 : i32
        %mul3A_40 = arith.muli %scan3A_33, %mul3A_39 : i32
        %get3A_41 = arith.constant 1 : i32
        %get3A_42 = arith.index_cast %get3A_41 : i32 to index
        %get3A_43 = arith.index_cast %mul3A_40 : i32 to index
        %get3A_44 = tpu.vector_load %arg10[%get3A_42, %get3A_43] {strides = array<i32>} : memref<16x640xf32, #tpu.memory_space<vmem>>, vector<16xf32>,
        %add3A_45 = arith.addf %get3A_38, %get3A_44 : vector<16xf32>
        %mul3A_46 = arith.constant 16 : i32
        %mul3A_47 = arith.muli %scan3A_33, %mul3A_46 : i32
        %get3A_48 = arith.constant 2 : i32
        %get3A_49 = arith.index_cast %get3A_48 : i32 to index
        %get3A_50 = arith.index_cast %mul3A_47 : i32 to index
        %get3A_51 = tpu.vector_load %arg10[%get3A_49, %get3A_50] {strides = array<i32>} : memref<16x640xf32, #tpu.memory_space<vmem>>, vector<16xf32>,
        %add3A_52 = arith.addf %add3A_45, %get3A_51 : vector<16xf32>
        %mul3A_53 = arith.constant 16 : i32
        %mul3A_54 = arith.muli %scan3A_33, %mul3A_53 : i32
        %get3A_55 = arith.constant 3 : i32
        %get3A_56 = arith.index_cast %get3A_55 : i32 to index
        %get3A_57 = arith.index_cast %mul3A_54 : i32 to index
        %get3A_58 = tpu.vector_load %arg10[%get3A_56, %get3A_57] {strides = array<i32>} : memref<16x640xf32, #tpu.memory_space<vmem>>, vector<16xf32>,
        %add3A_59 = arith.addf %add3A_52, %get3A_58 : vector<16xf32>
        %mul3A_60 = arith.constant 16 : i32
        %mul3A_61 = arith.muli %scan3A_33, %mul3A_60 : i32
        %get3A_62 = arith.constant 4 : i32
        %get3A_63 = arith.index_cast %get3A_62 : i32 to index
        %get3A_64 = arith.index_cast %mul3A_61 : i32 to index
        %get3A_65 = tpu.vector_load %arg10[%get3A_63, %get3A_64] {strides = array<i32>} : memref<16x640xf32, #tpu.memory_space<vmem>>, vector<16xf32>,
        %add3A_66 = arith.addf %add3A_59, %get3A_65 : vector<16xf32>
        %mul3A_67 = arith.constant 16 : i32
        %mul3A_68 = arith.muli %scan3A_33, %mul3A_67 : i32
        %get3A_69 = arith.constant 5 : i32
        %get3A_70 = arith.index_cast %get3A_69 : i32 to index
        %get3A_71 = arith.index_cast %mul3A_68 : i32 to index
        %get3A_72 = tpu.vector_load %arg10[%get3A_70, %get3A_71] {strides = array<i32>} : memref<16x640xf32, #tpu.memory_space<vmem>>, vector<16xf32>,
        %add3A_73 = arith.addf %add3A_66, %get3A_72 : vector<16xf32>
        %mul3A_74 = arith.constant 16 : i32
        %mul3A_75 = arith.muli %scan3A_33, %mul3A_74 : i32
        %get3A_76 = arith.constant 6 : i32
        %get3A_77 = arith.index_cast %get3A_76 : i32 to index
        %get3A_78 = arith.index_cast %mul3A_75 : i32 to index
        %get3A_79 = tpu.vector_load %arg10[%get3A_77, %get3A_78] {strides = array<i32>} : memref<16x640xf32, #tpu.memory_space<vmem>>, vector<16xf32>,
        %add3A_80 = arith.addf %add3A_73, %get3A_79 : vector<16xf32>
        %mul3A_81 = arith.constant 16 : i32
        %mul3A_82 = arith.muli %scan3A_33, %mul3A_81 : i32
        %get3A_83 = arith.constant 7 : i32
        %get3A_84 = arith.index_cast %get3A_83 : i32 to index
        %get3A_85 = arith.index_cast %mul3A_82 : i32 to index
        %get3A_86 = tpu.vector_load %arg10[%get3A_84, %get3A_85] {strides = array<i32>} : memref<16x640xf32, #tpu.memory_space<vmem>>, vector<16xf32>,
        %add3A_87 = arith.addf %add3A_80, %get3A_86 : vector<16xf32>
        %mul3A_88 = arith.constant 16 : i32
        %mul3A_89 = arith.muli %scan3A_33, %mul3A_88 : i32
        %get3A_90 = arith.constant 8 : i32
        %get3A_91 = arith.index_cast %get3A_90 : i32 to index
        %get3A_92 = arith.index_cast %mul3A_89 : i32 to index
        %get3A_93 = tpu.vector_load %arg10[%get3A_91, %get3A_92] {strides = array<i32>} : memref<16x640xf32, #tpu.memory_space<vmem>>, vector<16xf32>,
        %add3A_94 = arith.addf %add3A_87, %get3A_93 : vector<16xf32>
        %mul3A_95 = arith.constant 16 : i32
        %mul3A_96 = arith.muli %scan3A_33, %mul3A_95 : i32
        %get3A_97 = arith.constant 9 : i32
        %get3A_98 = arith.index_cast %get3A_97 : i32 to index
        %get3A_99 = arith.index_cast %mul3A_96 : i32 to index
        %get3A_100 = tpu.vector_load %arg10[%get3A_98, %get3A_99] {strides = array<i32>} : memref<16x640xf32, #tpu.memory_space<vmem>>, vector<16xf32>,
        %add3A_101 = arith.addf %add3A_94, %get3A_100 : vector<16xf32>
        %mul3A_102 = arith.constant 16 : i32
        %mul3A_103 = arith.muli %scan3A_33, %mul3A_102 : i32
        %get3A_104 = arith.constant 10 : i32
        %get3A_105 = arith.index_cast %get3A_104 : i32 to index
        %get3A_106 = arith.index_cast %mul3A_103 : i32 to index
        %get3A_107 = tpu.vector_load %arg10[%get3A_105, %get3A_106] {strides = array<i32>} : memref<16x640xf32, #tpu.memory_space<vmem>>, vector<16xf32>,
        %add3A_108 = arith.addf %add3A_101, %get3A_107 : vector<16xf32>
        %mul3A_109 = arith.constant 16 : i32
        %mul3A_110 = arith.muli %scan3A_33, %mul3A_109 : i32
        %get3A_111 = arith.constant 11 : i32
        %get3A_112 = arith.index_cast %get3A_111 : i32 to index
        %get3A_113 = arith.index_cast %mul3A_110 : i32 to index
        %get3A_114 = tpu.vector_load %arg10[%get3A_112, %get3A_113] {strides = array<i32>} : memref<16x640xf32, #tpu.memory_space<vmem>>, vector<16xf32>,
        %add3A_115 = arith.addf %add3A_108, %get3A_114 : vector<16xf32>
        %mul3A_116 = arith.constant 16 : i32
        %mul3A_117 = arith.muli %scan3A_33, %mul3A_116 : i32
        %get3A_118 = arith.constant 12 : i32
        %get3A_119 = arith.index_cast %get3A_118 : i32 to index
        %get3A_120 = arith.index_cast %mul3A_117 : i32 to index
        %get3A_121 = tpu.vector_load %arg10[%get3A_119, %get3A_120] {strides = array<i32>} : memref<16x640xf32, #tpu.memory_space<vmem>>, vector<16xf32>,
        %add3A_122 = arith.addf %add3A_115, %get3A_121 : vector<16xf32>
        %mul3A_123 = arith.constant 16 : i32
        %mul3A_124 = arith.muli %scan3A_33, %mul3A_123 : i32
        %get3A_125 = arith.constant 13 : i32
        %get3A_126 = arith.index_cast %get3A_125 : i32 to index
        %get3A_127 = arith.index_cast %mul3A_124 : i32 to index
        %get3A_128 = tpu.vector_load %arg10[%get3A_126, %get3A_127] {strides = array<i32>} : memref<16x640xf32, #tpu.memory_space<vmem>>, vector<16xf32>,
        %add3A_129 = arith.addf %add3A_122, %get3A_128 : vector<16xf32>
        %mul3A_130 = arith.constant 16 : i32
        %mul3A_131 = arith.muli %scan3A_33, %mul3A_130 : i32
        %get3A_132 = arith.constant 14 : i32
        %get3A_133 = arith.index_cast %get3A_132 : i32 to index
        %get3A_134 = arith.index_cast %mul3A_131 : i32 to index
        %get3A_135 = tpu.vector_load %arg10[%get3A_133, %get3A_134] {strides = array<i32>} : memref<16x640xf32, #tpu.memory_space<vmem>>, vector<16xf32>,
        %add3A_136 = arith.addf %add3A_129, %get3A_135 : vector<16xf32>
        %mul3A_137 = arith.constant 16 : i32
        %mul3A_138 = arith.muli %scan3A_33, %mul3A_137 : i32
        %get3A_139 = arith.constant 15 : i32
        %get3A_140 = arith.index_cast %get3A_139 : i32 to index
        %get3A_141 = arith.index_cast %mul3A_138 : i32 to index
        %get3A_142 = tpu.vector_load %arg10[%get3A_140, %get3A_141] {strides = array<i32>} : memref<16x640xf32, #tpu.memory_space<vmem>>, vector<16xf32>,
        %add3A_143 = arith.addf %add3A_136, %get3A_142 : vector<16xf32>
        %mul3A_144 = arith.constant 16 : i32
        %mul3A_145 = arith.muli %scan3A_33, %mul3A_144 : i32
        %swap3A = arith.index_cast %mul3A_145 : i32 to index
        %swap3A_146 = tpu.vector_load %arg11[%swap3A] {strides = array<i32>} : memref<640xf32, #tpu.memory_space<vmem>>, vector<16xf32>,
        tpu.vector_store %arg11[%swap3A], %add3A_143 {strides = array<i32>} : memref<640xf32, #tpu.memory_space<vmem>>, vector<16xf32>,
      }
      %scan3A_26 = arith.constant 25 : i32
      "tpu.region"() ({
        %run_scoped3A = tpu.sem_alloc : memref<!tpu.dma_semaphore, #tpu.memory_space<semaphore_mem>>
        %dma_start3A = arith.constant 0 : i32
        %dma_start3A_33 = tpu.memref_slice %arg11[%dma_start3A] : memref<640xf32, #tpu.memory_space<vmem>> -> memref<400xf32, #tpu.memory_space<vmem>>
        %dma_start3A_34 = arith.constant 9600 : i32
        %dma_start3A_35 = tpu.memref_slice %arg4[%arg0, %dma_start3A_34] : memref<2x10000xf32, #tpu.memory_space<hbm>> -> memref<1x400xf32, #tpu.memory_space<hbm>>
        %dma_start3A_36 = tpu.memref_squeeze %dma_start3A_35 : memref<1x400xf32, #tpu.memory_space<hbm>> -> memref<400xf32, #tpu.memory_space<hbm>>
        %dma_start3A_37 = arith.constant 9600 : i32
        %dma_start3A_38 = tpu.memref_slice %arg4[%arg0, %dma_start3A_37] : memref<2x10000xf32, #tpu.memory_space<hbm>> -> memref<1x400xf32, #tpu.memory_space<hbm>>
        %dma_start3A_39 = tpu.memref_squeeze %dma_start3A_38 : memref<1x400xf32, #tpu.memory_space<hbm>> -> memref<400xf32, #tpu.memory_space<hbm>>
        %dma_start3A_40 = arith.constant 0 : i32
        %dma_start3A_41 = tpu.memref_slice %arg11[%dma_start3A_40] : memref<640xf32, #tpu.memory_space<vmem>> -> memref<400xf32, #tpu.memory_space<vmem>>
        tpu.enqueue_dma source(%dma_start3A_41 : memref<400xf32, #tpu.memory_space<vmem>>) target(%dma_start3A_39 : memref<400xf32, #tpu.memory_space<hbm>>) target_semaphore(%run_scoped3A : memref<!tpu.dma_semaphore, #tpu.memory_space<semaphore_mem>>)
        %dma_wait3A = arith.constant 0 : i32
        %dma_wait3A_42 = tpu.memref_slice %arg11[%dma_wait3A] : memref<640xf32, #tpu.memory_space<vmem>> -> memref<400xf32, #tpu.memory_space<vmem>>
        %dma_wait3A_43 = arith.constant 9600 : i32
        %dma_wait3A_44 = tpu.memref_slice %arg4[%arg0, %dma_wait3A_43] : memref<2x10000xf32, #tpu.memory_space<hbm>> -> memref<1x400xf32, #tpu.memory_space<hbm>>
        %dma_wait3A_45 = tpu.memref_squeeze %dma_wait3A_44 : memref<1x400xf32, #tpu.memory_space<hbm>> -> memref<400xf32, #tpu.memory_space<hbm>>
        %dma_wait3A_46 = arith.constant 9600 : i32
        %dma_wait3A_47 = tpu.memref_slice %arg4[%arg0, %dma_wait3A_46] : memref<2x10000xf32, #tpu.memory_space<hbm>> -> memref<1x400xf32, #tpu.memory_space<hbm>>
        %dma_wait3A_48 = tpu.memref_squeeze %dma_wait3A_47 : memref<1x400xf32, #tpu.memory_space<hbm>> -> memref<400xf32, #tpu.memory_space<hbm>>
        %dma_wait3A_49 = arith.constant 0 : i32
        %dma_wait3A_50 = tpu.memref_slice %arg11[%dma_wait3A_49] : memref<640xf32, #tpu.memory_space<vmem>> -> memref<400xf32, #tpu.memory_space<vmem>>
        tpu.wait_dma2 semaphore(%run_scoped3A : memref<!tpu.dma_semaphore, #tpu.memory_space<semaphore_mem>>) src(%dma_wait3A_50 : memref<400xf32, #tpu.memory_space<vmem>>) dst(%dma_wait3A_48 : memref<400xf32, #tpu.memory_space<hbm>>)
        tpu.yield
      }) : () -> ()
      "tpu.region"() ({
        %run_scoped3A = tpu.sem_alloc : memref<!tpu.dma_semaphore, #tpu.memory_space<semaphore_mem>>
        %dma_start3A = arith.constant 0 : i32
        %dma_start3A_33 = arith.constant 0 : i32
        %dma_start3A_34 = tpu.memref_slice %arg10[%dma_start3A, %dma_start3A_33] : memref<16x640xf32, #tpu.memory_space<vmem>> -> memref<16x400xf32, #tpu.memory_space<vmem>>
        %dma_start3A_35 = arith.constant 0 : i32
        %dma_start3A_36 = arith.constant 9600 : i32
        %dma_start3A_37 = tpu.memref_slice %arg13[%dma_start3A_35, %dma_start3A_36] : memref<16x10000xf32, #tpu.memory_space<vmem_shared>> -> memref<16x400xf32, #tpu.memory_space<vmem_shared>>
        %dma_start3A_38 = arith.constant 0 : i32
        %dma_start3A_39 = arith.constant 0 : i32
        %dma_start3A_40 = tpu.memref_slice %arg10[%dma_start3A_38, %dma_start3A_39] : memref<16x640xf32, #tpu.memory_space<vmem>> -> memref<16x400xf32, #tpu.memory_space<vmem>>
        %dma_start3A_41 = arith.constant 0 : i32
        %dma_start3A_42 = arith.constant 9600 : i32
        %dma_start3A_43 = tpu.memref_slice %arg13[%dma_start3A_41, %dma_start3A_42] : memref<16x10000xf32, #tpu.memory_space<vmem_shared>> -> memref<16x400xf32, #tpu.memory_space<vmem_shared>>
        tpu.enqueue_dma source(%dma_start3A_43 : memref<16x400xf32, #tpu.memory_space<vmem_shared>>) target(%dma_start3A_40 : memref<16x400xf32, #tpu.memory_space<vmem>>) target_semaphore(%run_scoped3A : memref<!tpu.dma_semaphore, #tpu.memory_space<semaphore_mem>>)
        %dma_wait3A = arith.constant 0 : i32
        %dma_wait3A_44 = arith.constant 0 : i32
        %dma_wait3A_45 = tpu.memref_slice %arg10[%dma_wait3A, %dma_wait3A_44] : memref<16x640xf32, #tpu.memory_space<vmem>> -> memref<16x400xf32, #tpu.memory_space<vmem>>
        %dma_wait3A_46 = arith.constant 0 : i32
        %dma_wait3A_47 = arith.constant 9600 : i32
        %dma_wait3A_48 = tpu.memref_slice %arg13[%dma_wait3A_46, %dma_wait3A_47] : memref<16x10000xf32, #tpu.memory_space<vmem_shared>> -> memref<16x400xf32, #tpu.memory_space<vmem_shared>>
        %dma_wait3A_49 = arith.constant 0 : i32
        %dma_wait3A_50 = arith.constant 0 : i32
        %dma_wait3A_51 = tpu.memref_slice %arg10[%dma_wait3A_49, %dma_wait3A_50] : memref<16x640xf32, #tpu.memory_space<vmem>> -> memref<16x400xf32, #tpu.memory_space<vmem>>
        %dma_wait3A_52 = arith.constant 0 : i32
        %dma_wait3A_53 = arith.constant 9600 : i32
        %dma_wait3A_54 = tpu.memref_slice %arg13[%dma_wait3A_52, %dma_wait3A_53] : memref<16x10000xf32, #tpu.memory_space<vmem_shared>> -> memref<16x400xf32, #tpu.memory_space<vmem_shared>>
        tpu.wait_dma2 semaphore(%run_scoped3A : memref<!tpu.dma_semaphore, #tpu.memory_space<semaphore_mem>>) src(%dma_wait3A_54 : memref<16x400xf32, #tpu.memory_space<vmem_shared>>) dst(%dma_wait3A_51 : memref<16x400xf32, #tpu.memory_space<vmem>>)
        tpu.yield
      }) : () -> ()
      %scan3A_27 = arith.constant 0 : i32
      %scan3A_28 = arith.constant 0 : i32
      %scan3A_29 = arith.constant 25 : i32
      %scan3A_30 = arith.addi %scan3A_28, %scan3A_29 : i32
      %scan3A_31 = arith.constant 1 : i32
      scf.for %scan3A_33 = %scan3A_28 to %scan3A_30 step %scan3A_31  : i32 {
        %mul3A_34 = arith.constant 16 : i32
        %mul3A_35 = arith.muli %scan3A_33, %mul3A_34 : i32
        %get3A = arith.constant 0 : i32
        %get3A_36 = arith.index_cast %get3A : i32 to index
        %get3A_37 = arith.index_cast %mul3A_35 : i32 to index
        %get3A_38 = tpu.vector_load %arg10[%get3A_36, %get3A_37] {strides = array<i32>} : memref<16x640xf32, #tpu.memory_space<vmem>>, vector<16xf32>,
        %mul3A_39 = arith.constant 16 : i32
        %mul3A_40 = arith.muli %scan3A_33, %mul3A_39 : i32
        %get3A_41 = arith.constant 1 : i32
        %get3A_42 = arith.index_cast %get3A_41 : i32 to index
        %get3A_43 = arith.index_cast %mul3A_40 : i32 to index
        %get3A_44 = tpu.vector_load %arg10[%get3A_42, %get3A_43] {strides = array<i32>} : memref<16x640xf32, #tpu.memory_space<vmem>>, vector<16xf32>,
        %add3A_45 = arith.addf %get3A_38, %get3A_44 : vector<16xf32>
        %mul3A_46 = arith.constant 16 : i32
        %mul3A_47 = arith.muli %scan3A_33, %mul3A_46 : i32
        %get3A_48 = arith.constant 2 : i32
        %get3A_49 = arith.index_cast %get3A_48 : i32 to index
        %get3A_50 = arith.index_cast %mul3A_47 : i32 to index
        %get3A_51 = tpu.vector_load %arg10[%get3A_49, %get3A_50] {strides = array<i32>} : memref<16x640xf32, #tpu.memory_space<vmem>>, vector<16xf32>,
        %add3A_52 = arith.addf %add3A_45, %get3A_51 : vector<16xf32>
        %mul3A_53 = arith.constant 16 : i32
        %mul3A_54 = arith.muli %scan3A_33, %mul3A_53 : i32
        %get3A_55 = arith.constant 3 : i32
        %get3A_56 = arith.index_cast %get3A_55 : i32 to index
        %get3A_57 = arith.index_cast %mul3A_54 : i32 to index
        %get3A_58 = tpu.vector_load %arg10[%get3A_56, %get3A_57] {strides = array<i32>} : memref<16x640xf32, #tpu.memory_space<vmem>>, vector<16xf32>,
        %add3A_59 = arith.addf %add3A_52, %get3A_58 : vector<16xf32>
        %mul3A_60 = arith.constant 16 : i32
        %mul3A_61 = arith.muli %scan3A_33, %mul3A_60 : i32
        %get3A_62 = arith.constant 4 : i32
        %get3A_63 = arith.index_cast %get3A_62 : i32 to index
        %get3A_64 = arith.index_cast %mul3A_61 : i32 to index
        %get3A_65 = tpu.vector_load %arg10[%get3A_63, %get3A_64] {strides = array<i32>} : memref<16x640xf32, #tpu.memory_space<vmem>>, vector<16xf32>,
        %add3A_66 = arith.addf %add3A_59, %get3A_65 : vector<16xf32>
        %mul3A_67 = arith.constant 16 : i32
        %mul3A_68 = arith.muli %scan3A_33, %mul3A_67 : i32
        %get3A_69 = arith.constant 5 : i32
        %get3A_70 = arith.index_cast %get3A_69 : i32 to index
        %get3A_71 = arith.index_cast %mul3A_68 : i32 to index
        %get3A_72 = tpu.vector_load %arg10[%get3A_70, %get3A_71] {strides = array<i32>} : memref<16x640xf32, #tpu.memory_space<vmem>>, vector<16xf32>,
        %add3A_73 = arith.addf %add3A_66, %get3A_72 : vector<16xf32>
        %mul3A_74 = arith.constant 16 : i32
        %mul3A_75 = arith.muli %scan3A_33, %mul3A_74 : i32
        %get3A_76 = arith.constant 6 : i32
        %get3A_77 = arith.index_cast %get3A_76 : i32 to index
        %get3A_78 = arith.index_cast %mul3A_75 : i32 to index
        %get3A_79 = tpu.vector_load %arg10[%get3A_77, %get3A_78] {strides = array<i32>} : memref<16x640xf32, #tpu.memory_space<vmem>>, vector<16xf32>,
        %add3A_80 = arith.addf %add3A_73, %get3A_79 : vector<16xf32>
        %mul3A_81 = arith.constant 16 : i32
        %mul3A_82 = arith.muli %scan3A_33, %mul3A_81 : i32
        %get3A_83 = arith.constant 7 : i32
        %get3A_84 = arith.index_cast %get3A_83 : i32 to index
        %get3A_85 = arith.index_cast %mul3A_82 : i32 to index
        %get3A_86 = tpu.vector_load %arg10[%get3A_84, %get3A_85] {strides = array<i32>} : memref<16x640xf32, #tpu.memory_space<vmem>>, vector<16xf32>,
        %add3A_87 = arith.addf %add3A_80, %get3A_86 : vector<16xf32>
        %mul3A_88 = arith.constant 16 : i32
        %mul3A_89 = arith.muli %scan3A_33, %mul3A_88 : i32
        %get3A_90 = arith.constant 8 : i32
        %get3A_91 = arith.index_cast %get3A_90 : i32 to index
        %get3A_92 = arith.index_cast %mul3A_89 : i32 to index
        %get3A_93 = tpu.vector_load %arg10[%get3A_91, %get3A_92] {strides = array<i32>} : memref<16x640xf32, #tpu.memory_space<vmem>>, vector<16xf32>,
        %add3A_94 = arith.addf %add3A_87, %get3A_93 : vector<16xf32>
        %mul3A_95 = arith.constant 16 : i32
        %mul3A_96 = arith.muli %scan3A_33, %mul3A_95 : i32
        %get3A_97 = arith.constant 9 : i32
        %get3A_98 = arith.index_cast %get3A_97 : i32 to index
        %get3A_99 = arith.index_cast %mul3A_96 : i32 to index
        %get3A_100 = tpu.vector_load %arg10[%get3A_98, %get3A_99] {strides = array<i32>} : memref<16x640xf32, #tpu.memory_space<vmem>>, vector<16xf32>,
        %add3A_101 = arith.addf %add3A_94, %get3A_100 : vector<16xf32>
        %mul3A_102 = arith.constant 16 : i32
        %mul3A_103 = arith.muli %scan3A_33, %mul3A_102 : i32
        %get3A_104 = arith.constant 10 : i32
        %get3A_105 = arith.index_cast %get3A_104 : i32 to index
        %get3A_106 = arith.index_cast %mul3A_103 : i32 to index
        %get3A_107 = tpu.vector_load %arg10[%get3A_105, %get3A_106] {strides = array<i32>} : memref<16x640xf32, #tpu.memory_space<vmem>>, vector<16xf32>,
        %add3A_108 = arith.addf %add3A_101, %get3A_107 : vector<16xf32>
        %mul3A_109 = arith.constant 16 : i32
        %mul3A_110 = arith.muli %scan3A_33, %mul3A_109 : i32
        %get3A_111 = arith.constant 11 : i32
        %get3A_112 = arith.index_cast %get3A_111 : i32 to index
        %get3A_113 = arith.index_cast %mul3A_110 : i32 to index
        %get3A_114 = tpu.vector_load %arg10[%get3A_112, %get3A_113] {strides = array<i32>} : memref<16x640xf32, #tpu.memory_space<vmem>>, vector<16xf32>,
        %add3A_115 = arith.addf %add3A_108, %get3A_114 : vector<16xf32>
        %mul3A_116 = arith.constant 16 : i32
        %mul3A_117 = arith.muli %scan3A_33, %mul3A_116 : i32
        %get3A_118 = arith.constant 12 : i32
        %get3A_119 = arith.index_cast %get3A_118 : i32 to index
        %get3A_120 = arith.index_cast %mul3A_117 : i32 to index
        %get3A_121 = tpu.vector_load %arg10[%get3A_119, %get3A_120] {strides = array<i32>} : memref<16x640xf32, #tpu.memory_space<vmem>>, vector<16xf32>,
        %add3A_122 = arith.addf %add3A_115, %get3A_121 : vector<16xf32>
        %mul3A_123 = arith.constant 16 : i32
        %mul3A_124 = arith.muli %scan3A_33, %mul3A_123 : i32
        %get3A_125 = arith.constant 13 : i32
        %get3A_126 = arith.index_cast %get3A_125 : i32 to index
        %get3A_127 = arith.index_cast %mul3A_124 : i32 to index
        %get3A_128 = tpu.vector_load %arg10[%get3A_126, %get3A_127] {strides = array<i32>} : memref<16x640xf32, #tpu.memory_space<vmem>>, vector<16xf32>,
        %add3A_129 = arith.addf %add3A_122, %get3A_128 : vector<16xf32>
        %mul3A_130 = arith.constant 16 : i32
        %mul3A_131 = arith.muli %scan3A_33, %mul3A_130 : i32
        %get3A_132 = arith.constant 14 : i32
        %get3A_133 = arith.index_cast %get3A_132 : i32 to index
        %get3A_134 = arith.index_cast %mul3A_131 : i32 to index
        %get3A_135 = tpu.vector_load %arg10[%get3A_133, %get3A_134] {strides = array<i32>} : memref<16x640xf32, #tpu.memory_space<vmem>>, vector<16xf32>,
        %add3A_136 = arith.addf %add3A_129, %get3A_135 : vector<16xf32>
        %mul3A_137 = arith.constant 16 : i32
        %mul3A_138 = arith.muli %scan3A_33, %mul3A_137 : i32
        %get3A_139 = arith.constant 15 : i32
        %get3A_140 = arith.index_cast %get3A_139 : i32 to index
        %get3A_141 = arith.index_cast %mul3A_138 : i32 to index
        %get3A_142 = tpu.vector_load %arg10[%get3A_140, %get3A_141] {strides = array<i32>} : memref<16x640xf32, #tpu.memory_space<vmem>>, vector<16xf32>,
        %add3A_143 = arith.addf %add3A_136, %get3A_142 : vector<16xf32>
        %mul3A_144 = arith.constant 16 : i32
        %mul3A_145 = arith.muli %scan3A_33, %mul3A_144 : i32
        %swap3A = arith.index_cast %mul3A_145 : i32 to index
        %swap3A_146 = tpu.vector_load %arg11[%swap3A] {strides = array<i32>} : memref<640xf32, #tpu.memory_space<vmem>>, vector<16xf32>,
        tpu.vector_store %arg11[%swap3A], %add3A_143 {strides = array<i32>} : memref<640xf32, #tpu.memory_space<vmem>>, vector<16xf32>,
      }
      %scan3A_32 = arith.constant 25 : i32
      "tpu.region"() ({
        %run_scoped3A = tpu.sem_alloc : memref<!tpu.dma_semaphore, #tpu.memory_space<semaphore_mem>>
        %dma_start3A = arith.constant 0 : i32
        %dma_start3A_33 = tpu.memref_slice %arg11[%dma_start3A] : memref<640xf32, #tpu.memory_space<vmem>> -> memref<400xf32, #tpu.memory_space<vmem>>
        %dma_start3A_34 = arith.constant 9600 : i32
        %dma_start3A_35 = tpu.memref_slice %arg5[%arg0, %dma_start3A_34] : memref<2x10000xf32, #tpu.memory_space<hbm>> -> memref<1x400xf32, #tpu.memory_space<hbm>>
        %dma_start3A_36 = tpu.memref_squeeze %dma_start3A_35 : memref<1x400xf32, #tpu.memory_space<hbm>> -> memref<400xf32, #tpu.memory_space<hbm>>
        %dma_start3A_37 = arith.constant 9600 : i32
        %dma_start3A_38 = tpu.memref_slice %arg5[%arg0, %dma_start3A_37] : memref<2x10000xf32, #tpu.memory_space<hbm>> -> memref<1x400xf32, #tpu.memory_space<hbm>>
        %dma_start3A_39 = tpu.memref_squeeze %dma_start3A_38 : memref<1x400xf32, #tpu.memory_space<hbm>> -> memref<400xf32, #tpu.memory_space<hbm>>
        %dma_start3A_40 = arith.constant 0 : i32
        %dma_start3A_41 = tpu.memref_slice %arg11[%dma_start3A_40] : memref<640xf32, #tpu.memory_space<vmem>> -> memref<400xf32, #tpu.memory_space<vmem>>
        tpu.enqueue_dma source(%dma_start3A_41 : memref<400xf32, #tpu.memory_space<vmem>>) target(%dma_start3A_39 : memref<400xf32, #tpu.memory_space<hbm>>) target_semaphore(%run_scoped3A : memref<!tpu.dma_semaphore, #tpu.memory_space<semaphore_mem>>)
        %dma_wait3A = arith.constant 0 : i32
        %dma_wait3A_42 = tpu.memref_slice %arg11[%dma_wait3A] : memref<640xf32, #tpu.memory_space<vmem>> -> memref<400xf32, #tpu.memory_space<vmem>>
        %dma_wait3A_43 = arith.constant 9600 : i32
        %dma_wait3A_44 = tpu.memref_slice %arg5[%arg0, %dma_wait3A_43] : memref<2x10000xf32, #tpu.memory_space<hbm>> -> memref<1x400xf32, #tpu.memory_space<hbm>>
        %dma_wait3A_45 = tpu.memref_squeeze %dma_wait3A_44 : memref<1x400xf32, #tpu.memory_space<hbm>> -> memref<400xf32, #tpu.memory_space<hbm>>
        %dma_wait3A_46 = arith.constant 9600 : i32
        %dma_wait3A_47 = tpu.memref_slice %arg5[%arg0, %dma_wait3A_46] : memref<2x10000xf32, #tpu.memory_space<hbm>> -> memref<1x400xf32, #tpu.memory_space<hbm>>
        %dma_wait3A_48 = tpu.memref_squeeze %dma_wait3A_47 : memref<1x400xf32, #tpu.memory_space<hbm>> -> memref<400xf32, #tpu.memory_space<hbm>>
        %dma_wait3A_49 = arith.constant 0 : i32
        %dma_wait3A_50 = tpu.memref_slice %arg11[%dma_wait3A_49] : memref<640xf32, #tpu.memory_space<vmem>> -> memref<400xf32, #tpu.memory_space<vmem>>
        tpu.wait_dma2 semaphore(%run_scoped3A : memref<!tpu.dma_semaphore, #tpu.memory_space<semaphore_mem>>) src(%dma_wait3A_50 : memref<400xf32, #tpu.memory_space<vmem>>) dst(%dma_wait3A_48 : memref<400xf32, #tpu.memory_space<hbm>>)
        tpu.yield
      }) : () -> ()
    } else {
    }
    return
  }
}

#map = affine_map<(d0, d1) -> (0, 0)>
#map1 = affine_map<(d0, d1) -> (0, 0, 0)>
#map2 = affine_map<(d0, d1) -> (0, 0, 0, 0)>
module attributes {stable_mosaic.version = 14 : i64} {
  func.func @_agg_body(%arg0: i32, %arg1: i32, %arg2: memref<10000x16xf32, #tpu.memory_space<hbm>>, %arg3: memref<32x8x1250xi32, #tpu.memory_space<hbm>>, %arg4: memref<32x8x1250xi32, #tpu.memory_space<hbm>>, %arg5: memref<2x16x625x16xf32, #tpu.memory_space<hbm>>, %arg6: memref<8x1250xi32, #tpu.memory_space<vmem>>, %arg7: memref<8x1250xi32, #tpu.memory_space<vmem>>, %arg8: memref<1250x16xf32, #tpu.memory_space<vmem>>, %arg9: memref<1250x16xf32, #tpu.memory_space<vmem>>, %arg10: memref<625x16xf32, #tpu.memory_space<vmem>>, %arg11: memref<10000x16xf32, #tpu.memory_space<vmem_shared>>, %arg12: memref<!tpu.dma_semaphore, #tpu.memory_space<semaphore_mem>>, %arg13: memref<!tpu.dma_semaphore, #tpu.memory_space<semaphore_mem>>) attributes {dimension_semantics = [#tpu.dimension_semantics<core_parallel>, #tpu.dimension_semantics<subcore_parallel>], iteration_bounds = array<i64: 2, 16>, scalar_prefetch = 0 : i64, scratch_operands = 8 : i64, tpu.core_type = #tpu.core_type<sc_vector_subcore>, window_params = [{transform_indices = #map}, {transform_indices = #map1}, {transform_indices = #map1}, {transform_indices = #map2}]} {
    %mul3A = arith.constant 16 : i32
    %mul3A_0 = arith.muli %arg0, %mul3A : i32
    %add3A = arith.addi %mul3A_0, %arg1 : i32
    "tpu.region"() ({
      %run_scoped3A = tpu.sem_alloc : memref<!tpu.dma_semaphore, #tpu.memory_space<semaphore_mem>>
      %dma_start3A_23 = arith.constant 0 : i32
      %dma_start3A_24 = arith.constant 0 : i32
      %dma_start3A_25 = tpu.memref_slice %arg3[%add3A, %dma_start3A_23, %dma_start3A_24] : memref<32x8x1250xi32, #tpu.memory_space<hbm>> -> memref<1x8x1250xi32, #tpu.memory_space<hbm>>
      %dma_start3A_26 = tpu.memref_squeeze %dma_start3A_25 : memref<1x8x1250xi32, #tpu.memory_space<hbm>> -> memref<8x1250xi32, #tpu.memory_space<hbm>>
      %dma_start3A_27 = arith.constant 0 : i32
      %dma_start3A_28 = arith.constant 0 : i32
      %dma_start3A_29 = tpu.memref_slice %arg3[%add3A, %dma_start3A_27, %dma_start3A_28] : memref<32x8x1250xi32, #tpu.memory_space<hbm>> -> memref<1x8x1250xi32, #tpu.memory_space<hbm>>
      %dma_start3A_30 = tpu.memref_squeeze %dma_start3A_29 : memref<1x8x1250xi32, #tpu.memory_space<hbm>> -> memref<8x1250xi32, #tpu.memory_space<hbm>>
      tpu.enqueue_dma source(%dma_start3A_30 : memref<8x1250xi32, #tpu.memory_space<hbm>>) target(%arg6 : memref<8x1250xi32, #tpu.memory_space<vmem>>) target_semaphore(%run_scoped3A : memref<!tpu.dma_semaphore, #tpu.memory_space<semaphore_mem>>)
      %dma_wait3A = arith.constant 0 : i32
      %dma_wait3A_31 = arith.constant 0 : i32
      %dma_wait3A_32 = tpu.memref_slice %arg3[%add3A, %dma_wait3A, %dma_wait3A_31] : memref<32x8x1250xi32, #tpu.memory_space<hbm>> -> memref<1x8x1250xi32, #tpu.memory_space<hbm>>
      %dma_wait3A_33 = tpu.memref_squeeze %dma_wait3A_32 : memref<1x8x1250xi32, #tpu.memory_space<hbm>> -> memref<8x1250xi32, #tpu.memory_space<hbm>>
      %dma_wait3A_34 = arith.constant 0 : i32
      %dma_wait3A_35 = arith.constant 0 : i32
      %dma_wait3A_36 = tpu.memref_slice %arg3[%add3A, %dma_wait3A_34, %dma_wait3A_35] : memref<32x8x1250xi32, #tpu.memory_space<hbm>> -> memref<1x8x1250xi32, #tpu.memory_space<hbm>>
      %dma_wait3A_37 = tpu.memref_squeeze %dma_wait3A_36 : memref<1x8x1250xi32, #tpu.memory_space<hbm>> -> memref<8x1250xi32, #tpu.memory_space<hbm>>
      tpu.wait_dma2 semaphore(%run_scoped3A : memref<!tpu.dma_semaphore, #tpu.memory_space<semaphore_mem>>) src(%dma_wait3A_37 : memref<8x1250xi32, #tpu.memory_space<hbm>>) dst(%arg6 : memref<8x1250xi32, #tpu.memory_space<vmem>>)
      tpu.yield
    }) : () -> ()
    "tpu.region"() ({
      %run_scoped3A = tpu.sem_alloc : memref<!tpu.dma_semaphore, #tpu.memory_space<semaphore_mem>>
      %dma_start3A_23 = arith.constant 0 : i32
      %dma_start3A_24 = arith.constant 0 : i32
      %dma_start3A_25 = tpu.memref_slice %arg4[%add3A, %dma_start3A_23, %dma_start3A_24] : memref<32x8x1250xi32, #tpu.memory_space<hbm>> -> memref<1x8x1250xi32, #tpu.memory_space<hbm>>
      %dma_start3A_26 = tpu.memref_squeeze %dma_start3A_25 : memref<1x8x1250xi32, #tpu.memory_space<hbm>> -> memref<8x1250xi32, #tpu.memory_space<hbm>>
      %dma_start3A_27 = arith.constant 0 : i32
      %dma_start3A_28 = arith.constant 0 : i32
      %dma_start3A_29 = tpu.memref_slice %arg4[%add3A, %dma_start3A_27, %dma_start3A_28] : memref<32x8x1250xi32, #tpu.memory_space<hbm>> -> memref<1x8x1250xi32, #tpu.memory_space<hbm>>
      %dma_start3A_30 = tpu.memref_squeeze %dma_start3A_29 : memref<1x8x1250xi32, #tpu.memory_space<hbm>> -> memref<8x1250xi32, #tpu.memory_space<hbm>>
      tpu.enqueue_dma source(%dma_start3A_30 : memref<8x1250xi32, #tpu.memory_space<hbm>>) target(%arg7 : memref<8x1250xi32, #tpu.memory_space<vmem>>) target_semaphore(%run_scoped3A : memref<!tpu.dma_semaphore, #tpu.memory_space<semaphore_mem>>)
      %dma_wait3A = arith.constant 0 : i32
      %dma_wait3A_31 = arith.constant 0 : i32
      %dma_wait3A_32 = tpu.memref_slice %arg4[%add3A, %dma_wait3A, %dma_wait3A_31] : memref<32x8x1250xi32, #tpu.memory_space<hbm>> -> memref<1x8x1250xi32, #tpu.memory_space<hbm>>
      %dma_wait3A_33 = tpu.memref_squeeze %dma_wait3A_32 : memref<1x8x1250xi32, #tpu.memory_space<hbm>> -> memref<8x1250xi32, #tpu.memory_space<hbm>>
      %dma_wait3A_34 = arith.constant 0 : i32
      %dma_wait3A_35 = arith.constant 0 : i32
      %dma_wait3A_36 = tpu.memref_slice %arg4[%add3A, %dma_wait3A_34, %dma_wait3A_35] : memref<32x8x1250xi32, #tpu.memory_space<hbm>> -> memref<1x8x1250xi32, #tpu.memory_space<hbm>>
      %dma_wait3A_37 = tpu.memref_squeeze %dma_wait3A_36 : memref<1x8x1250xi32, #tpu.memory_space<hbm>> -> memref<8x1250xi32, #tpu.memory_space<hbm>>
      tpu.wait_dma2 semaphore(%run_scoped3A : memref<!tpu.dma_semaphore, #tpu.memory_space<semaphore_mem>>) src(%dma_wait3A_37 : memref<8x1250xi32, #tpu.memory_space<hbm>>) dst(%arg7 : memref<8x1250xi32, #tpu.memory_space<vmem>>)
      tpu.yield
    }) : () -> ()
    %scan3A = arith.constant 0 : i32
    %scan3A_1 = arith.constant 0 : i32
    %scan3A_2 = arith.constant 625 : i32
    %scan3A_3 = arith.addi %scan3A_1, %scan3A_2 : i32
    %scan3A_4 = arith.constant 1 : i32
    scf.for %scan3A_23 = %scan3A_1 to %scan3A_3 step %scan3A_4  : i32 {
      %broadcast_in_dim3A = arith.constant 0.000000e+00 : f32
      %broadcast_in_dim3A_24 = vector.broadcast %broadcast_in_dim3A : f32 to vector<16xf32>
      %swap3A = arith.index_cast %scan3A_23 : i32 to index
      %swap3A_25 = arith.constant 0 : index
      %swap3A_26 = tpu.vector_load %arg10[%swap3A, %swap3A_25] {strides = array<i32>} : memref<625x16xf32, #tpu.memory_space<vmem>>, vector<16xf32>,
      tpu.vector_store %arg10[%swap3A, %swap3A_25], %broadcast_in_dim3A_24 {strides = array<i32>} : memref<625x16xf32, #tpu.memory_space<vmem>>, vector<16xf32>,
    }
    %scan3A_5 = arith.constant 625 : i32
    %mul3A_6 = arith.constant 625 : i32
    %mul3A_7 = arith.muli %arg1, %mul3A_6 : i32
    "tpu.region"() ({
      %run_scoped3A = tpu.sem_alloc : memref<!tpu.dma_semaphore, #tpu.memory_space<semaphore_mem>>
      %dma_start3A_23 = arith.constant 0 : i32
      %dma_start3A_24 = tpu.memref_slice %arg11[%mul3A_7, %dma_start3A_23] : memref<10000x16xf32, #tpu.memory_space<vmem_shared>> -> memref<625x16xf32, #tpu.memory_space<vmem_shared>>
      %dma_start3A_25 = arith.constant 0 : i32
      %dma_start3A_26 = tpu.memref_slice %arg11[%mul3A_7, %dma_start3A_25] : memref<10000x16xf32, #tpu.memory_space<vmem_shared>> -> memref<625x16xf32, #tpu.memory_space<vmem_shared>>
      tpu.enqueue_dma source(%arg10 : memref<625x16xf32, #tpu.memory_space<vmem>>) target(%dma_start3A_26 : memref<625x16xf32, #tpu.memory_space<vmem_shared>>) target_semaphore(%run_scoped3A : memref<!tpu.dma_semaphore, #tpu.memory_space<semaphore_mem>>)
      %dma_wait3A = arith.constant 0 : i32
      %dma_wait3A_27 = tpu.memref_slice %arg11[%mul3A_7, %dma_wait3A] : memref<10000x16xf32, #tpu.memory_space<vmem_shared>> -> memref<625x16xf32, #tpu.memory_space<vmem_shared>>
      %dma_wait3A_28 = arith.constant 0 : i32
      %dma_wait3A_29 = tpu.memref_slice %arg11[%mul3A_7, %dma_wait3A_28] : memref<10000x16xf32, #tpu.memory_space<vmem_shared>> -> memref<625x16xf32, #tpu.memory_space<vmem_shared>>
      tpu.wait_dma2 semaphore(%run_scoped3A : memref<!tpu.dma_semaphore, #tpu.memory_space<semaphore_mem>>) src(%arg10 : memref<625x16xf32, #tpu.memory_space<vmem>>) dst(%dma_wait3A_29 : memref<625x16xf32, #tpu.memory_space<vmem_shared>>)
      tpu.yield
    }) : () -> ()
    %barrier3A = arith.constant 0 : index
    tpu.barrier barrier_id(%barrier3A)
    %dma_start3A = arith.constant 0 : i32
    %dma_start3A_8 = arith.constant 0 : i32
    %dma_start3A_9 = tpu.memref_slice %arg6[%dma_start3A, %dma_start3A_8] : memref<8x1250xi32, #tpu.memory_space<vmem>> -> memref<1x1250xi32, #tpu.memory_space<vmem>>
    %dma_start3A_10 = tpu.memref_squeeze %dma_start3A_9 : memref<1x1250xi32, #tpu.memory_space<vmem>> -> memref<1250xi32, #tpu.memory_space<vmem>>
    %dma_start3A_11 = arith.constant 0 : i32
    %dma_start3A_12 = arith.constant 0 : i32
    %dma_start3A_13 = tpu.memref_slice %arg2[%dma_start3A_11, %dma_start3A_12] : memref<10000x16xf32, #tpu.memory_space<hbm>> -> memref<10000x16xf32, #tpu.memory_space<hbm>>
    tpu.enqueue_indirect_dma source(%dma_start3A_13 : memref<10000x16xf32, #tpu.memory_space<hbm>>) target(%arg8 : memref<1250x16xf32, #tpu.memory_space<vmem>>) offsets(%dma_start3A_10 : memref<1250xi32, #tpu.memory_space<vmem>>) semaphore(%arg12 : memref<!tpu.dma_semaphore, #tpu.memory_space<semaphore_mem>>)
    %scan3A_14 = arith.constant 0 : i32
    %scan3A_15 = arith.constant 0 : i32
    %scan3A_16 = arith.constant 4 : i32
    %scan3A_17 = arith.addi %scan3A_15, %scan3A_16 : i32
    %scan3A_18 = arith.constant 1 : i32
    scf.for %scan3A_23 = %scan3A_15 to %scan3A_17 step %scan3A_18  : i32 {
      %mul3A_24 = arith.constant 2 : i32
      %mul3A_25 = arith.muli %mul3A_24, %scan3A_23 : i32
      %add3A_26 = arith.constant 1 : i32
      %add3A_27 = arith.addi %mul3A_25, %add3A_26 : i32
      %dma_start3A_28 = arith.constant 0 : i32
      %dma_start3A_29 = tpu.memref_slice %arg6[%add3A_27, %dma_start3A_28] : memref<8x1250xi32, #tpu.memory_space<vmem>> -> memref<1x1250xi32, #tpu.memory_space<vmem>>
      %dma_start3A_30 = tpu.memref_squeeze %dma_start3A_29 : memref<1x1250xi32, #tpu.memory_space<vmem>> -> memref<1250xi32, #tpu.memory_space<vmem>>
      %dma_start3A_31 = arith.constant 0 : i32
      %dma_start3A_32 = arith.constant 0 : i32
      %dma_start3A_33 = tpu.memref_slice %arg2[%dma_start3A_31, %dma_start3A_32] : memref<10000x16xf32, #tpu.memory_space<hbm>> -> memref<10000x16xf32, #tpu.memory_space<hbm>>
      tpu.enqueue_indirect_dma source(%dma_start3A_33 : memref<10000x16xf32, #tpu.memory_space<hbm>>) target(%arg9 : memref<1250x16xf32, #tpu.memory_space<vmem>>) offsets(%dma_start3A_30 : memref<1250xi32, #tpu.memory_space<vmem>>) semaphore(%arg13 : memref<!tpu.dma_semaphore, #tpu.memory_space<semaphore_mem>>)
      %dma_wait3A = arith.constant 0 : i32
      %dma_wait3A_34 = tpu.memref_slice %arg6[%mul3A_25, %dma_wait3A] : memref<8x1250xi32, #tpu.memory_space<vmem>> -> memref<1x1250xi32, #tpu.memory_space<vmem>>
      %dma_wait3A_35 = tpu.memref_squeeze %dma_wait3A_34 : memref<1x1250xi32, #tpu.memory_space<vmem>> -> memref<1250xi32, #tpu.memory_space<vmem>>
      %dma_wait3A_36 = arith.constant 0 : i32
      %dma_wait3A_37 = arith.constant 0 : i32
      %dma_wait3A_38 = tpu.memref_slice %arg2[%dma_wait3A_36, %dma_wait3A_37] : memref<10000x16xf32, #tpu.memory_space<hbm>> -> memref<10000x16xf32, #tpu.memory_space<hbm>>
      tpu.wait_indirect_dma semaphore(%arg12 : memref<!tpu.dma_semaphore, #tpu.memory_space<semaphore_mem>>) src(%dma_wait3A_38 : memref<10000x16xf32, #tpu.memory_space<hbm>>) dst(%arg8 : memref<1250x16xf32, #tpu.memory_space<vmem>>)
      "tpu.region"() ({
        %run_scoped3A = tpu.sem_alloc : memref<!tpu.dma_semaphore, #tpu.memory_space<semaphore_mem>>
        %dma_start3A_49 = arith.constant 0 : i32
        %dma_start3A_50 = tpu.memref_slice %arg7[%mul3A_25, %dma_start3A_49] : memref<8x1250xi32, #tpu.memory_space<vmem>> -> memref<1x1250xi32, #tpu.memory_space<vmem>>
        %dma_start3A_51 = tpu.memref_squeeze %dma_start3A_50 : memref<1x1250xi32, #tpu.memory_space<vmem>> -> memref<1250xi32, #tpu.memory_space<vmem>>
        %dma_start3A_52 = arith.constant 0 : i32
        %dma_start3A_53 = arith.constant 0 : i32
        %dma_start3A_54 = tpu.memref_slice %arg11[%dma_start3A_52, %dma_start3A_53] : memref<10000x16xf32, #tpu.memory_space<vmem_shared>> -> memref<10000x16xf32, #tpu.memory_space<vmem_shared>>
        tpu.enqueue_indirect_dma source(%arg8 : memref<1250x16xf32, #tpu.memory_space<vmem>>) target(%dma_start3A_54 : memref<10000x16xf32, #tpu.memory_space<vmem_shared>>) offsets(%dma_start3A_51 : memref<1250xi32, #tpu.memory_space<vmem>>) semaphore(%run_scoped3A : memref<!tpu.dma_semaphore, #tpu.memory_space<semaphore_mem>>) {add = true}
        %dma_wait3A_55 = arith.constant 0 : i32
        %dma_wait3A_56 = tpu.memref_slice %arg7[%mul3A_25, %dma_wait3A_55] : memref<8x1250xi32, #tpu.memory_space<vmem>> -> memref<1x1250xi32, #tpu.memory_space<vmem>>
        %dma_wait3A_57 = tpu.memref_squeeze %dma_wait3A_56 : memref<1x1250xi32, #tpu.memory_space<vmem>> -> memref<1250xi32, #tpu.memory_space<vmem>>
        %dma_wait3A_58 = arith.constant 0 : i32
        %dma_wait3A_59 = arith.constant 0 : i32
        %dma_wait3A_60 = tpu.memref_slice %arg11[%dma_wait3A_58, %dma_wait3A_59] : memref<10000x16xf32, #tpu.memory_space<vmem_shared>> -> memref<10000x16xf32, #tpu.memory_space<vmem_shared>>
        tpu.wait_indirect_dma semaphore(%run_scoped3A : memref<!tpu.dma_semaphore, #tpu.memory_space<semaphore_mem>>) src(%arg8 : memref<1250x16xf32, #tpu.memory_space<vmem>>) dst(%dma_wait3A_60 : memref<10000x16xf32, #tpu.memory_space<vmem_shared>>)
        tpu.yield
      }) : () -> ()
      %add3A_39 = arith.constant 1 : i32
      %add3A_40 = arith.addi %scan3A_23, %add3A_39 : i32
      %lt3A = arith.constant 4 : i32
      %lt3A_41 = arith.cmpi slt, %add3A_40, %lt3A : i32
      %convert_element_type3A = arith.extui %lt3A_41 : i1 to i32
      %cond3A = arith.constant 0 : i32
      %cond3A_42 = arith.cmpi ne, %convert_element_type3A, %cond3A : i32
      scf.if %cond3A_42 {
        %add3A_49 = arith.constant 2 : i32
        %add3A_50 = arith.addi %mul3A_25, %add3A_49 : i32
        %dma_start3A_51 = arith.constant 0 : i32
        %dma_start3A_52 = tpu.memref_slice %arg6[%add3A_50, %dma_start3A_51] : memref<8x1250xi32, #tpu.memory_space<vmem>> -> memref<1x1250xi32, #tpu.memory_space<vmem>>
        %dma_start3A_53 = tpu.memref_squeeze %dma_start3A_52 : memref<1x1250xi32, #tpu.memory_space<vmem>> -> memref<1250xi32, #tpu.memory_space<vmem>>
        %dma_start3A_54 = arith.constant 0 : i32
        %dma_start3A_55 = arith.constant 0 : i32
        %dma_start3A_56 = tpu.memref_slice %arg2[%dma_start3A_54, %dma_start3A_55] : memref<10000x16xf32, #tpu.memory_space<hbm>> -> memref<10000x16xf32, #tpu.memory_space<hbm>>
        tpu.enqueue_indirect_dma source(%dma_start3A_56 : memref<10000x16xf32, #tpu.memory_space<hbm>>) target(%arg8 : memref<1250x16xf32, #tpu.memory_space<vmem>>) offsets(%dma_start3A_53 : memref<1250xi32, #tpu.memory_space<vmem>>) semaphore(%arg12 : memref<!tpu.dma_semaphore, #tpu.memory_space<semaphore_mem>>)
      } else {
      }
      %dma_wait3A_43 = arith.constant 0 : i32
      %dma_wait3A_44 = tpu.memref_slice %arg6[%add3A_27, %dma_wait3A_43] : memref<8x1250xi32, #tpu.memory_space<vmem>> -> memref<1x1250xi32, #tpu.memory_space<vmem>>
      %dma_wait3A_45 = tpu.memref_squeeze %dma_wait3A_44 : memref<1x1250xi32, #tpu.memory_space<vmem>> -> memref<1250xi32, #tpu.memory_space<vmem>>
      %dma_wait3A_46 = arith.constant 0 : i32
      %dma_wait3A_47 = arith.constant 0 : i32
      %dma_wait3A_48 = tpu.memref_slice %arg2[%dma_wait3A_46, %dma_wait3A_47] : memref<10000x16xf32, #tpu.memory_space<hbm>> -> memref<10000x16xf32, #tpu.memory_space<hbm>>
      tpu.wait_indirect_dma semaphore(%arg13 : memref<!tpu.dma_semaphore, #tpu.memory_space<semaphore_mem>>) src(%dma_wait3A_48 : memref<10000x16xf32, #tpu.memory_space<hbm>>) dst(%arg9 : memref<1250x16xf32, #tpu.memory_space<vmem>>)
      "tpu.region"() ({
        %run_scoped3A = tpu.sem_alloc : memref<!tpu.dma_semaphore, #tpu.memory_space<semaphore_mem>>
        %dma_start3A_49 = arith.constant 0 : i32
        %dma_start3A_50 = tpu.memref_slice %arg7[%add3A_27, %dma_start3A_49] : memref<8x1250xi32, #tpu.memory_space<vmem>> -> memref<1x1250xi32, #tpu.memory_space<vmem>>
        %dma_start3A_51 = tpu.memref_squeeze %dma_start3A_50 : memref<1x1250xi32, #tpu.memory_space<vmem>> -> memref<1250xi32, #tpu.memory_space<vmem>>
        %dma_start3A_52 = arith.constant 0 : i32
        %dma_start3A_53 = arith.constant 0 : i32
        %dma_start3A_54 = tpu.memref_slice %arg11[%dma_start3A_52, %dma_start3A_53] : memref<10000x16xf32, #tpu.memory_space<vmem_shared>> -> memref<10000x16xf32, #tpu.memory_space<vmem_shared>>
        tpu.enqueue_indirect_dma source(%arg9 : memref<1250x16xf32, #tpu.memory_space<vmem>>) target(%dma_start3A_54 : memref<10000x16xf32, #tpu.memory_space<vmem_shared>>) offsets(%dma_start3A_51 : memref<1250xi32, #tpu.memory_space<vmem>>) semaphore(%run_scoped3A : memref<!tpu.dma_semaphore, #tpu.memory_space<semaphore_mem>>) {add = true}
        %dma_wait3A_55 = arith.constant 0 : i32
        %dma_wait3A_56 = tpu.memref_slice %arg7[%add3A_27, %dma_wait3A_55] : memref<8x1250xi32, #tpu.memory_space<vmem>> -> memref<1x1250xi32, #tpu.memory_space<vmem>>
        %dma_wait3A_57 = tpu.memref_squeeze %dma_wait3A_56 : memref<1x1250xi32, #tpu.memory_space<vmem>> -> memref<1250xi32, #tpu.memory_space<vmem>>
        %dma_wait3A_58 = arith.constant 0 : i32
        %dma_wait3A_59 = arith.constant 0 : i32
        %dma_wait3A_60 = tpu.memref_slice %arg11[%dma_wait3A_58, %dma_wait3A_59] : memref<10000x16xf32, #tpu.memory_space<vmem_shared>> -> memref<10000x16xf32, #tpu.memory_space<vmem_shared>>
        tpu.wait_indirect_dma semaphore(%run_scoped3A : memref<!tpu.dma_semaphore, #tpu.memory_space<semaphore_mem>>) src(%arg9 : memref<1250x16xf32, #tpu.memory_space<vmem>>) dst(%dma_wait3A_60 : memref<10000x16xf32, #tpu.memory_space<vmem_shared>>)
        tpu.yield
      }) : () -> ()
    }
    %scan3A_19 = arith.constant 4 : i32
    %barrier3A_20 = arith.constant 0 : index
    tpu.barrier barrier_id(%barrier3A_20)
    %mul3A_21 = arith.constant 625 : i32
    %mul3A_22 = arith.muli %arg1, %mul3A_21 : i32
    "tpu.region"() ({
      %run_scoped3A = tpu.sem_alloc : memref<!tpu.dma_semaphore, #tpu.memory_space<semaphore_mem>>
      %dma_start3A_23 = arith.constant 0 : i32
      %dma_start3A_24 = tpu.memref_slice %arg11[%mul3A_22, %dma_start3A_23] : memref<10000x16xf32, #tpu.memory_space<vmem_shared>> -> memref<625x16xf32, #tpu.memory_space<vmem_shared>>
      %dma_start3A_25 = arith.constant 0 : i32
      %dma_start3A_26 = tpu.memref_slice %arg11[%mul3A_22, %dma_start3A_25] : memref<10000x16xf32, #tpu.memory_space<vmem_shared>> -> memref<625x16xf32, #tpu.memory_space<vmem_shared>>
      tpu.enqueue_dma source(%dma_start3A_26 : memref<625x16xf32, #tpu.memory_space<vmem_shared>>) target(%arg10 : memref<625x16xf32, #tpu.memory_space<vmem>>) target_semaphore(%run_scoped3A : memref<!tpu.dma_semaphore, #tpu.memory_space<semaphore_mem>>)
      %dma_wait3A = arith.constant 0 : i32
      %dma_wait3A_27 = tpu.memref_slice %arg11[%mul3A_22, %dma_wait3A] : memref<10000x16xf32, #tpu.memory_space<vmem_shared>> -> memref<625x16xf32, #tpu.memory_space<vmem_shared>>
      %dma_wait3A_28 = arith.constant 0 : i32
      %dma_wait3A_29 = tpu.memref_slice %arg11[%mul3A_22, %dma_wait3A_28] : memref<10000x16xf32, #tpu.memory_space<vmem_shared>> -> memref<625x16xf32, #tpu.memory_space<vmem_shared>>
      tpu.wait_dma2 semaphore(%run_scoped3A : memref<!tpu.dma_semaphore, #tpu.memory_space<semaphore_mem>>) src(%dma_wait3A_29 : memref<625x16xf32, #tpu.memory_space<vmem_shared>>) dst(%arg10 : memref<625x16xf32, #tpu.memory_space<vmem>>)
      tpu.yield
    }) : () -> ()
    "tpu.region"() ({
      %run_scoped3A = tpu.sem_alloc : memref<!tpu.dma_semaphore, #tpu.memory_space<semaphore_mem>>
      %dma_start3A_23 = arith.constant 0 : i32
      %dma_start3A_24 = arith.constant 0 : i32
      %dma_start3A_25 = tpu.memref_slice %arg5[%arg0, %arg1, %dma_start3A_23, %dma_start3A_24] : memref<2x16x625x16xf32, #tpu.memory_space<hbm>> -> memref<1x1x625x16xf32, #tpu.memory_space<hbm>>
      %dma_start3A_26 = tpu.memref_squeeze %dma_start3A_25 : memref<1x1x625x16xf32, #tpu.memory_space<hbm>> -> memref<625x16xf32, #tpu.memory_space<hbm>>
      %dma_start3A_27 = arith.constant 0 : i32
      %dma_start3A_28 = arith.constant 0 : i32
      %dma_start3A_29 = tpu.memref_slice %arg5[%arg0, %arg1, %dma_start3A_27, %dma_start3A_28] : memref<2x16x625x16xf32, #tpu.memory_space<hbm>> -> memref<1x1x625x16xf32, #tpu.memory_space<hbm>>
      %dma_start3A_30 = tpu.memref_squeeze %dma_start3A_29 : memref<1x1x625x16xf32, #tpu.memory_space<hbm>> -> memref<625x16xf32, #tpu.memory_space<hbm>>
      tpu.enqueue_dma source(%arg10 : memref<625x16xf32, #tpu.memory_space<vmem>>) target(%dma_start3A_30 : memref<625x16xf32, #tpu.memory_space<hbm>>) target_semaphore(%run_scoped3A : memref<!tpu.dma_semaphore, #tpu.memory_space<semaphore_mem>>)
      %dma_wait3A = arith.constant 0 : i32
      %dma_wait3A_31 = arith.constant 0 : i32
      %dma_wait3A_32 = tpu.memref_slice %arg5[%arg0, %arg1, %dma_wait3A, %dma_wait3A_31] : memref<2x16x625x16xf32, #tpu.memory_space<hbm>> -> memref<1x1x625x16xf32, #tpu.memory_space<hbm>>
      %dma_wait3A_33 = tpu.memref_squeeze %dma_wait3A_32 : memref<1x1x625x16xf32, #tpu.memory_space<hbm>> -> memref<625x16xf32, #tpu.memory_space<hbm>>
      %dma_wait3A_34 = arith.constant 0 : i32
      %dma_wait3A_35 = arith.constant 0 : i32
      %dma_wait3A_36 = tpu.memref_slice %arg5[%arg0, %arg1, %dma_wait3A_34, %dma_wait3A_35] : memref<2x16x625x16xf32, #tpu.memory_space<hbm>> -> memref<1x1x625x16xf32, #tpu.memory_space<hbm>>
      %dma_wait3A_37 = tpu.memref_squeeze %dma_wait3A_36 : memref<1x1x625x16xf32, #tpu.memory_space<hbm>> -> memref<625x16xf32, #tpu.memory_space<hbm>>
      tpu.wait_dma2 semaphore(%run_scoped3A : memref<!tpu.dma_semaphore, #tpu.memory_space<semaphore_mem>>) src(%arg10 : memref<625x16xf32, #tpu.memory_space<vmem>>) dst(%dma_wait3A_37 : memref<625x16xf32, #tpu.memory_space<hbm>>)
      tpu.yield
    }) : () -> ()
    return
  }
}

module attributes {stable_mosaic.version = 14 : i64} {
  func.func @_mid_body(%arg0: memref<10000x128xf32, #tpu.memory_space<vmem>>, %arg1: memref<128x16xf32, #tpu.memory_space<vmem>>, %arg2: memref<2x10000xf32, #tpu.memory_space<vmem>>, %arg3: memref<2x10000xf32, #tpu.memory_space<vmem>>, %arg4: memref<10000x16xf32, #tpu.memory_space<vmem>>, %arg5: memref<10000x16xf32, #tpu.memory_space<vmem>>) attributes {dimension_semantics = [], scalar_prefetch = 0 : i64, scratch_operands = 0 : i64, tpu.core_type = #tpu.core_type<tc>} {
    %get3A = arith.constant 0 : index
    %get3A_0 = arith.constant 0 : index
    %get3A_1 = vector.load %arg0[%get3A, %get3A_0] : memref<10000x128xf32, #tpu.memory_space<vmem>>, vector<10000x128xf32>
    %get3A_2 = arith.constant 0 : index
    %get3A_3 = arith.constant 0 : index
    %get3A_4 = vector.load %arg1[%get3A_2, %get3A_3] : memref<128x16xf32, #tpu.memory_space<vmem>>, vector<128x16xf32>
    %dot_general3A = arith.constant dense<0.000000e+00> : vector<10000x16xf32>
    %dot_general3A_5 = tpu.matmul %get3A_1, %get3A_4, %dot_general3A {dimension_numbers = #tpu.dot_dimension_numbers<[1], [0], [0], [1], [0, 0, 1, 1], [], []>, transpose_lhs_hint = false} : vector<10000x128xf32>, vector<128x16xf32>, vector<10000x16xf32> -> vector<10000x16xf32>
    %get3A_6 = arith.constant 0 : index
    %get3A_7 = arith.constant 0 : index
    %get3A_8 = vector.load %arg2[%get3A_6, %get3A_7] : memref<2x10000xf32, #tpu.memory_space<vmem>>, vector<2x10000xf32>
    %reduce_sum3A = arith.constant dense<0.000000e+00> : vector<10000xf32>
    %reduce_sum3A_9 = vector.multi_reduction <add>, %get3A_8, %reduce_sum3A [0] : vector<2x10000xf32> to vector<10000xf32>
    %max3A = arith.constant 1.000000e+00 : f32
    %max3A_10 = vector.broadcast %max3A : f32 to vector<10000xf32>
    %max3A_11 = arith.maximumf %reduce_sum3A_9, %max3A_10 : vector<10000xf32>
    %rsqrt3A = math.rsqrt %max3A_11 : vector<10000xf32>
    %broadcast_in_dim3A = vector.shape_cast %rsqrt3A : vector<10000xf32> to vector<10000x1xf32>
    %mul3A = vector.broadcast %broadcast_in_dim3A : vector<10000x1xf32> to vector<10000x16xf32>
    %mul3A_12 = arith.mulf %dot_general3A_5, %mul3A : vector<10000x16xf32>
    %swap3A = arith.constant 0 : index
    %swap3A_13 = arith.constant 0 : index
    %swap3A_14 = vector.load %arg4[%swap3A, %swap3A_13] : memref<10000x16xf32, #tpu.memory_space<vmem>>, vector<10000x16xf32>
    tpu.vector_store %arg4[%swap3A, %swap3A_13], %mul3A_12 {strides = array<i32>} : memref<10000x16xf32, #tpu.memory_space<vmem>>, vector<10000x16xf32>,
    %get3A_15 = arith.constant 0 : index
    %get3A_16 = arith.constant 0 : index
    %get3A_17 = vector.load %arg3[%get3A_15, %get3A_16] : memref<2x10000xf32, #tpu.memory_space<vmem>>, vector<2x10000xf32>
    %reduce_sum3A_18 = arith.constant dense<0.000000e+00> : vector<10000xf32>
    %reduce_sum3A_19 = vector.multi_reduction <add>, %get3A_17, %reduce_sum3A_18 [0] : vector<2x10000xf32> to vector<10000xf32>
    %max3A_20 = arith.constant 1.000000e+00 : f32
    %max3A_21 = vector.broadcast %max3A_20 : f32 to vector<10000xf32>
    %max3A_22 = arith.maximumf %reduce_sum3A_19, %max3A_21 : vector<10000xf32>
    %rsqrt3A_23 = math.rsqrt %max3A_22 : vector<10000xf32>
    %broadcast_in_dim3A_24 = vector.shape_cast %rsqrt3A_23 : vector<10000xf32> to vector<10000x1xf32>
    %broadcast_in_dim3A_25 = vector.shape_cast %broadcast_in_dim3A_24 : vector<10000x1xf32> to vector<10000x1xf32>
    %broadcast_in_dim3A_26 = vector.broadcast %broadcast_in_dim3A_25 : vector<10000x1xf32> to vector<10000x16xf32>
    %swap3A_27 = arith.constant 0 : index
    %swap3A_28 = arith.constant 0 : index
    %swap3A_29 = vector.load %arg5[%swap3A_27, %swap3A_28] : memref<10000x16xf32, #tpu.memory_space<vmem>>, vector<10000x16xf32>
    tpu.vector_store %arg5[%swap3A_27, %swap3A_28], %broadcast_in_dim3A_26 {strides = array<i32>} : memref<10000x16xf32, #tpu.memory_space<vmem>>, vector<10000x16xf32>,
    return
  }
}

</mosaic_0001>

<sc_bundles>
// kernel: kernel.12.cloned.1.call-start
scs
__scs_entry_jumppad:
0x0: {  	(pc) =	sbr.rel $0x88, $3  }
0x1: {  	(tag) =	ssettag $0x0;
	lr =	simm.s32 $0x1  }
0x2: {  	[smem:$0x3F9D] =	sst lr;
	_ =	strace $0xD0000000  }
0x3: {  	_ = 	snop  }
0x4: {  	_ = 	snop  }
0x5: {  	_ = 	snop  }
0x6: {  	_ = 	snop  }
0x7: {  	_ = 	snop  }
__scs_overlays_trampoline_lowered:
0x8: {  	[smem:$0x3FAC] =	sst s0  }
0x9: {  	[smem:$0x3FAD] =	sst s1  }
0xa: {  	[smem:$0x3FAE] =	sst s2  }
0xb: {  	[smem:$0x3FAF] =	sst s3  }
0xc: {  	[smem:$0x3FB0] =	sst s4  }
0xd: {  	[smem:$0x3FB1] =	sst s5  }
0xe: {  	[smem:$0x3FB2] =	sst s6  }
0xf: {  	[smem:$0x3FB3] =	sst s7  }
0x10: {  	[smem:$0x3FB4] =	sst s8  }
0x11: {  	[smem:$0x3FB5] =	sst s9;
	s0 =	simm.s32 @!p0 $0x0  }
0x12: {  	s1 =	sld [smem:$0x3F9B];
	s0 =	simm.s32 @p0 $0x1  }
0x13: {  	[smem:$0x3FB6] =	sst s0;
	s0 =	simm.s32 @!p1 $0x0  }
0x14: {  	s2 =	sld [smem:$0x3F9A];
	s0 =	simm.s32 @p1 $0x1  }
0x15: {  	[smem:$0x3FB7] =	sst s0;
	s0 =	simm.s32 @!p2 $0x0  }
0x16: {  	s3 =	sld [smem:$0x3FDB];
	s0 =	simm.s32 @p2 $0x1  }
0x17: {  	s4 =	simm.s32 $0x1BF5;
	[smem:$0x3FB9] =	sst s0  }
0x18: {  	s0 =	sld [smem:$0x3F9C];
	_ =	swait.ge [sflag:s4], $0x0  }
0x19: {  	s7 =	sld [smem:$0x3F9D]  }
0x1a: {  	s8 =	sadd.s32 $0xFFFFE003, lr  }
0x1b: {  	s9 =	sadd.s32 $0xFFFFFEF7, lr;
	s5 =	simm.s32 $0xFFFFFFFF;
	p2 =	slt.u32 s8, $0xFFFFF086  }
0x1c: {  	p1 =	slt.u32 s9, $0xF7A;
	s5 =	simm.s32 @!p2 $0x0  }
0x1d: {  	s5 =	simm.s32 @p1 $0x1;
	p0 =	seq.s32 s7, s2  }
0x1e: {  	s7 =	smul.u32 @!p0 $0xF7A, s2;
	p2 =	seq.s32 @!p0 s5, $0x0  }
0x1f: {  	s9 =	smul.u32 $0xF7A, s1;
	s8 =	simm.s32 @!p0 $0x1BF5;
	p2 =	por !p2, p0  }
0x20: {  	[sflag:s8] =	ssyncset.s32 @!p0 $0xFFFFF086;
	s6 =	sadd.s32 @!p0 s3, s7;
	s7 =	simm.s32 @!p0 $0x108  }
0x21: {  	s3 =	sadd.s32 s3, s9;
	s6 =	sadd.s32 @!p0 $0x88, s6;
	s7 =	simm.s32 @p2 $0x1082  }
0x22: {  	[simem:s7], [sflag:s8] =	dma.local @!p0 [hbm:s6], $0xF7A  }
0x23: {  	s9 =	sor.u32 $0xD0000000, s2;
	s6 =	simm.s32 $0x108;
	_ =	swait.ge @!p0 [sflag:s8], $0x0  }
0x24: {  	s3 =	sadd.s32 $0x88, s3;
	s6 =	simm.s32 @!p1 $0x1082;
	[sflag:s4] =	ssyncset.s32 $0xFFFFF086  }
0x25: {  	[simem:s6], [sflag:s4] =	dma.local [hbm:s3], $0xF7A  }
0x26: {  	[smem:$0x3F9D] =	sst s1;
	(tag) =	ssettag s2;
	_ =	strace s9  }
0x27: {  	s1 =	sld [smem:$0x3FAD]  }
0x28: {  	s2 =	sld [smem:$0x3FAE]  }
0x29: {  	s4 =	sld [smem:$0x3FB0]  }
0x2a: {  	p0 =	seq.s32 s5, $0x0;
	s5 =	sld [smem:$0x3FB1]  }
0x2b: {  	s6 =	sld [smem:$0x3FB2]  }
0x2c: {  	s7 =	sld [smem:$0x3FB3]  }
0x2d: {  	s3 =	simm.s32 $0x108;
	s8 =	sld [smem:$0x3FB4]  }
0x2e: {  	s3 =	simm.s32 @!p0 $0x1082;
	s9 =	sld [smem:$0x3FB5]  }
0x2f: {  	lr =	sadd.s32 s0, s3;
	s0 =	sld [smem:$0x3FAC]  }
0x30: {  	s3 =	sld [smem:$0x3FAF]  }
0x31: {  	[smem:$0x3FB8] =	sst s10  }
0x32: {  	s10 =	sld [smem:$0x3FB6];
	_ =	sdelay $0x3  }
0x33: {  	p0 =	seq.s32 s10, $0x1;
	s10 =	sld [smem:$0x3FB8];
	_ =	sdelay $0x3  }
0x34: {  	[smem:$0x3FB8] =	sst s10  }
0x35: {  	s10 =	sld [smem:$0x3FB7];
	_ =	sdelay $0x3  }
0x36: {  	p1 =	seq.s32 s10, $0x1;
	s10 =	sld [smem:$0x3FB8];
	_ =	sdelay $0x3  }
0x37: {  	[smem:$0x3FB8] =	sst s10  }
0x38: {  	s10 =	sld [smem:$0x3FB9]  }
0x39: {  	_ = 	snop;
	(pc) =	sbr.ind lr, $3  }
0x3a: {  	_ = 	snop  }
0x3b: {  	_ = 	snop  }
0x3c: {  	p2 =	seq.s32 s10, $0x1;
	s10 =	sld [smem:$0x3FB8]  }
0x3d: {  	_ =	shalt  }
0x3e: {  	_ =	shalt  }
0x3f: {  	_ =	shalt  }
0x40: {  	_ =	shalt  }
0x41: {  	_ =	shalt  }
0x42: {  	_ =	shalt  }
0x43: {  	_ =	shalt  }
0x44: {  	_ =	shalt  }
0x45: {  	_ =	shalt  }
0x46: {  	_ =	shalt  }
0x47: {  	_ =	shalt  }
0x48: {  	_ =	shalt  }
0x49: {  	_ =	shalt  }
0x4a: {  	_ =	shalt  }
0x4b: {  	_ =	shalt  }
0x4c: {  	_ =	shalt  }
0x4d: {  	_ =	shalt  }
0x4e: {  	_ =	shalt  }
0x4f: {  	_ =	shalt  }
0x50: {  	_ =	shalt  }
0x51: {  	_ =	shalt  }
0x52: {  	_ =	shalt  }
0x53: {  	_ =	shalt  }
0x54: {  	_ =	shalt  }
0x55: {  	_ =	shalt  }
0x56: {  	_ =	shalt  }
0x57: {  	_ =	shalt  }
0x58: {  	_ =	shalt  }
0x59: {  	_ =	shalt  }
0x5a: {  	_ =	shalt  }
0x5b: {  	_ =	shalt  }
0x5c: {  	_ =	shalt  }
0x5d: {  	_ =	shalt  }
0x5e: {  	_ =	shalt  }
0x5f: {  	_ =	shalt  }
0x60: {  	_ =	shalt  }
0x61: {  	_ =	shalt  }
0x62: {  	_ =	shalt  }
0x63: {  	_ =	shalt  }
0x64: {  	_ =	shalt  }
0x65: {  	_ =	shalt  }
0x66: {  	_ =	shalt  }
0x67: {  	_ =	shalt  }
0x68: {  	_ =	shalt  }
0x69: {  	_ =	shalt  }
0x6a: {  	_ =	shalt  }
0x6b: {  	_ =	shalt  }
0x6c: {  	_ =	shalt  }
0x6d: {  	_ =	shalt  }
0x6e: {  	_ =	shalt  }
0x6f: {  	_ =	shalt  }
0x70: {  	_ =	shalt  }
0x71: {  	_ =	shalt  }
0x72: {  	_ =	shalt  }
0x73: {  	_ =	shalt  }
0x74: {  	_ =	shalt  }
0x75: {  	_ =	shalt  }
0x76: {  	_ =	shalt  }
0x77: {  	_ =	shalt  }
0x78: {  	_ =	shalt  }
0x79: {  	_ =	shalt  }
0x7a: {  	_ =	shalt  }
0x7b: {  	_ =	shalt  }
0x7c: {  	_ =	shalt  }
0x7d: {  	_ =	shalt  }
0x7e: {  	_ =	shalt  }
0x7f: {  	_ =	shalt  }
0x80: {  	_ =	shalt  }
0x81: {  	_ =	shalt  }
0x82: {  	_ =	shalt  }
0x83: {  	_ =	shalt  }
0x84: {  	_ =	shalt  }
0x85: {  	_ =	shalt  }
0x86: {  	_ =	shalt  }
0x87: {  	_ =	shalt  }
.Lfunc_end0:
.L_simem_size_0:
called_computation.2_lowered:
.L_overlay_start_0:
0x88: {  	s2 =	sld [smem:$0x3FD9]  }
0x89: {  	s3 =	sld [smem:$0x3FFE];
	_ =	sdelay $0x1  }
0x8a: {  	s1 =	srdreg.scid  }
0x8b: {  	s0 =	sand.u32 $0x1, s1  }
0x8c: {  	s17 =	sshll.u32 s0, $0xA;
	s2 =	sadd.s32 s3, s2  }
0x8d: {  	s2 =	sadd.s32 s2, s17  }
0x8e: {  	[smem:$0x3FC4] =	sst s2  }
0x8f: {  	_ = 	snop  }
0x90: {  	s2 =	sld [smem:$0x3FC6]  }
0x91: {  	s18 =	sld [smem:$0x3FD0];
	(tm) =	ssettm $0x1  }
0x92: {  	s4 =	sld [smem:$0x3FFB];
	_ =	sdelay $0x3  }
0x93: {  	_ =	strace s4  }
0x94: {  	s4 =	sld [smem:$0x3FFC];
	_ =	sdelay $0x3  }
0x95: {  	_ =	strace s4  }
0x96: {  	s4 =	sld [smem:$0x3FFD];
	_ =	sdelay $0x3  }
0x97: {  	_ =	strace s4  }
0x98: {  	_ =	strace $0x8FFFFFFF  }
0x99: {  	s19 =	sld [smem:$0x3FDB];
	_ =	sdelay $0x1  }
0x9a: {  	s5 =	simm.s32 $_scs_section_size  }
0x9b: {  	s6 =	simm.s32 $_size__tile_overlayer_lowered;
	s7 =	simm.s32 $_tile_overlayer_lowered  }
0x9c: {  	s22 =	simm.s32 $0x1BFF;
	s21 =	sshll.u32 s7, $0x1;
	s4 =	sadd.s32 s5, s19  }
0x9d: {  	s8 =	simm.s32 $0x0;
	s20 =	sshll.u32 s6, $0x1;
	s6 =	sadd.s32 s21, s4  }
0x9e: {  	[timem:s8], [sflag:s22] =	dma.local [hbm:s6], s20  }
0x9f: {  	_ =	swait.ge [sflag:s22], s20  }
0xa0: {  	s5 =	ssub.s32 $0x0, s20;
	[sflag:s22] =	ssyncset.done $0x0  }
0xa1: {  	[sflag:s22] =	ssyncadd.s32 s5;
	_ =	sdelay $0x1  }
0xa2: {  	s23 =	simm.s32 $0x1B8B  }
0xa3: {  	_ =	swait.ge [sflag:s23], $0x1  }
0xa4: {  	[sflag:s23] =	ssyncset.done $0x0  }
0xa5: {  	s25 =	simm.s32 $0x1B8E;
	s24 =	sld [smem:$0x3FFE];
	[sflag:s23] =	ssyncadd.s32 $0xFFFFFFFF  }
0xa6: {  	s26 =	simm.s32 $execute0_lowered;
	[smem:$0x3FD2] =	sst s25  }
0xa7: {  	s6 =	sshll.u32 s26, $0x1;
	_ =	strace $0x8000004C;
	[dreg:$0x1] =	wrdreg $0xFFFFFFFF  }
0xa8: {  	s28 =	simm.s32 $_size_execute0_lowered;
	s4 =	sadd.s32 s4, s6;
	[dreg:$0x0] =	wrdreg $0x0  }
0xa9: {  	s6 =	sshll.u32 s28, $0x1;
	[dreg:$0x2] =	wrdreg s4  }
0xaa: {  	[dreg:$0x3] =	wrdreg s6  }
0xab: {  	[dreg:$0x4] =	wrdreg $0xC0  }
0xac: {  	_ =	task [dreg:s8], $0x5FFFF  }
0xad: {  	[dreg:$0x1] =	wrdreg $0xFFFFFFFF  }
0xae: {  	[dreg:$0x0] =	wrdreg $0x60  }
0xaf: {  	[dreg:$0x2] =	wrdreg s24  }
0xb0: {  	[dreg:$0x3] =	wrdreg s2  }
0xb1: {  	[dreg:$0x4] =	wrdreg s18  }
0xb2: {  	[dreg:$0x5] =	wrdreg $0x9  }
0xb3: {  	_ =	task.clear_ibuf [dreg:s8], $0x6FFFF;
	_ =	strace $0x9000004C  }
0xb4: {  	s29 =	simm.s32 $0x9;
	_ =	strace $0x8000004E  }
0xb5: {  	_ =	swait.ge [sflag:s29], $0x1  }
0xb6: {  	[sflag:s29] =	ssyncadd.s32 $0xFFFFFFFF  }
0xb7: {  	_ =	strace $0x9000004E  }
0xb8: {  	_ =	sfence  }
0xb9: {  	s30 =	sld [smem:$0x0];
	_ =	sdelay $0x2  }
0xba: {  	s31 =	sshll.u32 s1, $0xD;
	s1 =	sshrl.u32 s1, $0x2  }
0xbb: {  	s3 =	sand.u32 $0x4000, s31;
	s1 =	sadd.s32 s1, s30  }
0xbc: {  	s0 =	sor.u32 s3, s0;
	s1 =	sshll.u32 s1, $0x11  }
0xbd: {  	s0 =	sor.u32 s1, s0  }
0xbe: {  	s0 =	sadd.s32 $0x8F2B, s0  }
0xbf: {  	[sflag:s0] =	ssyncadd.remote.s32 $0x1  }
0xc0: {  	_ =	sfence.sel $0xFFFF  }
0xc1: {  	[dreg:$0x0] =	wrdreg $0xFFFFFFFF;
	(pc) =	sbr.abs _section_cstart, $3  }
0xc2: {  	[dreg:$0x1] =	wrdreg $0xFFFFFFFF  }
0xc3: {  	_ =	task.clear_ibuf [dreg:s8], $0x2FFFF;
	_ =	strace $0x9FFFFFFF  }
0xc4: {  	(tm) =	ssettm $0x7FFFFFFF  }
0xc5: {  	_ =	shalt  }
tec
execute0_lowered:
.L_overlay_start_1:
0x0: {  	(tag) =	ssettag $0x1  }
0x1: {  	s4 =	rddreg [dreg:$0x0]  }
0x2: {  	s1 =	rddreg [dreg:$0x1]  }
0x3: {  	s11 =	rddreg [dreg:$0x2]  }
0x4: {  	s0 =	rddreg [dreg:$0x3];
	s3 =	simm.s32 $0x0;
	s5 =	srdreg.scid  }
0x5: {  	s2 =	stileid.u32;
	s15 =	simm.s32 $0x1390;
	s16 =	simm.s32 $0x2720  }
0x6: {  	s17 =	simm.s32 $0x3AC0;
	s18 =	simm.s32 $0x0;
	[smem:$0x7FF] =	sst s3  }
0x7: {  	s5 =	sand.u32 $0x1, s5;
	s6 =	smul.u32 $0x2710, s2;
	s8 =	sadd.s32 $0x1800, s4  }
0x8: {  	s10 =	sadd.s32 $0xB600, s4;
	s12 =	smul.u32 $0x4E2, s2;
	s31 =	ssub.s32 $0x2, s5  }
0x9: {  	_ =	strace $0x8000004D;
	p0 =	seq.s32 s5, $0x1;
	s7 =	sshrl.u32 s31, $0x1  }
.Ltmp0:
0xa: {  	s9 =	sshrl.u32 s6, $0x3;
	s6 =	sadd.s32 s10, s12;
	(pc) =	sbr.rel .LBB2_1-.Ltmp0, $4  }
0xb: {  	s13 =	ssub.s32 s31, s7;
	s4 =	sadd.s32 s8, s9;
	s14 =	sadd.s32 $0x270, s9  }
0xc: {  	s7 =	sadd.s32 s11, s12;
	s5 =	sadd.s32 $0x4E20, s4;
	s8 =	sadd.s32 s8, s14  }
0xd: {  	s9 =	sadd.s32 $0x5090, s4;
	s10 =	sadd.s32 s10, s14;
	s11 =	sadd.s32 s11, s14  }
0xe: {  	s12 =	smax.u32 s13, $0x1;
	s13 =	simm.s32 $0x3AB0;
	s14 =	simm.s32 $0x1  }
.LBB2_7:
0xf: {  	v1 =	vadd.f32 v3, v1;
	_ =	sdelay $0x1  }
0x10: {  	v1 =	vmul.f32 v2, v1;
	_ =	sdelay $0x1  }
0x11: {  	v0 =	vadd.f32 v1, v0  }
0x12: {  	[tilespmem:s19+$0x3AC0] =	vst v4  }
0x13: {  	[tilespmem:s20+$0x3AC0] =	vst v0  }
0x14: {  	[hbm4b:s11+s3] =	stream.linear.scatter [tilespmem:s17], [sflag:$0x1], $0x1390, $0x38;
	[tilespmem:$0x4E50] =	vst v63  }
0x15: {  	_ =	swait.ge [sflag:s14], $0x1390  }
0x16: {  	[sflag:s14] =	ssyncset.done $0x0  }
0x17: {  	[sflag:s14] =	ssyncadd.s32 $0xFFFFEC70  }
.LBB2_8:
0x18: {  	s18 =	sadd.s32 $0x1, s18  }
0x19: {  	p1 =	sne.s32 s18, s12  }
.Ltmp1:
0x1a: {  	_ = 	snop;
	(pc) =	sbr.rel @!p1 .LBB2_9-.Ltmp1, $1  }
0x1b: {  	_ =	sdelay $0x3  }
.LBB2_1:
0x1c: {  	[tilespmem:s13], [sflag:$0x1] =	stream.linear.gather [hbm4b:s1+s3], $0x10, $0x38;
	[tilespmem:$0x4E50] =	vst v63  }
.Ltmp2:
0x1d: {  	_ = 	snop;
	(pc) =	sbr.rel @!p0 .LBB2_2-.Ltmp2, $4  }
0x1e: {  	_ =	swait.ge [sflag:s14], $0x10  }
0x1f: {  	[sflag:s14] =	ssyncset.done $0x0  }
0x20: {  	[sflag:s14] =	ssyncadd.s32 $0xFFFFFFF0  }
0x21: {  	s19 =	simm.s32 $0x0;
	v0 =	vld [tilespmem:$0x3AB0]  }
0x22: {  	[tilespmem:s19], [sflag:$0x1] =	stream.linear.gather [hbm4b:s8+s19], $0x1390, $0x38;
	[tilespmem:$0x4E50] =	vst v63  }
0x23: {  	_ =	swait.ge [sflag:s14], $0x1390  }
0x24: {  	[sflag:s14] =	ssyncset.done $0x0  }
0x25: {  	[sflag:s14] =	ssyncadd.s32 $0xFFFFEC70  }
0x26: {  	[tilespmem:s15], [sflag:$0x1] =	stream.linear.gather [hbm4b:s9+s19], $0x1390, $0x38;
	[tilespmem:$0x4E50] =	vst v63  }
0x27: {  	_ =	swait.ge [sflag:s14], $0x1390  }
0x28: {  	[sflag:s14] =	ssyncset.done $0x0  }
0x29: {  	[sflag:s14] =	ssyncadd.s32 $0xFFFFEC70  }
0x2a: {  	[tilespmem:s16], [sflag:$0x1] =	stream.linear.gather [hbm4b:s10+s19], $0x1390, $0x38;
	[tilespmem:$0x4E50] =	vst v63  }
0x2b: {  	_ =	swait.ge [sflag:s14], $0x1390  }
0x2c: {  	[sflag:s14] =	ssyncset.done $0x0  }
0x2d: {  	s19 =	simm.s32 $0x0;
	[sflag:s14] =	ssyncadd.s32 $0xFFFFEC70  }
0x2e: {  	v1 =	vld [tilespmem:s19+$0x0]  }
0x2f: {  	v2 =	vld [tilespmem:s19+$0x1390];
	_ =	sdelay $0x1  }
0x30: {  	v3 =	vld [tilespmem:s19+$0x2720];
	_ =	sdelay $0x2  }
0x31: {  	s20 =	simm.s32 $0x10;
	v2 =	vadd.f32 v2, v1  }
0x32: {  	v1 =	vld [tilespmem:s20+$0x0]  }
0x33: {  	v4 =	vmul.f32 v3, v2;
	v3 =	vld [tilespmem:s20+$0x1390];
	_ =	sdelay $0x1  }
0x34: {  	v2 =	vld [tilespmem:s20+$0x2720]  }
0x35: {  	s21 =	simm.s32 $0x80;
	v4 =	vadd.f32 v4, v0  }
.LBB2_6:
0x36: {  	s22 =	sshra.s32 s21, $0x2;
	p1 =	sne.s32 s21, $0x4E00  }
.Ltmp3:
0x37: {  	s21 =	sadd.s32 $0x40, s21;
	v5 =	vadd.f32 v3, v1;
	v1 =	vld [tilespmem:s22+$0x0];
	[tilespmem:s19+$0x3AC0] =	vst v4;
	(pc) =	sbr.rel @p1 .LBB2_6-.Ltmp3, $4  }
0x38: {  	s19 =	smov.u32 s20;
	s20 =	smov.u32 s22;
	v3 =	vld [tilespmem:s22+$0x1390]  }
0x39: {  	v4 =	vmul.f32 v2, v5  }
0x3a: {  	v2 =	vld [tilespmem:s20+$0x2720]  }
0x3b: {  	v4 =	vadd.f32 v4, v0  }
.Ltmp4:
0x3c: {  	_ = 	snop;
	(pc) =	sbr.rel .LBB2_7-.Ltmp4, $1  }
0x3d: {  	_ =	sdelay $0x3  }
.LBB2_2:
0x3e: {  	[tilespmem:s19], [sflag:$0x1] =	stream.linear.gather [hbm4b:s4+s19], $0x1380, $0x38;
	[tilespmem:$0x4E50] =	vst v63  }
0x3f: {  	_ =	swait.ge [sflag:s14], $0x1380  }
0x40: {  	[sflag:s14] =	ssyncset.done $0x0  }
0x41: {  	[sflag:s14] =	ssyncadd.s32 $0xFFFFEC80  }
0x42: {  	[tilespmem:s15], [sflag:$0x1] =	stream.linear.gather [hbm4b:s5+s19], $0x1380, $0x38;
	[tilespmem:$0x4E50] =	vst v63  }
0x43: {  	_ =	swait.ge [sflag:s14], $0x1380  }
0x44: {  	[sflag:s14] =	ssyncset.done $0x0  }
0x45: {  	[sflag:s14] =	ssyncadd.s32 $0xFFFFEC80  }
0x46: {  	[tilespmem:s16], [sflag:$0x1] =	stream.linear.gather [hbm4b:s6+s19], $0x1380, $0x38;
	[tilespmem:$0x4E50] =	vst v63  }
0x47: {  	_ =	swait.ge [sflag:s14], $0x1380  }
0x48: {  	[sflag:s14] =	ssyncset.done $0x0  }
0x49: {  	s19 =	simm.s32 $0x0;
	[sflag:s14] =	ssyncadd.s32 $0xFFFFEC80  }
0x4a: {  	v1 =	vld [tilespmem:s19+$0x0]  }
0x4b: {  	v2 =	vld [tilespmem:s19+$0x1390];
	_ =	sdelay $0x1  }
0x4c: {  	v3 =	vld [tilespmem:s19+$0x2720];
	_ =	sdelay $0x2  }
0x4d: {  	s20 =	simm.s32 $0x10;
	v2 =	vadd.f32 v2, v1  }
0x4e: {  	v1 =	vld [tilespmem:s20+$0x0]  }
0x4f: {  	v4 =	vmul.f32 v3, v2;
	v3 =	vld [tilespmem:s20+$0x1390];
	_ =	sdelay $0x1  }
0x50: {  	v2 =	vld [tilespmem:s20+$0x2720]  }
0x51: {  	s21 =	simm.s32 $0x80;
	v4 =	vadd.f32 v4, v0  }
.LBB2_3:
0x52: {  	s22 =	sshra.s32 s21, $0x2;
	p1 =	sne.s32 s21, $0x4DC0  }
.Ltmp5:
0x53: {  	s21 =	sadd.s32 $0x40, s21;
	v5 =	vadd.f32 v3, v1;
	v1 =	vld [tilespmem:s22+$0x0];
	[tilespmem:s19+$0x3AC0] =	vst v4;
	(pc) =	sbr.rel @p1 .LBB2_3-.Ltmp5, $4  }
0x54: {  	s19 =	smov.u32 s20;
	s20 =	smov.u32 s22;
	v3 =	vld [tilespmem:s22+$0x1390]  }
0x55: {  	v4 =	vmul.f32 v2, v5  }
0x56: {  	v2 =	vld [tilespmem:s20+$0x2720]  }
0x57: {  	v4 =	vadd.f32 v4, v0  }
0x58: {  	_ = 	snop  }
0x59: {  	v1 =	vadd.f32 v3, v1;
	_ =	sdelay $0x1  }
0x5a: {  	v1 =	vmul.f32 v2, v1;
	_ =	sdelay $0x1  }
0x5b: {  	v0 =	vadd.f32 v1, v0  }
0x5c: {  	[tilespmem:s19+$0x3AC0] =	vst v4  }
.Ltmp6:
0x5d: {  	[tilespmem:s20+$0x3AC0] =	vst v0;
	(pc) =	sbr.rel .LBB2_8-.Ltmp6, $4  }
0x5e: {  	[hbm4b:s7+s3] =	stream.linear.scatter [tilespmem:s17], [sflag:$0x1], $0x1380, $0x38;
	[tilespmem:$0x4E50] =	vst v63  }
0x5f: {  	_ =	swait.ge [sflag:s14], $0x1380  }
0x60: {  	[sflag:s14] =	ssyncset.done $0x0  }
0x61: {  	[sflag:s14] =	ssyncadd.s32 $0xFFFFEC80  }
.LBB2_9:
0x62: {  	_ =	sfence.sel $0x180000  }
0x63: {  	[bflag:$0x0] =	sbarrier.arrive $0xFFFF  }
0x64: {  	p0 =	sne.s32 s2, $0x0;
	_ =	strace $0x9000004D  }
0x65: {  	s0 =	sadd.s32 @!p0 $0x100000, s0;
	[bflag:$0x2] =	sbarrier.arrive $0xFFFF  }
0x66: {  	[sflag:s0] =	ssyncadd.tile.s32 @!p0 $0x1;
	_ =	shalt  }
.Lfunc_end2:
_tile_overlayer_lowered:
.L_overlay_start_2:
0x67: {  	(tag) =	ssettag $0x2  }
0x68: {  	s0 =	rddreg [dreg:$0x0];
	s2 =	stileid.u32  }
0x69: {  	s1 =	rddreg [dreg:$0x1];
	p0 =	sne.s32 s2, $0x0  }
0x6a: {  	s3 =	rddreg [dreg:$0x2];
	[bflag:$0x3] =	sbarrier.arrive $0xFFFF;
	s2 =	simm.s32 @!p0 $0x1C01  }
0x6b: {  	[timem:s3], [sflag:s2] =	dma.local @!p0 [hbm:s0], s1  }
0x6c: {  	s0 =	simm.s32 @!p0 $0x1  }
0x6d: {  	_ =	swait.ge @!p0 [sflag:s0], s1  }
0x6e: {  	s1 =	ssub.s32 @!p0 $0x0, s1;
	[sflag:s0] =	ssyncset.done @!p0 $0x0  }
0x6f: {  	[sflag:s0] =	ssyncadd.s32 @!p0 s1  }
0x70: {  	[bflag:$0x3] =	sbarrier.arrive $0xFFFF  }
0x71: {  	_ =	shalt  }

// kernel: kernel.6.cloned.1.call-start
scs
__scs_entry_jumppad:
0x0: {  	(pc) =	sbr.rel $0x88, $3  }
0x1: {  	(tag) =	ssettag $0x0;
	lr =	simm.s32 $0x1  }
0x2: {  	[smem:$0x3F9D] =	sst lr;
	_ =	strace $0xD0000000  }
0x3: {  	_ = 	snop  }
0x4: {  	_ = 	snop  }
0x5: {  	_ = 	snop  }
0x6: {  	_ = 	snop  }
0x7: {  	_ = 	snop  }
__scs_overlays_trampoline_lowered:
0x8: {  	[smem:$0x3FAC] =	sst s0  }
0x9: {  	[smem:$0x3FAD] =	sst s1  }
0xa: {  	[smem:$0x3FAE] =	sst s2  }
0xb: {  	[smem:$0x3FAF] =	sst s3  }
0xc: {  	[smem:$0x3FB0] =	sst s4  }
0xd: {  	[smem:$0x3FB1] =	sst s5  }
0xe: {  	[smem:$0x3FB2] =	sst s6  }
0xf: {  	[smem:$0x3FB3] =	sst s7  }
0x10: {  	[smem:$0x3FB4] =	sst s8  }
0x11: {  	[smem:$0x3FB5] =	sst s9;
	s0 =	simm.s32 @!p0 $0x0  }
0x12: {  	s1 =	sld [smem:$0x3F9B];
	s0 =	simm.s32 @p0 $0x1  }
0x13: {  	[smem:$0x3FB6] =	sst s0;
	s0 =	simm.s32 @!p1 $0x0  }
0x14: {  	s2 =	sld [smem:$0x3F9A];
	s0 =	simm.s32 @p1 $0x1  }
0x15: {  	[smem:$0x3FB7] =	sst s0;
	s0 =	simm.s32 @!p2 $0x0  }
0x16: {  	s3 =	sld [smem:$0x3FDB];
	s0 =	simm.s32 @p2 $0x1  }
0x17: {  	s4 =	simm.s32 $0x1BF5;
	[smem:$0x3FB9] =	sst s0  }
0x18: {  	s0 =	sld [smem:$0x3F9C];
	_ =	swait.ge [sflag:s4], $0x0  }
0x19: {  	s7 =	sld [smem:$0x3F9D]  }
0x1a: {  	s8 =	sadd.s32 $0xFFFFE003, lr  }
0x1b: {  	s9 =	sadd.s32 $0xFFFFFEF7, lr;
	s5 =	simm.s32 $0xFFFFFFFF;
	p2 =	slt.u32 s8, $0xFFFFF086  }
0x1c: {  	p1 =	slt.u32 s9, $0xF7A;
	s5 =	simm.s32 @!p2 $0x0  }
0x1d: {  	s5 =	simm.s32 @p1 $0x1;
	p0 =	seq.s32 s7, s2  }
0x1e: {  	s7 =	smul.u32 @!p0 $0xF7A, s2;
	p2 =	seq.s32 @!p0 s5, $0x0  }
0x1f: {  	s9 =	smul.u32 $0xF7A, s1;
	s8 =	simm.s32 @!p0 $0x1BF5;
	p2 =	por !p2, p0  }
0x20: {  	[sflag:s8] =	ssyncset.s32 @!p0 $0xFFFFF086;
	s6 =	sadd.s32 @!p0 s3, s7;
	s7 =	simm.s32 @!p0 $0x108  }
0x21: {  	s3 =	sadd.s32 s3, s9;
	s6 =	sadd.s32 @!p0 $0x88, s6;
	s7 =	simm.s32 @p2 $0x1082  }
0x22: {  	[simem:s7], [sflag:s8] =	dma.local @!p0 [hbm:s6], $0xF7A  }
0x23: {  	s9 =	sor.u32 $0xD0000000, s2;
	s6 =	simm.s32 $0x108;
	_ =	swait.ge @!p0 [sflag:s8], $0x0  }
0x24: {  	s3 =	sadd.s32 $0x88, s3;
	s6 =	simm.s32 @!p1 $0x1082;
	[sflag:s4] =	ssyncset.s32 $0xFFFFF086  }
0x25: {  	[simem:s6], [sflag:s4] =	dma.local [hbm:s3], $0xF7A  }
0x26: {  	[smem:$0x3F9D] =	sst s1;
	(tag) =	ssettag s2;
	_ =	strace s9  }
0x27: {  	s1 =	sld [smem:$0x3FAD]  }
0x28: {  	s2 =	sld [smem:$0x3FAE]  }
0x29: {  	s4 =	sld [smem:$0x3FB0]  }
0x2a: {  	p0 =	seq.s32 s5, $0x0;
	s5 =	sld [smem:$0x3FB1]  }
0x2b: {  	s6 =	sld [smem:$0x3FB2]  }
0x2c: {  	s7 =	sld [smem:$0x3FB3]  }
0x2d: {  	s3 =	simm.s32 $0x108;
	s8 =	sld [smem:$0x3FB4]  }
0x2e: {  	s3 =	simm.s32 @!p0 $0x1082;
	s9 =	sld [smem:$0x3FB5]  }
0x2f: {  	lr =	sadd.s32 s0, s3;
	s0 =	sld [smem:$0x3FAC]  }
0x30: {  	s3 =	sld [smem:$0x3FAF]  }
0x31: {  	[smem:$0x3FB8] =	sst s10  }
0x32: {  	s10 =	sld [smem:$0x3FB6];
	_ =	sdelay $0x3  }
0x33: {  	p0 =	seq.s32 s10, $0x1;
	s10 =	sld [smem:$0x3FB8];
	_ =	sdelay $0x3  }
0x34: {  	[smem:$0x3FB8] =	sst s10  }
0x35: {  	s10 =	sld [smem:$0x3FB7];
	_ =	sdelay $0x3  }
0x36: {  	p1 =	seq.s32 s10, $0x1;
	s10 =	sld [smem:$0x3FB8];
	_ =	sdelay $0x3  }
0x37: {  	[smem:$0x3FB8] =	sst s10  }
0x38: {  	s10 =	sld [smem:$0x3FB9]  }
0x39: {  	_ = 	snop;
	(pc) =	sbr.ind lr, $3  }
0x3a: {  	_ = 	snop  }
0x3b: {  	_ = 	snop  }
0x3c: {  	p2 =	seq.s32 s10, $0x1;
	s10 =	sld [smem:$0x3FB8]  }
0x3d: {  	_ =	shalt  }
0x3e: {  	_ =	shalt  }
0x3f: {  	_ =	shalt  }
0x40: {  	_ =	shalt  }
0x41: {  	_ =	shalt  }
0x42: {  	_ =	shalt  }
0x43: {  	_ =	shalt  }
0x44: {  	_ =	shalt  }
0x45: {  	_ =	shalt  }
0x46: {  	_ =	shalt  }
0x47: {  	_ =	shalt  }
0x48: {  	_ =	shalt  }
0x49: {  	_ =	shalt  }
0x4a: {  	_ =	shalt  }
0x4b: {  	_ =	shalt  }
0x4c: {  	_ =	shalt  }
0x4d: {  	_ =	shalt  }
0x4e: {  	_ =	shalt  }
0x4f: {  	_ =	shalt  }
0x50: {  	_ =	shalt  }
0x51: {  	_ =	shalt  }
0x52: {  	_ =	shalt  }
0x53: {  	_ =	shalt  }
0x54: {  	_ =	shalt  }
0x55: {  	_ =	shalt  }
0x56: {  	_ =	shalt  }
0x57: {  	_ =	shalt  }
0x58: {  	_ =	shalt  }
0x59: {  	_ =	shalt  }
0x5a: {  	_ =	shalt  }
0x5b: {  	_ =	shalt  }
0x5c: {  	_ =	shalt  }
0x5d: {  	_ =	shalt  }
0x5e: {  	_ =	shalt  }
0x5f: {  	_ =	shalt  }
0x60: {  	_ =	shalt  }
0x61: {  	_ =	shalt  }
0x62: {  	_ =	shalt  }
0x63: {  	_ =	shalt  }
0x64: {  	_ =	shalt  }
0x65: {  	_ =	shalt  }
0x66: {  	_ =	shalt  }
0x67: {  	_ =	shalt  }
0x68: {  	_ =	shalt  }
0x69: {  	_ =	shalt  }
0x6a: {  	_ =	shalt  }
0x6b: {  	_ =	shalt  }
0x6c: {  	_ =	shalt  }
0x6d: {  	_ =	shalt  }
0x6e: {  	_ =	shalt  }
0x6f: {  	_ =	shalt  }
0x70: {  	_ =	shalt  }
0x71: {  	_ =	shalt  }
0x72: {  	_ =	shalt  }
0x73: {  	_ =	shalt  }
0x74: {  	_ =	shalt  }
0x75: {  	_ =	shalt  }
0x76: {  	_ =	shalt  }
0x77: {  	_ =	shalt  }
0x78: {  	_ =	shalt  }
0x79: {  	_ =	shalt  }
0x7a: {  	_ =	shalt  }
0x7b: {  	_ =	shalt  }
0x7c: {  	_ =	shalt  }
0x7d: {  	_ =	shalt  }
0x7e: {  	_ =	shalt  }
0x7f: {  	_ =	shalt  }
0x80: {  	_ =	shalt  }
0x81: {  	_ =	shalt  }
0x82: {  	_ =	shalt  }
0x83: {  	_ =	shalt  }
0x84: {  	_ =	shalt  }
0x85: {  	_ =	shalt  }
0x86: {  	_ =	shalt  }
0x87: {  	_ =	shalt  }
.Lfunc_end0:
.L_simem_size_0:
called_computation_lowered:
.L_overlay_start_0:
0x88: {  	s2 =	sld [smem:$0x3FD9]  }
0x89: {  	s3 =	sld [smem:$0x3FFE];
	_ =	sdelay $0x1  }
0x8a: {  	s1 =	srdreg.scid  }
0x8b: {  	s0 =	sand.u32 $0x1, s1  }
0x8c: {  	s17 =	sshll.u32 s0, $0xA;
	s2 =	sadd.s32 s3, s2  }
0x8d: {  	s2 =	sadd.s32 s2, s17  }
0x8e: {  	[smem:$0x3FC4] =	sst s2  }
0x8f: {  	_ = 	snop  }
0x90: {  	s2 =	sld [smem:$0x3FD0];
	(tm) =	ssettm $0x1  }
0x91: {  	s18 =	sld [smem:$0x3FFB];
	_ =	sdelay $0x3  }
0x92: {  	_ =	strace s18  }
0x93: {  	s3 =	sld [smem:$0x3FFC];
	_ =	sdelay $0x3  }
0x94: {  	_ =	strace s3  }
0x95: {  	s3 =	sld [smem:$0x3FFD];
	_ =	sdelay $0x3  }
0x96: {  	_ =	strace s3  }
0x97: {  	_ =	strace $0x8FFFFFFF  }
0x98: {  	s19 =	sld [smem:$0x3FDB];
	_ =	sdelay $0x1  }
0x99: {  	s4 =	simm.s32 $_scs_section_size  }
0x9a: {  	s5 =	simm.s32 $_size__tile_overlayer_lowered;
	s6 =	simm.s32 $_tile_overlayer_lowered  }
0x9b: {  	s22 =	simm.s32 $0x1BFF;
	s21 =	sshll.u32 s6, $0x1;
	s3 =	sadd.s32 s4, s19  }
0x9c: {  	s7 =	simm.s32 $0x0;
	s20 =	sshll.u32 s5, $0x1;
	s5 =	sadd.s32 s21, s3  }
0x9d: {  	[timem:s7], [sflag:s22] =	dma.local [hbm:s5], s20  }
0x9e: {  	_ =	swait.ge [sflag:s22], s20  }
0x9f: {  	s4 =	ssub.s32 $0x0, s20;
	[sflag:s22] =	ssyncset.done $0x0  }
0xa0: {  	[sflag:s22] =	ssyncadd.s32 s4;
	_ =	sdelay $0x1  }
0xa1: {  	s23 =	simm.s32 $0x1B8B  }
0xa2: {  	_ =	swait.ge [sflag:s23], $0x1  }
0xa3: {  	[sflag:s23] =	ssyncset.done $0x0  }
0xa4: {  	s25 =	simm.s32 $0x1B8E;
	s24 =	sld [smem:$0x3FFE];
	[sflag:s23] =	ssyncadd.s32 $0xFFFFFFFF  }
0xa5: {  	s26 =	simm.s32 $execute0_lowered;
	[smem:$0x3FD2] =	sst s25  }
0xa6: {  	s5 =	sshll.u32 s26, $0x1;
	_ =	strace $0x80000046;
	[dreg:$0x1] =	wrdreg $0xFFFFFFFF  }
0xa7: {  	s28 =	simm.s32 $_size_execute0_lowered;
	s3 =	sadd.s32 s3, s5;
	[dreg:$0x0] =	wrdreg $0x0  }
0xa8: {  	s5 =	sshll.u32 s28, $0x1;
	[dreg:$0x2] =	wrdreg s3  }
0xa9: {  	[dreg:$0x3] =	wrdreg s5  }
0xaa: {  	[dreg:$0x4] =	wrdreg $0xC0  }
0xab: {  	_ =	task [dreg:s7], $0x5FFFF  }
0xac: {  	[dreg:$0x1] =	wrdreg $0xFFFFFFFF  }
0xad: {  	[dreg:$0x0] =	wrdreg $0x60  }
0xae: {  	[dreg:$0x2] =	wrdreg s24  }
0xaf: {  	[dreg:$0x3] =	wrdreg s2  }
0xb0: {  	[dreg:$0x4] =	wrdreg $0xC6C00  }
0xb1: {  	[dreg:$0x5] =	wrdreg $0xEDD00  }
0xb2: {  	[dreg:$0x6] =	wrdreg $0x9  }
0xb3: {  	_ =	task.clear_ibuf [dreg:s7], $0x7FFFF;
	_ =	strace $0x90000046  }
0xb4: {  	s29 =	simm.s32 $0x9;
	_ =	strace $0x80000048  }
0xb5: {  	_ =	swait.ge [sflag:s29], $0x1  }
0xb6: {  	[sflag:s29] =	ssyncadd.s32 $0xFFFFFFFF  }
0xb7: {  	_ =	strace $0x90000048  }
0xb8: {  	_ =	sfence  }
0xb9: {  	s30 =	sld [smem:$0x0];
	_ =	sdelay $0x2  }
0xba: {  	s31 =	sshll.u32 s1, $0xD;
	s1 =	sshrl.u32 s1, $0x2  }
0xbb: {  	s3 =	sand.u32 $0x4000, s31;
	s1 =	sadd.s32 s1, s30  }
0xbc: {  	s0 =	sor.u32 s3, s0;
	s1 =	sshll.u32 s1, $0x11  }
0xbd: {  	s0 =	sor.u32 s1, s0  }
0xbe: {  	s0 =	sadd.s32 $0x8F2B, s0  }
0xbf: {  	[sflag:s0] =	ssyncadd.remote.s32 $0x1  }
0xc0: {  	_ =	sfence.sel $0xFFFF  }
0xc1: {  	[dreg:$0x0] =	wrdreg $0xFFFFFFFF;
	(pc) =	sbr.abs _section_cstart, $3  }
0xc2: {  	[dreg:$0x1] =	wrdreg $0xFFFFFFFF  }
0xc3: {  	_ =	task.clear_ibuf [dreg:s7], $0x2FFFF;
	_ =	strace $0x9FFFFFFF  }
0xc4: {  	(tm) =	ssettm $0x7FFFFFFF  }
0xc5: {  	_ =	shalt  }
tec
execute0_lowered:
.L_overlay_start_1:
0x0: {  	(tag) =	ssettag $0x1  }
0x1: {  	s1 =	rddreg [dreg:$0x0]  }
0x2: {  	s7 =	rddreg [dreg:$0x1]  }
0x3: {  	s0 =	srdreg.scid;
	s8 =	rddreg [dreg:$0x2]  }
0x4: {  	s2 =	simm.s32 $0x0;
	s3 =	sand.u32 $0x1, s0;
	s0 =	rddreg [dreg:$0x3]  }
0x5: {  	[smem:$0x7FF] =	sst s2;
	s24 =	sadd.s32 $0x2580, s8  }
0x6: {  	s25 =	sadd.s32 $0x4C90, s8;
	_ =	strace $0x80000047;
	[dreg:$0x9] =	wrdreg s24  }
0x7: {  	s26 =	sadd.s32 $0x73A0, s8;
	[dreg:$0xc] =	wrdreg s25  }
0x8: {  	s21 =	stileid.u32;
	s29 =	sadd.s32 $0x9AB0, s8;
	[dreg:$0xd] =	wrdreg s26  }
0x9: {  	s28 =	simm.s32 $0xBA40;
	s31 =	sadd.s32 $0xC1C0, s8;
	[dreg:$0xe] =	wrdreg s29  }
0xa: {  	s30 =	simm.s32 $0xBF40;
	s15 =	sadd.s32 $0x1D330, s8;
	[dreg:$0xf] =	wrdreg s31  }
0xb: {  	s6 =	smul.u32 $0x2710, s21;
	s16 =	sadd.s32 $0x1FA40, s8;
	[dreg:$0x16] =	wrdreg s15  }
0xc: {  	s9 =	smul.u32 $0x280, s21;
	s17 =	sadd.s32 $0x22150, s8;
	[dreg:$0x17] =	wrdreg s16  }
0xd: {  	s18 =	sadd.s32 $0x24860, s8;
	s19 =	sadd.s32 $0x26F70, s8;
	[dreg:$0x18] =	wrdreg s17  }
0xe: {  	p0 =	sne.s32 s21, $0xF;
	s4 =	sshll.u32 s3, $0x4;
	[dreg:$0x19] =	wrdreg s18  }
0xf: {  	s5 =	ssub.s32 $0x2, s3;
	s11 =	smul.u32 $0x2710, s3;
	[dreg:$0x1a] =	wrdreg s19  }
0x10: {  	s24 =	sadd.s32 $0x9AB0, s0;
	s25 =	sadd.s32 $0xC1C0, s0;
	s26 =	sadd.s32 $0xE8D0, s0  }
0x11: {  	s29 =	sadd.s32 $0x10FE0, s0;
	s31 =	sadd.s32 $0x136F0, s0;
	[dreg:$0x1e] =	wrdreg s24  }
0x12: {  	s15 =	sadd.s32 $0x1AC20, s0;
	s16 =	sadd.s32 $0x1D330, s0;
	[dreg:$0x1f] =	wrdreg s25  }
0x13: {  	s17 =	sadd.s32 $0x1FA40, s0;
	s18 =	sadd.s32 $0x22150, s0;
	[smem:$0x7FB] =	sst s26  }
0x14: {  	s19 =	sadd.s32 $0x24860, s0;
	s4 =	sor.u32 s21, s4;
	[smem:$0x7FC] =	sst s29  }
0x15: {  	s10 =	sshrl.u32 s5, $0x1;
	s13 =	sadd.s32 s9, s8;
	[smem:$0x7FD] =	sst s31  }
0x16: {  	s21 =	simm.s32 $0x1;
	s24 =	simm.s32 $0x7530;
	s25 =	simm.s32 $0x9C40  }
0x17: {  	s26 =	simm.s32 $0xC440;
	s4 =	smul.u32 $0x4E2, s4;
	s10 =	ssub.s32 s5, s10  }
0x18: {  	s12 =	sadd.s32 s9, s11;
	[dreg:$0x5] =	wrdreg s13;
	s9 =	sadd.s32 s9, s0  }
0x19: {  	s11 =	sshrl.u32 s11, $0x3;
	s13 =	sadd.s32 $0x1AC20, s8;
	[dreg:$0x7] =	wrdreg s9  }
0x1a: {  	s12 =	sshrl.u32 s12, $0x3;
	s9 =	sadd.s32 $0x10FE0, s8;
	[dreg:$0x15] =	wrdreg s13  }
0x1b: {  	s14 =	smax.u32 s10, $0x1;
	s10 =	sadd.s32 $0x136F0, s8;
	[dreg:$0x11] =	wrdreg s9  }
0x1c: {  	s22 =	sadd.s32 $0x4B0, s11;
	s11 =	sadd.s32 $0x15E00, s8;
	[dreg:$0x12] =	wrdreg s10  }
0x1d: {  	s4 =	sadd.s32 s4, s1;
	s20 =	sadd.s32 s7, s12;
	[dreg:$0x13] =	wrdreg s11  }
0x1e: {  	s1 =	sadd.s32 $0x15400, s1;
	s7 =	sadd.s32 s7, s22;
	[dreg:$0x6] =	wrdreg s20  }
0x1f: {  	s5 =	sadd.s32 s6, s8;
	s23 =	sadd.s32 s1, s12;
	[dreg:$0xa] =	wrdreg s7  }
0x20: {  	s6 =	sadd.s32 s6, s0;
	s1 =	sadd.s32 s1, s22;
	[dreg:$0x8] =	wrdreg s23  }
0x21: {  	s13 =	sadd.s32 $0x18510, s0;
	s7 =	sadd.s32 $0xE8D0, s8;
	[dreg:$0xb] =	wrdreg s1  }
0x22: {  	s9 =	simm.s32 $0x0;
	s12 =	sadd.s32 $0x18510, s8;
	[dreg:$0x10] =	wrdreg s7  }
0x23: {  	s3 =	sadd.s32 $0xB600, s4;
	s20 =	sadd.s32 $0x2580, s0;
	[dreg:$0x14] =	wrdreg s12  }
.Ltmp0:
0x24: {  	s22 =	sadd.s32 $0x4C90, s0;
	[dreg:$0x1b] =	wrdreg s20;
	(pc) =	sbr.rel .LBB2_1-.Ltmp0, $4  }
0x25: {  	s4 =	sadd.s32 $0x1800, s4;
	s8 =	simm.s32 $0x280;
	[dreg:$0x1c] =	wrdreg s22  }
0x26: {  	s23 =	sadd.s32 $0x73A0, s0;
	s12 =	sadd.s32 $0x15E00, s0;
	s20 =	sadd.s32 $0x26F70, s0  }
0x27: {  	s22 =	simm.s32 $0x2710;
	s0 =	simm.s32 $0xB7C0;
	s1 =	simm.s32 $0xBCC0  }
0x28: {  	v0 =	vimm.f32 $0.0e+00;
	v1 =	vimm.f32 $1.000000000e+00;
	s7 =	simm.s32 $0xC1C0;
	[dreg:$0x1d] =	wrdreg s23;
	s23 =	simm.s32 $0x4E20  }
.LBB2_15:
0x29: {  	v9 =	vld [tilespmem:s29+$0x9EC0]  }
0x2a: {  	v10 =	vld [tilespmem:s31+$0xB540];
	v4 =	vadd.f32 v4, v8  }
0x2b: {  	v49 =	vld [tilespmem:s29+$0xA140]  }
0x2c: {  	v11 =	vld [tilespmem:s31+$0xB7C0];
	v5 =	vadd.f32 v5, v7;
	[tilespmem:s10+$0xC440] =	vst v4  }
0x2d: {  	v4 =	vld [tilespmem:s29+$0xA3C0]  }
0x2e: {  	v5 =	vadd.f32 v6, v5;
	v3 =	vadd.f32 v9, v3  }
0x2f: {  	v50 =	vld [tilespmem:s29+$0xA640]  }
0x30: {  	v51 =	vld [tilespmem:s31+$0xBA40];
	v2 =	vadd.f32 v2, v5;
	v3 =	vadd.f32 v49, v3  }
0x31: {  	v52 =	vld [tilespmem:s29+$0xA8C0]  }
0x32: {  	v53 =	vld [tilespmem:s31+$0xBCC0];
	v2 =	vadd.f32 v10, v2;
	v3 =	vadd.f32 v4, v3  }
0x33: {  	v54 =	vld [tilespmem:s29+$0xAB40]  }
0x34: {  	v55 =	vld [tilespmem:s31+$0xBF40];
	v2 =	vadd.f32 v11, v2;
	v3 =	vadd.f32 v50, v3  }
0x35: {  	v56 =	vld [tilespmem:s29+$0xADC0]  }
0x36: {  	v57 =	vld [tilespmem:s31+$0xC1C0];
	v2 =	vadd.f32 v51, v2;
	v3 =	vadd.f32 v52, v3  }
0x37: {  	v58 =	vld [tilespmem:s29+$0xB040]  }
0x38: {  	v2 =	vadd.f32 v53, v2;
	v3 =	vadd.f32 v54, v3  }
0x39: {  	v59 =	vld [tilespmem:s29+$0xB2C0]  }
0x3a: {  	v2 =	vadd.f32 v55, v2;
	v3 =	vadd.f32 v56, v3  }
0x3b: {  	v60 =	vld [tilespmem:s29+$0xB540]  }
0x3c: {  	v2 =	vadd.f32 v57, v2;
	v3 =	vadd.f32 v58, v3  }
0x3d: {  	v61 =	vld [tilespmem:s29+$0xB7C0]  }
0x3e: {  	[tilespmem:s31+$0xC440] =	vst v2;
	v2 =	vadd.f32 v59, v3  }
0x3f: {  	v3 =	vld [tilespmem:s29+$0xBA40]  }
0x40: {  	v2 =	vadd.f32 v60, v2  }
0x41: {  	v62 =	vld [tilespmem:s29+$0xBCC0]  }
0x42: {  	v2 =	vadd.f32 v61, v2  }
0x43: {  	v63 =	vld [tilespmem:s29+$0xBF40]  }
0x44: {  	v2 =	vadd.f32 v3, v2  }
0x45: {  	v3 =	vld [tilespmem:s29+$0xC1C0]  }
0x46: {  	v2 =	vadd.f32 v62, v2;
	_ =	sdelay $0x1  }
0x47: {  	v2 =	vadd.f32 v63, v2;
	_ =	sdelay $0x1  }
0x48: {  	v2 =	vadd.f32 v3, v2;
	_ =	sdelay $0x1  }
0x49: {  	s31 =	rddreg [dreg:$0x8];
	[tilespmem:s29+$0xC440] =	vst v2  }
0x4a: {  	[hbm4b:s31+s2] =	stream.linear.scatter [tilespmem:s26], [sflag:$0x1], $0x280, $0x38;
	[tilespmem:$0x114E0] =	vst v63  }
0x4b: {  	_ =	swait.ge [sflag:s21], $0x280  }
0x4c: {  	[sflag:s21] =	ssyncset.done $0x0  }
0x4d: {  	[sflag:s21] =	ssyncadd.s32 $0xFFFFFD80  }
.LBB2_16:
0x4e: {  	s9 =	sadd.s32 $0x1, s9  }
0x4f: {  	p1 =	sne.s32 s9, s14  }
.Ltmp1:
0x50: {  	_ = 	snop;
	(pc) =	sbr.rel @!p1 .LBB2_17-.Ltmp1, $1  }
0x51: {  	_ =	sdelay $0x3  }
.LBB2_1:
0x52: {  	[tilespmem:s2], [sflag:$0x1] =	stream.linear.gather [hbm4b:s3+s2], $0x2710, $0x38;
	[tilespmem:$0x114E0] =	vst v63  }
0x53: {  	_ =	swait.ge [sflag:s21], $0x2710  }
0x54: {  	[sflag:s21] =	ssyncset.done $0x0  }
0x55: {  	[sflag:s21] =	ssyncadd.s32 $0xFFFFD8F0  }
0x56: {  	[tilespmem:s22], [sflag:$0x1] =	stream.linear.gather [hbm4b:s4+s2], $0x2710, $0x38;
	[tilespmem:$0x114E0] =	vst v63  }
0x57: {  	_ =	swait.ge [sflag:s21], $0x2710  }
0x58: {  	[sflag:s21] =	ssyncset.done $0x0  }
0x59: {  	s10 =	simm.s32 $0x0;
	s11 =	simm.s32 $0x140;
	[sflag:s21] =	ssyncadd.s32 $0xFFFFD8F0  }
.LBB2_2:
0x5a: {  	p1 =	sne.s32 s11, $0x9B00;
	[tilespmem:s10+$0x7570] =	vst v0  }
0x5b: {  	[tilespmem:s10+$0x4E20] =	vst v0  }
0x5c: {  	[tilespmem:s10+$0x7530] =	vst v0  }
0x5d: {  	[tilespmem:s10+$0x4E30] =	vst v0  }
0x5e: {  	[tilespmem:s10+$0x7540] =	vst v0  }
.Ltmp2:
0x5f: {  	[tilespmem:s10+$0x4E40] =	vst v0;
	(pc) =	sbr.rel @p1 .LBB2_2-.Ltmp2, $4  }
0x60: {  	[tilespmem:s10+$0x7550] =	vst v0  }
0x61: {  	[tilespmem:s10+$0x4E50] =	vst v0  }
0x62: {  	[tilespmem:s10+$0x7560] =	vst v0  }
0x63: {  	[tilespmem:s10+$0x4E60] =	vst v0;
	s10 =	sshra.s32 s11, $0x2;
	s11 =	sadd.s32 $0x140, s11  }
0x64: {  	[tilespmem:s10+$0x7570] =	vst v0  }
0x65: {  	[tilespmem:s10+$0x4E20] =	vst v0  }
0x66: {  	[tilespmem:s10+$0x7530] =	vst v0  }
0x67: {  	[tilespmem:s10+$0x4E30] =	vst v0  }
0x68: {  	[tilespmem:s10+$0x7540] =	vst v0  }
0x69: {  	[tilespmem:s10+$0x4E40] =	vst v0  }
0x6a: {  	[tilespmem:s10+$0x7550] =	vst v0  }
0x6b: {  	[tilespmem:s10+$0x4E50] =	vst v0  }
0x6c: {  	[tilespmem:s10+$0x7560] =	vst v0  }
0x6d: {  	[tilespmem:s10+$0x4E60] =	vst v0;
	s10 =	simm.s32 $0x0  }
.LBB2_4:
0x6e: {  	s11 =	sshra.s32 s10, $0x2  }
0x6f: {  	v2 =	vld [tilespmem:s11+$0x0];
	_ =	sdelay $0x7  }
0x70: {  	[tilespmem:v2+s23+$0x0] =	vst.idx.add.f32.msk $0xffff, v1  }
0x71: {  	v2 =	vld [tilespmem:s11+$0x2710];
	_ =	sdelay $0x7  }
0x72: {  	[tilespmem:v2+s24+$0x0] =	vst.idx.add.f32.msk $0xffff, v1  }
0x73: {  	v2 =	vld [tilespmem:s11+$0x10];
	_ =	sdelay $0x7  }
0x74: {  	[tilespmem:v2+s23+$0x0] =	vst.idx.add.f32.msk $0xffff, v1  }
0x75: {  	v2 =	vld [tilespmem:s11+$0x2720];
	_ =	sdelay $0x7  }
0x76: {  	[tilespmem:v2+s24+$0x0] =	vst.idx.add.f32.msk $0xffff, v1  }
0x77: {  	v2 =	vld [tilespmem:s11+$0x20];
	_ =	sdelay $0x7  }
0x78: {  	[tilespmem:v2+s23+$0x0] =	vst.idx.add.f32.msk $0xffff, v1  }
0x79: {  	v2 =	vld [tilespmem:s11+$0x2730];
	_ =	sdelay $0x7  }
0x7a: {  	[tilespmem:v2+s24+$0x0] =	vst.idx.add.f32.msk $0xffff, v1  }
0x7b: {  	v2 =	vld [tilespmem:s11+$0x30];
	_ =	sdelay $0x7  }
0x7c: {  	[tilespmem:v2+s23+$0x0] =	vst.idx.add.f32.msk $0xffff, v1  }
0x7d: {  	v2 =	vld [tilespmem:s11+$0x2740];
	_ =	sdelay $0x7  }
0x7e: {  	[tilespmem:v2+s24+$0x0] =	vst.idx.add.f32.msk $0xffff, v1  }
0x7f: {  	v2 =	vld [tilespmem:s11+$0x40];
	_ =	sdelay $0x7  }
0x80: {  	[tilespmem:v2+s23+$0x0] =	vst.idx.add.f32.msk $0xffff, v1  }
0x81: {  	v2 =	vld [tilespmem:s11+$0x2750];
	_ =	sdelay $0x2  }
0x82: {  	p1 =	sne.s32 s10, $0x9B00  }
.Ltmp3:
0x83: {  	_ = 	snop;
	(pc) =	sbr.rel @p1 .LBB2_4-.Ltmp3, $2  }
0x84: {  	_ =	sdelay $0x2  }
0x85: {  	s10 =	sadd.s32 $0x140, s10;
	[tilespmem:v2+s24+$0x0] =	vst.idx.add.f32.msk $0xffff, v1  }
0x86: {  	[spmem:s5] =	stream.linear.scatter [tilespmem:s23], [sflag:$0x1], $0x2710, $0x38;
	[tilespmem:$0x114E0] =	vst v63  }
0x87: {  	_ =	swait.ge [sflag:s21], $0x2710  }
0x88: {  	[sflag:s21] =	ssyncset.done $0x0  }
0x89: {  	[sflag:s21] =	ssyncadd.s32 $0xFFFFD8F0  }
0x8a: {  	[spmem:s6] =	stream.linear.scatter [tilespmem:s24], [sflag:$0x1], $0x2710, $0x38;
	[tilespmem:$0x114E0] =	vst v63  }
.Ltmp4:
0x8b: {  	_ =	swait.ge [sflag:s21], $0x2710;
	(pc) =	sbr.rel @p0 .LBB2_11-.Ltmp4, $3  }
0x8c: {  	[sflag:s21] =	ssyncset.done $0x0  }
0x8d: {  	[sflag:s21] =	ssyncadd.s32 $0xFFFFD8F0  }
0x8e: {  	[bflag:$0x0] =	sbarrier.arrive $0xFFFF;
	_ =	sdelay $0x1  }
0x8f: {  	s10 =	rddreg [dreg:$0x9]  }
0x90: {  	[tilespmem:s25], [sflag:$0x1] =	stream.linear.gather [spmem:s10], $0x190, $0x38;
	[tilespmem:$0x114E0] =	vst v63  }
0x91: {  	s11 =	simm.s32 $0x9EC0;
	s10 =	rddreg [dreg:$0xc]  }
0x92: {  	[tilespmem:s11], [sflag:$0x1] =	stream.linear.gather [spmem:s10], $0x190, $0x38;
	[tilespmem:$0x114E0] =	vst v63  }
0x93: {  	s10 =	rddreg [dreg:$0xd];
	s11 =	simm.s32 $0xA140  }
0x94: {  	[tilespmem:s11], [sflag:$0x1] =	stream.linear.gather [spmem:s10], $0x190, $0x38;
	[tilespmem:$0x114E0] =	vst v63  }
0x95: {  	s10 =	rddreg [dreg:$0xe];
	s11 =	simm.s32 $0xA3C0  }
0x96: {  	[tilespmem:s11], [sflag:$0x1] =	stream.linear.gather [spmem:s10], $0x190, $0x38;
	[tilespmem:$0x114E0] =	vst v63  }
0x97: {  	s10 =	rddreg [dreg:$0xf];
	s11 =	simm.s32 $0xA640  }
0x98: {  	[tilespmem:s11], [sflag:$0x1] =	stream.linear.gather [spmem:s10], $0x190, $0x38;
	[tilespmem:$0x114E0] =	vst v63  }
0x99: {  	s10 =	rddreg [dreg:$0x10];
	s11 =	simm.s32 $0xA8C0  }
0x9a: {  	[tilespmem:s11], [sflag:$0x1] =	stream.linear.gather [spmem:s10], $0x190, $0x38;
	[tilespmem:$0x114E0] =	vst v63  }
0x9b: {  	s10 =	rddreg [dreg:$0x11];
	s11 =	simm.s32 $0xAB40  }
0x9c: {  	[tilespmem:s11], [sflag:$0x1] =	stream.linear.gather [spmem:s10], $0x190, $0x38;
	[tilespmem:$0x114E0] =	vst v63  }
0x9d: {  	s10 =	rddreg [dreg:$0x12];
	s11 =	simm.s32 $0xADC0  }
0x9e: {  	[tilespmem:s11], [sflag:$0x1] =	stream.linear.gather [spmem:s10], $0x190, $0x38;
	[tilespmem:$0x114E0] =	vst v63  }
0x9f: {  	s10 =	rddreg [dreg:$0x13];
	s11 =	simm.s32 $0xB040  }
0xa0: {  	[tilespmem:s11], [sflag:$0x1] =	stream.linear.gather [spmem:s10], $0x190, $0x38;
	[tilespmem:$0x114E0] =	vst v63  }
0xa1: {  	s10 =	rddreg [dreg:$0x14];
	s11 =	simm.s32 $0xB2C0  }
0xa2: {  	[tilespmem:s11], [sflag:$0x1] =	stream.linear.gather [spmem:s10], $0x190, $0x38;
	[tilespmem:$0x114E0] =	vst v63  }
0xa3: {  	s10 =	rddreg [dreg:$0x15];
	s11 =	simm.s32 $0xB540  }
0xa4: {  	[tilespmem:s11], [sflag:$0x1] =	stream.linear.gather [spmem:s10], $0x190, $0x38;
	[tilespmem:$0x114E0] =	vst v63  }
0xa5: {  	s11 =	rddreg [dreg:$0x16]  }
0xa6: {  	[tilespmem:s0], [sflag:$0x1] =	stream.linear.gather [spmem:s11], $0x190, $0x38;
	[tilespmem:$0x114E0] =	vst v63  }
0xa7: {  	s11 =	rddreg [dreg:$0x17]  }
0xa8: {  	[tilespmem:s28], [sflag:$0x1] =	stream.linear.gather [spmem:s11], $0x190, $0x38;
	[tilespmem:$0x114E0] =	vst v63  }
0xa9: {  	s11 =	rddreg [dreg:$0x18]  }
0xaa: {  	[tilespmem:s1], [sflag:$0x1] =	stream.linear.gather [spmem:s11], $0x190, $0x38;
	[tilespmem:$0x114E0] =	vst v63  }
0xab: {  	s11 =	rddreg [dreg:$0x19]  }
0xac: {  	[tilespmem:s30], [sflag:$0x1] =	stream.linear.gather [spmem:s11], $0x190, $0x38;
	[tilespmem:$0x114E0] =	vst v63  }
0xad: {  	s11 =	rddreg [dreg:$0x1a]  }
0xae: {  	[tilespmem:s7], [sflag:$0x1] =	stream.linear.gather [spmem:s11], $0x190, $0x38;
	[tilespmem:$0x114E0] =	vst v63  }
0xaf: {  	_ =	swait.ge [sflag:s21], $0x1900  }
0xb0: {  	[sflag:s21] =	ssyncset.done $0x0  }
0xb1: {  	s10 =	simm.s32 $0x0;
	[sflag:s21] =	ssyncadd.s32 $0xFFFFE700  }
0xb2: {  	v2 =	vld [tilespmem:s10+$0x9C40]  }
0xb3: {  	v3 =	vld [tilespmem:s10+$0x9EC0];
	_ =	sdelay $0x1  }
0xb4: {  	v4 =	vld [tilespmem:s10+$0xA140];
	_ =	sdelay $0x1  }
0xb5: {  	v5 =	vld [tilespmem:s10+$0xA3C0]  }
0xb6: {  	v2 =	vadd.f32 v3, v2  }
0xb7: {  	v3 =	vld [tilespmem:s10+$0xA640]  }
0xb8: {  	v2 =	vadd.f32 v4, v2  }
0xb9: {  	v4 =	vld [tilespmem:s10+$0xA8C0]  }
0xba: {  	v2 =	vadd.f32 v5, v2  }
0xbb: {  	v5 =	vld [tilespmem:s10+$0xAB40]  }
0xbc: {  	v2 =	vadd.f32 v3, v2  }
0xbd: {  	v3 =	vld [tilespmem:s10+$0xADC0]  }
0xbe: {  	s31 =	simm.s32 $0x10;
	v6 =	vld [tilespmem:s10+$0xB040];
	v2 =	vadd.f32 v4, v2  }
0xbf: {  	v7 =	vld [tilespmem:s31+$0x9C40]  }
0xc0: {  	v4 =	vld [tilespmem:s10+$0xB2C0];
	v2 =	vadd.f32 v5, v2  }
0xc1: {  	v5 =	vld [tilespmem:s31+$0x9EC0]  }
0xc2: {  	v8 =	vld [tilespmem:s31+$0xA140];
	v2 =	vadd.f32 v3, v2  }
0xc3: {  	v3 =	vld [tilespmem:s10+$0xB540]  }
0xc4: {  	v9 =	vld [tilespmem:s31+$0xA3C0];
	v2 =	vadd.f32 v6, v2  }
0xc5: {  	v6 =	vld [tilespmem:s10+$0xB7C0]  }
0xc6: {  	v5 =	vadd.f32 v5, v7;
	v7 =	vld [tilespmem:s31+$0xA640];
	v2 =	vadd.f32 v4, v2  }
0xc7: {  	v4 =	vld [tilespmem:s10+$0xBA40]  }
0xc8: {  	v5 =	vadd.f32 v8, v5;
	v8 =	vld [tilespmem:s31+$0xA8C0];
	v2 =	vadd.f32 v3, v2  }
0xc9: {  	v3 =	vld [tilespmem:s10+$0xBCC0]  }
0xca: {  	v10 =	vld [tilespmem:s31+$0xAB40];
	v5 =	vadd.f32 v9, v5;
	v2 =	vadd.f32 v6, v2  }
0xcb: {  	v9 =	vld [tilespmem:s10+$0xBF40]  }
0xcc: {  	v6 =	vadd.f32 v7, v5;
	v5 =	vld [tilespmem:s31+$0xADC0];
	v7 =	vadd.f32 v4, v2  }
0xcd: {  	v4 =	vld [tilespmem:s10+$0xC1C0]  }
0xce: {  	v2 =	vld [tilespmem:s31+$0xB2C0];
	v8 =	vadd.f32 v8, v6;
	v11 =	vadd.f32 v3, v7  }
0xcf: {  	s29 =	simm.s32 $0x20;
	v6 =	vld [tilespmem:s31+$0xB040]  }
0xd0: {  	s11 =	simm.s32 $0xC0;
	v3 =	vld [tilespmem:s29+$0x9C40];
	v7 =	vadd.f32 v10, v8;
	v8 =	vadd.f32 v9, v11  }
.LBB2_7:
0xd1: {  	p1 =	sne.s32 s11, $0x600;
	v9 =	vld [tilespmem:s29+$0x9EC0]  }
0xd2: {  	v5 =	vadd.f32 v5, v7;
	v7 =	vld [tilespmem:s31+$0xB540];
	v4 =	vadd.f32 v4, v8  }
0xd3: {  	v8 =	vld [tilespmem:s29+$0xA140]  }
0xd4: {  	v5 =	vadd.f32 v6, v5;
	v6 =	vld [tilespmem:s31+$0xB7C0];
	[tilespmem:s10+$0xC440] =	vst v4;
	s10 =	smov.u32 s31;
	s31 =	smov.u32 s29  }
0xd5: {  	v4 =	vld [tilespmem:s31+$0xA3C0]  }
0xd6: {  	v3 =	vadd.f32 v9, v3;
	v2 =	vadd.f32 v2, v5;
	v5 =	vld [tilespmem:s10+$0xBA40]  }
0xd7: {  	v9 =	vld [tilespmem:s31+$0xA640]  }
0xd8: {  	v3 =	vadd.f32 v8, v3;
	v2 =	vadd.f32 v7, v2;
	v7 =	vld [tilespmem:s10+$0xBCC0]  }
0xd9: {  	v8 =	vld [tilespmem:s31+$0xA8C0]  }
0xda: {  	v3 =	vadd.f32 v4, v3;
	v2 =	vadd.f32 v6, v2;
	v10 =	vld [tilespmem:s10+$0xBF40]  }
0xdb: {  	v11 =	vld [tilespmem:s31+$0xAB40]  }
.Ltmp5:
0xdc: {  	v3 =	vadd.f32 v9, v3;
	v6 =	vadd.f32 v5, v2;
	v4 =	vld [tilespmem:s10+$0xC1C0];
	(pc) =	sbr.rel @p1 .LBB2_7-.Ltmp5, $4  }
0xdd: {  	v5 =	vld [tilespmem:s31+$0xADC0]  }
0xde: {  	v8 =	vadd.f32 v8, v3;
	v2 =	vld [tilespmem:s31+$0xB2C0];
	v9 =	vadd.f32 v7, v6  }
0xdf: {  	s29 =	sshra.s32 s11, $0x2;
	v6 =	vld [tilespmem:s31+$0xB040]  }
0xe0: {  	s11 =	sadd.s32 $0x40, s11;
	v3 =	vld [tilespmem:s29+$0x9C40];
	v7 =	vadd.f32 v11, v8;
	v8 =	vadd.f32 v10, v9  }
0xe1: {  	v9 =	vld [tilespmem:s29+$0x9EC0]  }
0xe2: {  	v10 =	vld [tilespmem:s31+$0xB540];
	v4 =	vadd.f32 v4, v8  }
0xe3: {  	v8 =	vld [tilespmem:s29+$0xA140]  }
0xe4: {  	v11 =	vld [tilespmem:s31+$0xB7C0];
	v5 =	vadd.f32 v5, v7;
	[tilespmem:s10+$0xC440] =	vst v4  }
0xe5: {  	v4 =	vld [tilespmem:s29+$0xA3C0]  }
0xe6: {  	v5 =	vadd.f32 v6, v5;
	v3 =	vadd.f32 v9, v3  }
0xe7: {  	v6 =	vld [tilespmem:s29+$0xA640]  }
0xe8: {  	v7 =	vld [tilespmem:s29+$0xA8C0];
	v2 =	vadd.f32 v2, v5;
	v3 =	vadd.f32 v8, v3  }
0xe9: {  	v5 =	vld [tilespmem:s31+$0xBA40]  }
0xea: {  	v2 =	vadd.f32 v10, v2;
	v8 =	vld [tilespmem:s31+$0xBCC0];
	v3 =	vadd.f32 v4, v3  }
0xeb: {  	v4 =	vld [tilespmem:s29+$0xAB40]  }
0xec: {  	v9 =	vld [tilespmem:s31+$0xBF40];
	v2 =	vadd.f32 v11, v2;
	v3 =	vadd.f32 v6, v3  }
0xed: {  	v6 =	vld [tilespmem:s29+$0xADC0]  }
0xee: {  	v2 =	vadd.f32 v5, v2;
	v5 =	vld [tilespmem:s31+$0xC1C0];
	v3 =	vadd.f32 v7, v3  }
0xef: {  	v7 =	vld [tilespmem:s29+$0xB040]  }
0xf0: {  	v2 =	vadd.f32 v8, v2;
	v3 =	vadd.f32 v4, v3  }
0xf1: {  	v4 =	vld [tilespmem:s29+$0xB2C0]  }
0xf2: {  	v2 =	vadd.f32 v9, v2;
	v3 =	vadd.f32 v6, v3  }
0xf3: {  	v6 =	vld [tilespmem:s29+$0xB540]  }
0xf4: {  	v2 =	vadd.f32 v5, v2;
	v3 =	vadd.f32 v7, v3  }
0xf5: {  	v5 =	vld [tilespmem:s29+$0xB7C0]  }
0xf6: {  	[tilespmem:s31+$0xC440] =	vst v2;
	v2 =	vadd.f32 v4, v3  }
0xf7: {  	v3 =	vld [tilespmem:s29+$0xBA40]  }
0xf8: {  	v2 =	vadd.f32 v6, v2  }
0xf9: {  	v4 =	vld [tilespmem:s29+$0xBCC0]  }
0xfa: {  	v2 =	vadd.f32 v5, v2  }
0xfb: {  	v5 =	vld [tilespmem:s29+$0xBF40]  }
0xfc: {  	v2 =	vadd.f32 v3, v2  }
0xfd: {  	v3 =	vld [tilespmem:s29+$0xC1C0]  }
0xfe: {  	v2 =	vadd.f32 v4, v2;
	_ =	sdelay $0x1  }
0xff: {  	v2 =	vadd.f32 v5, v2;
	_ =	sdelay $0x1  }
0x100: {  	v2 =	vadd.f32 v3, v2;
	_ =	sdelay $0x1  }
0x101: {  	s11 =	rddreg [dreg:$0xa];
	s10 =	simm.s32 $0x0;
	[tilespmem:s29+$0xC440] =	vst v2  }
0x102: {  	[hbm4b:s11+s10] =	stream.linear.scatter [tilespmem:s26], [sflag:$0x1], $0x190, $0x38;
	[tilespmem:$0x114E0] =	vst v63  }
0x103: {  	_ =	swait.ge [sflag:s21], $0x190  }
0x104: {  	[sflag:s21] =	ssyncset.done $0x0  }
0x105: {  	s11 =	rddreg [dreg:$0x1b];
	[sflag:s21] =	ssyncadd.s32 $0xFFFFFE70  }
0x106: {  	[tilespmem:s25], [sflag:$0x1] =	stream.linear.gather [spmem:s11], $0x190, $0x38;
	[tilespmem:$0x114E0] =	vst v63  }
0x107: {  	s10 =	rddreg [dreg:$0x1c];
	s11 =	simm.s32 $0x9EC0  }
0x108: {  	[tilespmem:s11], [sflag:$0x1] =	stream.linear.gather [spmem:s10], $0x190, $0x38;
	[tilespmem:$0x114E0] =	vst v63  }
0x109: {  	s10 =	rddreg [dreg:$0x1d];
	s11 =	simm.s32 $0xA140  }
0x10a: {  	[tilespmem:s11], [sflag:$0x1] =	stream.linear.gather [spmem:s10], $0x190, $0x38;
	[tilespmem:$0x114E0] =	vst v63  }
0x10b: {  	s10 =	rddreg [dreg:$0x1e];
	s11 =	simm.s32 $0xA3C0  }
0x10c: {  	[tilespmem:s11], [sflag:$0x1] =	stream.linear.gather [spmem:s10], $0x190, $0x38;
	[tilespmem:$0x114E0] =	vst v63  }
0x10d: {  	s10 =	rddreg [dreg:$0x1f];
	s11 =	simm.s32 $0xA640  }
0x10e: {  	[tilespmem:s11], [sflag:$0x1] =	stream.linear.gather [spmem:s10], $0x190, $0x38;
	[tilespmem:$0x114E0] =	vst v63  }
0x10f: {  	s10 =	sld [smem:$0x7FB];
	_ =	sdelay $0x1  }
0x110: {  	s11 =	simm.s32 $0xA8C0  }
0x111: {  	[tilespmem:s11], [sflag:$0x1] =	stream.linear.gather [spmem:s10], $0x190, $0x38;
	[tilespmem:$0x114E0] =	vst v63  }
0x112: {  	s10 =	sld [smem:$0x7FC];
	_ =	sdelay $0x1  }
0x113: {  	s11 =	simm.s32 $0xAB40  }
0x114: {  	[tilespmem:s11], [sflag:$0x1] =	stream.linear.gather [spmem:s10], $0x190, $0x38;
	[tilespmem:$0x114E0] =	vst v63  }
0x115: {  	s10 =	sld [smem:$0x7FD];
	_ =	sdelay $0x1  }
0x116: {  	s11 =	simm.s32 $0xADC0  }
0x117: {  	[tilespmem:s11], [sflag:$0x1] =	stream.linear.gather [spmem:s10], $0x190, $0x38;
	[tilespmem:$0x114E0] =	vst v63  }
0x118: {  	s11 =	simm.s32 $0xB040  }
0x119: {  	[tilespmem:s11], [sflag:$0x1] =	stream.linear.gather [spmem:s12], $0x190, $0x38;
	[tilespmem:$0x114E0] =	vst v63  }
0x11a: {  	s11 =	simm.s32 $0xB2C0  }
0x11b: {  	[tilespmem:s11], [sflag:$0x1] =	stream.linear.gather [spmem:s13], $0x190, $0x38;
	[tilespmem:$0x114E0] =	vst v63  }
0x11c: {  	s11 =	simm.s32 $0xB540  }
0x11d: {  	[tilespmem:s11], [sflag:$0x1] =	stream.linear.gather [spmem:s15], $0x190, $0x38;
	[tilespmem:$0x114E0] =	vst v63  }
0x11e: {  	_ = 	snop  }
0x11f: {  	[tilespmem:s0], [sflag:$0x1] =	stream.linear.gather [spmem:s16], $0x190, $0x38;
	[tilespmem:$0x114E0] =	vst v63  }
0x120: {  	_ = 	snop  }
0x121: {  	[tilespmem:s28], [sflag:$0x1] =	stream.linear.gather [spmem:s17], $0x190, $0x38;
	[tilespmem:$0x114E0] =	vst v63  }
0x122: {  	_ = 	snop  }
0x123: {  	[tilespmem:s1], [sflag:$0x1] =	stream.linear.gather [spmem:s18], $0x190, $0x38;
	[tilespmem:$0x114E0] =	vst v63  }
0x124: {  	_ = 	snop  }
0x125: {  	[tilespmem:s30], [sflag:$0x1] =	stream.linear.gather [spmem:s19], $0x190, $0x38;
	[tilespmem:$0x114E0] =	vst v63  }
0x126: {  	_ = 	snop  }
0x127: {  	[tilespmem:s7], [sflag:$0x1] =	stream.linear.gather [spmem:s20], $0x190, $0x38;
	[tilespmem:$0x114E0] =	vst v63  }
0x128: {  	_ =	swait.ge [sflag:s21], $0x1900  }
0x129: {  	[sflag:s21] =	ssyncset.done $0x0  }
0x12a: {  	s10 =	simm.s32 $0x0;
	[sflag:s21] =	ssyncadd.s32 $0xFFFFE700  }
0x12b: {  	v2 =	vld [tilespmem:s10+$0x9C40]  }
0x12c: {  	v3 =	vld [tilespmem:s10+$0x9EC0];
	_ =	sdelay $0x1  }
0x12d: {  	v4 =	vld [tilespmem:s10+$0xA140];
	_ =	sdelay $0x1  }
0x12e: {  	v5 =	vld [tilespmem:s10+$0xA3C0]  }
0x12f: {  	v2 =	vadd.f32 v3, v2  }
0x130: {  	v3 =	vld [tilespmem:s10+$0xA640]  }
0x131: {  	v2 =	vadd.f32 v4, v2  }
0x132: {  	v4 =	vld [tilespmem:s10+$0xA8C0]  }
0x133: {  	v2 =	vadd.f32 v5, v2  }
0x134: {  	v5 =	vld [tilespmem:s10+$0xAB40]  }
0x135: {  	v2 =	vadd.f32 v3, v2  }
0x136: {  	v3 =	vld [tilespmem:s10+$0xADC0]  }
0x137: {  	s31 =	simm.s32 $0x10;
	v6 =	vld [tilespmem:s10+$0xB040];
	v2 =	vadd.f32 v4, v2  }
0x138: {  	v7 =	vld [tilespmem:s31+$0x9C40]  }
0x139: {  	v4 =	vld [tilespmem:s10+$0xB2C0];
	v2 =	vadd.f32 v5, v2  }
0x13a: {  	v5 =	vld [tilespmem:s31+$0x9EC0]  }
0x13b: {  	v8 =	vld [tilespmem:s31+$0xA140];
	v2 =	vadd.f32 v3, v2  }
0x13c: {  	v3 =	vld [tilespmem:s10+$0xB540]  }
0x13d: {  	v9 =	vld [tilespmem:s31+$0xA3C0];
	v2 =	vadd.f32 v6, v2  }
0x13e: {  	v6 =	vld [tilespmem:s10+$0xB7C0]  }
0x13f: {  	v5 =	vadd.f32 v5, v7;
	v7 =	vld [tilespmem:s31+$0xA640];
	v2 =	vadd.f32 v4, v2  }
0x140: {  	v4 =	vld [tilespmem:s10+$0xBA40]  }
0x141: {  	v5 =	vadd.f32 v8, v5;
	v8 =	vld [tilespmem:s31+$0xA8C0];
	v2 =	vadd.f32 v3, v2  }
0x142: {  	v3 =	vld [tilespmem:s10+$0xBCC0]  }
0x143: {  	v10 =	vld [tilespmem:s31+$0xAB40];
	v5 =	vadd.f32 v9, v5;
	v2 =	vadd.f32 v6, v2  }
0x144: {  	v9 =	vld [tilespmem:s10+$0xBF40]  }
0x145: {  	v6 =	vadd.f32 v7, v5;
	v5 =	vld [tilespmem:s31+$0xADC0];
	v7 =	vadd.f32 v4, v2  }
0x146: {  	v4 =	vld [tilespmem:s10+$0xC1C0]  }
0x147: {  	v2 =	vld [tilespmem:s31+$0xB2C0];
	v8 =	vadd.f32 v8, v6;
	v11 =	vadd.f32 v3, v7  }
0x148: {  	s29 =	simm.s32 $0x20;
	v6 =	vld [tilespmem:s31+$0xB040]  }
0x149: {  	s11 =	simm.s32 $0xC0;
	v3 =	vld [tilespmem:s29+$0x9C40];
	v7 =	vadd.f32 v10, v8;
	v8 =	vadd.f32 v9, v11  }
.LBB2_9:
0x14a: {  	p1 =	sne.s32 s11, $0x600;
	v9 =	vld [tilespmem:s29+$0x9EC0]  }
0x14b: {  	v5 =	vadd.f32 v5, v7;
	v7 =	vld [tilespmem:s31+$0xB540];
	v4 =	vadd.f32 v4, v8  }
0x14c: {  	v8 =	vld [tilespmem:s29+$0xA140]  }
0x14d: {  	v5 =	vadd.f32 v6, v5;
	v6 =	vld [tilespmem:s31+$0xB7C0];
	[tilespmem:s10+$0xC440] =	vst v4;
	s10 =	smov.u32 s31;
	s31 =	smov.u32 s29  }
0x14e: {  	v4 =	vld [tilespmem:s31+$0xA3C0]  }
0x14f: {  	v3 =	vadd.f32 v9, v3;
	v2 =	vadd.f32 v2, v5;
	v5 =	vld [tilespmem:s10+$0xBA40]  }
0x150: {  	v9 =	vld [tilespmem:s31+$0xA640]  }
0x151: {  	v3 =	vadd.f32 v8, v3;
	v2 =	vadd.f32 v7, v2;
	v7 =	vld [tilespmem:s10+$0xBCC0]  }
0x152: {  	v8 =	vld [tilespmem:s31+$0xA8C0]  }
0x153: {  	v3 =	vadd.f32 v4, v3;
	v2 =	vadd.f32 v6, v2;
	v10 =	vld [tilespmem:s10+$0xBF40]  }
0x154: {  	v11 =	vld [tilespmem:s31+$0xAB40]  }
.Ltmp6:
0x155: {  	v3 =	vadd.f32 v9, v3;
	v6 =	vadd.f32 v5, v2;
	v4 =	vld [tilespmem:s10+$0xC1C0];
	(pc) =	sbr.rel @p1 .LBB2_9-.Ltmp6, $4  }
0x156: {  	v5 =	vld [tilespmem:s31+$0xADC0]  }
0x157: {  	v8 =	vadd.f32 v8, v3;
	v2 =	vld [tilespmem:s31+$0xB2C0];
	v9 =	vadd.f32 v7, v6  }
0x158: {  	s29 =	sshra.s32 s11, $0x2;
	v6 =	vld [tilespmem:s31+$0xB040]  }
0x159: {  	s11 =	sadd.s32 $0x40, s11;
	v3 =	vld [tilespmem:s29+$0x9C40];
	v7 =	vadd.f32 v11, v8;
	v8 =	vadd.f32 v10, v9  }
0x15a: {  	v9 =	vld [tilespmem:s29+$0x9EC0]  }
0x15b: {  	v10 =	vld [tilespmem:s31+$0xB540];
	v4 =	vadd.f32 v4, v8  }
0x15c: {  	v49 =	vld [tilespmem:s29+$0xA140]  }
0x15d: {  	v11 =	vld [tilespmem:s31+$0xB7C0];
	v5 =	vadd.f32 v5, v7;
	[tilespmem:s10+$0xC440] =	vst v4  }
0x15e: {  	v4 =	vld [tilespmem:s29+$0xA3C0]  }
0x15f: {  	v5 =	vadd.f32 v6, v5;
	v3 =	vadd.f32 v9, v3  }
0x160: {  	v50 =	vld [tilespmem:s29+$0xA640]  }
0x161: {  	v51 =	vld [tilespmem:s31+$0xBA40];
	v2 =	vadd.f32 v2, v5;
	v3 =	vadd.f32 v49, v3  }
0x162: {  	v52 =	vld [tilespmem:s29+$0xA8C0]  }
0x163: {  	v53 =	vld [tilespmem:s31+$0xBCC0];
	v2 =	vadd.f32 v10, v2;
	v3 =	vadd.f32 v4, v3  }
0x164: {  	v54 =	vld [tilespmem:s29+$0xAB40]  }
0x165: {  	v55 =	vld [tilespmem:s31+$0xBF40];
	v2 =	vadd.f32 v11, v2;
	v3 =	vadd.f32 v50, v3  }
0x166: {  	v56 =	vld [tilespmem:s29+$0xADC0]  }
0x167: {  	v57 =	vld [tilespmem:s31+$0xC1C0];
	v2 =	vadd.f32 v51, v2;
	v3 =	vadd.f32 v52, v3  }
0x168: {  	v58 =	vld [tilespmem:s29+$0xB040]  }
0x169: {  	v2 =	vadd.f32 v53, v2;
	v3 =	vadd.f32 v54, v3  }
0x16a: {  	v59 =	vld [tilespmem:s29+$0xB2C0]  }
0x16b: {  	v2 =	vadd.f32 v55, v2;
	v3 =	vadd.f32 v56, v3  }
0x16c: {  	v60 =	vld [tilespmem:s29+$0xB540]  }
0x16d: {  	v2 =	vadd.f32 v57, v2;
	v3 =	vadd.f32 v58, v3  }
0x16e: {  	v61 =	vld [tilespmem:s29+$0xB7C0]  }
0x16f: {  	[tilespmem:s31+$0xC440] =	vst v2;
	v2 =	vadd.f32 v59, v3  }
0x170: {  	v3 =	vld [tilespmem:s29+$0xBA40]  }
0x171: {  	v2 =	vadd.f32 v60, v2  }
0x172: {  	v62 =	vld [tilespmem:s29+$0xBCC0]  }
0x173: {  	v2 =	vadd.f32 v61, v2  }
0x174: {  	v63 =	vld [tilespmem:s29+$0xBF40]  }
0x175: {  	v2 =	vadd.f32 v3, v2  }
0x176: {  	v3 =	vld [tilespmem:s29+$0xC1C0]  }
0x177: {  	v2 =	vadd.f32 v62, v2;
	_ =	sdelay $0x1  }
0x178: {  	v2 =	vadd.f32 v63, v2;
	_ =	sdelay $0x1  }
0x179: {  	v2 =	vadd.f32 v3, v2;
	_ =	sdelay $0x1  }
.Ltmp7:
0x17a: {  	s31 =	rddreg [dreg:$0xb];
	[tilespmem:s29+$0xC440] =	vst v2;
	(pc) =	sbr.rel .LBB2_16-.Ltmp7, $4  }
0x17b: {  	[hbm4b:s31+s2] =	stream.linear.scatter [tilespmem:s26], [sflag:$0x1], $0x190, $0x38;
	[tilespmem:$0x114E0] =	vst v63  }
0x17c: {  	_ =	swait.ge [sflag:s21], $0x190  }
0x17d: {  	[sflag:s21] =	ssyncset.done $0x0  }
0x17e: {  	[sflag:s21] =	ssyncadd.s32 $0xFFFFFE70  }
.LBB2_11:
0x17f: {  	s10 =	rddreg [dreg:$0x5]  }
0x180: {  	[tilespmem:s25], [sflag:$0x1] =	stream.strided.gather [spmem:s10], $0x2800, s22, s8, $0x38;
	[tilespmem:$0x114E0] =	vst v63  }
0x181: {  	_ =	swait.ge [sflag:s21], $0x2800  }
0x182: {  	[sflag:s21] =	ssyncset.done $0x0  }
0x183: {  	s10 =	simm.s32 $0x0;
	[sflag:s21] =	ssyncadd.s32 $0xFFFFD800  }
0x184: {  	v2 =	vld [tilespmem:s10+$0x9C40]  }
0x185: {  	v3 =	vld [tilespmem:s10+$0x9EC0];
	_ =	sdelay $0x1  }
0x186: {  	v4 =	vld [tilespmem:s10+$0xA140];
	_ =	sdelay $0x1  }
0x187: {  	v5 =	vld [tilespmem:s10+$0xA3C0]  }
0x188: {  	v2 =	vadd.f32 v3, v2  }
0x189: {  	v3 =	vld [tilespmem:s10+$0xA640]  }
0x18a: {  	v2 =	vadd.f32 v4, v2  }
0x18b: {  	v4 =	vld [tilespmem:s10+$0xA8C0]  }
0x18c: {  	v2 =	vadd.f32 v5, v2  }
0x18d: {  	v5 =	vld [tilespmem:s10+$0xAB40]  }
0x18e: {  	v2 =	vadd.f32 v3, v2  }
0x18f: {  	v3 =	vld [tilespmem:s10+$0xADC0]  }
0x190: {  	s31 =	simm.s32 $0x10;
	v6 =	vld [tilespmem:s10+$0xB040];
	v2 =	vadd.f32 v4, v2  }
0x191: {  	v7 =	vld [tilespmem:s31+$0x9C40]  }
0x192: {  	v4 =	vld [tilespmem:s10+$0xB2C0];
	v2 =	vadd.f32 v5, v2  }
0x193: {  	v5 =	vld [tilespmem:s31+$0x9EC0]  }
0x194: {  	v8 =	vld [tilespmem:s31+$0xA140];
	v2 =	vadd.f32 v3, v2  }
0x195: {  	v3 =	vld [tilespmem:s10+$0xB540]  }
0x196: {  	v9 =	vld [tilespmem:s31+$0xA3C0];
	v2 =	vadd.f32 v6, v2  }
0x197: {  	v6 =	vld [tilespmem:s10+$0xB7C0]  }
0x198: {  	v5 =	vadd.f32 v5, v7;
	v7 =	vld [tilespmem:s31+$0xA640];
	v2 =	vadd.f32 v4, v2  }
0x199: {  	v4 =	vld [tilespmem:s10+$0xBA40]  }
0x19a: {  	v5 =	vadd.f32 v8, v5;
	v8 =	vld [tilespmem:s31+$0xA8C0];
	v2 =	vadd.f32 v3, v2  }
0x19b: {  	v3 =	vld [tilespmem:s10+$0xBCC0]  }
0x19c: {  	v10 =	vld [tilespmem:s31+$0xAB40];
	v5 =	vadd.f32 v9, v5;
	v2 =	vadd.f32 v6, v2  }
0x19d: {  	v9 =	vld [tilespmem:s10+$0xBF40]  }
0x19e: {  	v6 =	vadd.f32 v7, v5;
	v5 =	vld [tilespmem:s31+$0xADC0];
	v7 =	vadd.f32 v4, v2  }
0x19f: {  	v4 =	vld [tilespmem:s10+$0xC1C0]  }
0x1a0: {  	v2 =	vld [tilespmem:s31+$0xB2C0];
	v8 =	vadd.f32 v8, v6;
	v11 =	vadd.f32 v3, v7  }
0x1a1: {  	s29 =	simm.s32 $0x20;
	v6 =	vld [tilespmem:s31+$0xB040]  }
0x1a2: {  	s11 =	simm.s32 $0xC0;
	v3 =	vld [tilespmem:s29+$0x9C40];
	v7 =	vadd.f32 v10, v8;
	v8 =	vadd.f32 v9, v11  }
.LBB2_12:
0x1a3: {  	p1 =	sne.s32 s11, $0x9C0;
	v9 =	vld [tilespmem:s29+$0x9EC0]  }
0x1a4: {  	v5 =	vadd.f32 v5, v7;
	v7 =	vld [tilespmem:s31+$0xB540];
	v4 =	vadd.f32 v4, v8  }
0x1a5: {  	v8 =	vld [tilespmem:s29+$0xA140]  }
0x1a6: {  	v5 =	vadd.f32 v6, v5;
	v6 =	vld [tilespmem:s31+$0xB7C0];
	[tilespmem:s10+$0xC440] =	vst v4;
	s10 =	smov.u32 s31;
	s31 =	smov.u32 s29  }
0x1a7: {  	v4 =	vld [tilespmem:s31+$0xA3C0]  }
0x1a8: {  	v3 =	vadd.f32 v9, v3;
	v2 =	vadd.f32 v2, v5;
	v5 =	vld [tilespmem:s10+$0xBA40]  }
0x1a9: {  	v9 =	vld [tilespmem:s31+$0xA640]  }
0x1aa: {  	v3 =	vadd.f32 v8, v3;
	v2 =	vadd.f32 v7, v2;
	v7 =	vld [tilespmem:s10+$0xBCC0]  }
0x1ab: {  	v8 =	vld [tilespmem:s31+$0xA8C0]  }
0x1ac: {  	v3 =	vadd.f32 v4, v3;
	v2 =	vadd.f32 v6, v2;
	v10 =	vld [tilespmem:s10+$0xBF40]  }
0x1ad: {  	v11 =	vld [tilespmem:s31+$0xAB40]  }
.Ltmp8:
0x1ae: {  	v3 =	vadd.f32 v9, v3;
	v6 =	vadd.f32 v5, v2;
	v4 =	vld [tilespmem:s10+$0xC1C0];
	(pc) =	sbr.rel @p1 .LBB2_12-.Ltmp8, $4  }
0x1af: {  	v5 =	vld [tilespmem:s31+$0xADC0]  }
0x1b0: {  	v8 =	vadd.f32 v8, v3;
	v2 =	vld [tilespmem:s31+$0xB2C0];
	v9 =	vadd.f32 v7, v6  }
0x1b1: {  	s29 =	sshra.s32 s11, $0x2;
	v6 =	vld [tilespmem:s31+$0xB040]  }
0x1b2: {  	s11 =	sadd.s32 $0x40, s11;
	v3 =	vld [tilespmem:s29+$0x9C40];
	v7 =	vadd.f32 v11, v8;
	v8 =	vadd.f32 v10, v9  }
0x1b3: {  	v9 =	vld [tilespmem:s29+$0x9EC0]  }
0x1b4: {  	v10 =	vld [tilespmem:s31+$0xB540];
	v4 =	vadd.f32 v4, v8  }
0x1b5: {  	v8 =	vld [tilespmem:s29+$0xA140]  }
0x1b6: {  	v11 =	vld [tilespmem:s31+$0xB7C0];
	v5 =	vadd.f32 v5, v7;
	[tilespmem:s10+$0xC440] =	vst v4  }
0x1b7: {  	v4 =	vld [tilespmem:s29+$0xA3C0]  }
0x1b8: {  	v5 =	vadd.f32 v6, v5;
	v3 =	vadd.f32 v9, v3  }
0x1b9: {  	v6 =	vld [tilespmem:s29+$0xA640]  }
0x1ba: {  	v7 =	vld [tilespmem:s29+$0xA8C0];
	v2 =	vadd.f32 v2, v5;
	v3 =	vadd.f32 v8, v3  }
0x1bb: {  	v5 =	vld [tilespmem:s31+$0xBA40]  }
0x1bc: {  	v2 =	vadd.f32 v10, v2;
	v8 =	vld [tilespmem:s31+$0xBCC0];
	v3 =	vadd.f32 v4, v3  }
0x1bd: {  	v4 =	vld [tilespmem:s29+$0xAB40]  }
0x1be: {  	v9 =	vld [tilespmem:s31+$0xBF40];
	v2 =	vadd.f32 v11, v2;
	v3 =	vadd.f32 v6, v3  }
0x1bf: {  	v6 =	vld [tilespmem:s29+$0xADC0]  }
0x1c0: {  	v2 =	vadd.f32 v5, v2;
	v5 =	vld [tilespmem:s31+$0xC1C0];
	v3 =	vadd.f32 v7, v3  }
0x1c1: {  	v7 =	vld [tilespmem:s29+$0xB040]  }
0x1c2: {  	v2 =	vadd.f32 v8, v2;
	v3 =	vadd.f32 v4, v3  }
0x1c3: {  	v4 =	vld [tilespmem:s29+$0xB2C0]  }
0x1c4: {  	v2 =	vadd.f32 v9, v2;
	v3 =	vadd.f32 v6, v3  }
0x1c5: {  	v6 =	vld [tilespmem:s29+$0xB540]  }
0x1c6: {  	v2 =	vadd.f32 v5, v2;
	v3 =	vadd.f32 v7, v3  }
0x1c7: {  	v5 =	vld [tilespmem:s29+$0xB7C0]  }
0x1c8: {  	[tilespmem:s31+$0xC440] =	vst v2;
	v2 =	vadd.f32 v4, v3  }
0x1c9: {  	v3 =	vld [tilespmem:s29+$0xBA40]  }
0x1ca: {  	v2 =	vadd.f32 v6, v2  }
0x1cb: {  	v4 =	vld [tilespmem:s29+$0xBCC0]  }
0x1cc: {  	v2 =	vadd.f32 v5, v2  }
0x1cd: {  	v5 =	vld [tilespmem:s29+$0xBF40]  }
0x1ce: {  	v2 =	vadd.f32 v3, v2  }
0x1cf: {  	v3 =	vld [tilespmem:s29+$0xC1C0]  }
0x1d0: {  	v2 =	vadd.f32 v4, v2;
	_ =	sdelay $0x1  }
0x1d1: {  	v2 =	vadd.f32 v5, v2;
	_ =	sdelay $0x1  }
0x1d2: {  	v2 =	vadd.f32 v3, v2;
	_ =	sdelay $0x1  }
0x1d3: {  	s11 =	rddreg [dreg:$0x6];
	s10 =	simm.s32 $0x0;
	[tilespmem:s29+$0xC440] =	vst v2  }
0x1d4: {  	[hbm4b:s11+s10] =	stream.linear.scatter [tilespmem:s26], [sflag:$0x1], $0x280, $0x38;
	[tilespmem:$0x114E0] =	vst v63  }
0x1d5: {  	_ =	swait.ge [sflag:s21], $0x280  }
0x1d6: {  	[sflag:s21] =	ssyncset.done $0x0  }
0x1d7: {  	s11 =	rddreg [dreg:$0x7];
	[sflag:s21] =	ssyncadd.s32 $0xFFFFFD80  }
0x1d8: {  	[tilespmem:s25], [sflag:$0x1] =	stream.strided.gather [spmem:s11], $0x2800, s22, s8, $0x38;
	[tilespmem:$0x114E0] =	vst v63  }
0x1d9: {  	_ =	swait.ge [sflag:s21], $0x2800  }
0x1da: {  	[sflag:s21] =	ssyncset.done $0x0  }
0x1db: {  	s10 =	simm.s32 $0x0;
	[sflag:s21] =	ssyncadd.s32 $0xFFFFD800  }
0x1dc: {  	v2 =	vld [tilespmem:s10+$0x9C40]  }
0x1dd: {  	v3 =	vld [tilespmem:s10+$0x9EC0];
	_ =	sdelay $0x1  }
0x1de: {  	v4 =	vld [tilespmem:s10+$0xA140];
	_ =	sdelay $0x1  }
0x1df: {  	v5 =	vld [tilespmem:s10+$0xA3C0]  }
0x1e0: {  	v2 =	vadd.f32 v3, v2  }
0x1e1: {  	v3 =	vld [tilespmem:s10+$0xA640]  }
0x1e2: {  	v2 =	vadd.f32 v4, v2  }
0x1e3: {  	v4 =	vld [tilespmem:s10+$0xA8C0]  }
0x1e4: {  	v2 =	vadd.f32 v5, v2  }
0x1e5: {  	v5 =	vld [tilespmem:s10+$0xAB40]  }
0x1e6: {  	v2 =	vadd.f32 v3, v2  }
0x1e7: {  	v3 =	vld [tilespmem:s10+$0xADC0]  }
0x1e8: {  	s31 =	simm.s32 $0x10;
	v6 =	vld [tilespmem:s10+$0xB040];
	v2 =	vadd.f32 v4, v2  }
0x1e9: {  	v7 =	vld [tilespmem:s31+$0x9C40]  }
0x1ea: {  	v4 =	vld [tilespmem:s10+$0xB2C0];
	v2 =	vadd.f32 v5, v2  }
0x1eb: {  	v5 =	vld [tilespmem:s31+$0x9EC0]  }
0x1ec: {  	v8 =	vld [tilespmem:s31+$0xA140];
	v2 =	vadd.f32 v3, v2  }
0x1ed: {  	v3 =	vld [tilespmem:s10+$0xB540]  }
0x1ee: {  	v9 =	vld [tilespmem:s31+$0xA3C0];
	v2 =	vadd.f32 v6, v2  }
0x1ef: {  	v6 =	vld [tilespmem:s10+$0xB7C0]  }
0x1f0: {  	v5 =	vadd.f32 v5, v7;
	v7 =	vld [tilespmem:s31+$0xA640];
	v2 =	vadd.f32 v4, v2  }
0x1f1: {  	v4 =	vld [tilespmem:s10+$0xBA40]  }
0x1f2: {  	v5 =	vadd.f32 v8, v5;
	v8 =	vld [tilespmem:s31+$0xA8C0];
	v2 =	vadd.f32 v3, v2  }
0x1f3: {  	v3 =	vld [tilespmem:s10+$0xBCC0]  }
0x1f4: {  	v10 =	vld [tilespmem:s31+$0xAB40];
	v5 =	vadd.f32 v9, v5;
	v2 =	vadd.f32 v6, v2  }
0x1f5: {  	v9 =	vld [tilespmem:s10+$0xBF40]  }
0x1f6: {  	v6 =	vadd.f32 v7, v5;
	v5 =	vld [tilespmem:s31+$0xADC0];
	v7 =	vadd.f32 v4, v2  }
0x1f7: {  	v4 =	vld [tilespmem:s10+$0xC1C0]  }
0x1f8: {  	v2 =	vld [tilespmem:s31+$0xB2C0];
	v8 =	vadd.f32 v8, v6;
	v11 =	vadd.f32 v3, v7  }
0x1f9: {  	s29 =	simm.s32 $0x20;
	v6 =	vld [tilespmem:s31+$0xB040]  }
0x1fa: {  	s11 =	simm.s32 $0xC0;
	v3 =	vld [tilespmem:s29+$0x9C40];
	v7 =	vadd.f32 v10, v8;
	v8 =	vadd.f32 v9, v11  }
.LBB2_14:
0x1fb: {  	p1 =	sne.s32 s11, $0x9C0;
	v9 =	vld [tilespmem:s29+$0x9EC0]  }
0x1fc: {  	v5 =	vadd.f32 v5, v7;
	v4 =	vadd.f32 v4, v8;
	v7 =	vld [tilespmem:s31+$0xB540]  }
0x1fd: {  	v8 =	vld [tilespmem:s29+$0xA140]  }
0x1fe: {  	v5 =	vadd.f32 v6, v5;
	v6 =	vld [tilespmem:s31+$0xB7C0];
	[tilespmem:s10+$0xC440] =	vst v4;
	s10 =	smov.u32 s31;
	s31 =	smov.u32 s29  }
0x1ff: {  	v4 =	vld [tilespmem:s31+$0xA3C0]  }
0x200: {  	v2 =	vadd.f32 v2, v5;
	v3 =	vadd.f32 v9, v3;
	v5 =	vld [tilespmem:s10+$0xBA40]  }
0x201: {  	v9 =	vld [tilespmem:s31+$0xA640]  }
0x202: {  	v2 =	vadd.f32 v7, v2;
	v3 =	vadd.f32 v8, v3;
	v7 =	vld [tilespmem:s10+$0xBCC0]  }
0x203: {  	v8 =	vld [tilespmem:s31+$0xA8C0]  }
0x204: {  	v2 =	vadd.f32 v6, v2;
	v3 =	vadd.f32 v4, v3;
	v10 =	vld [tilespmem:s10+$0xBF40]  }
0x205: {  	v11 =	vld [tilespmem:s31+$0xAB40]  }
.Ltmp9:
0x206: {  	v6 =	vadd.f32 v5, v2;
	v3 =	vadd.f32 v9, v3;
	v4 =	vld [tilespmem:s10+$0xC1C0];
	(pc) =	sbr.rel @p1 .LBB2_14-.Ltmp9, $4  }
0x207: {  	v5 =	vld [tilespmem:s31+$0xADC0]  }
0x208: {  	v9 =	vadd.f32 v7, v6;
	v8 =	vadd.f32 v8, v3;
	v2 =	vld [tilespmem:s31+$0xB2C0]  }
0x209: {  	s29 =	sshra.s32 s11, $0x2;
	v6 =	vld [tilespmem:s31+$0xB040]  }
0x20a: {  	s11 =	sadd.s32 $0x40, s11;
	v3 =	vld [tilespmem:s29+$0x9C40];
	v7 =	vadd.f32 v11, v8;
	v8 =	vadd.f32 v10, v9  }
.Ltmp10:
0x20b: {  	_ = 	snop;
	(pc) =	sbr.rel .LBB2_15-.Ltmp10, $1  }
0x20c: {  	_ =	sdelay $0x3  }
.LBB2_17:
0x20d: {  	_ =	sfence.sel $0x180000  }
0x20e: {  	[bflag:$0x0] =	sbarrier.arrive $0xFFFF  }
0x20f: {  	_ =	strace $0x90000047  }
0x210: {  	s0 =	stileid.u32;
	[bflag:$0x2] =	sbarrier.arrive $0xFFFF  }
0x211: {  	p0 =	sne.s32 s0, $0x0;
	s0 =	rddreg [dreg:$0x4]  }
0x212: {  	s0 =	sadd.s32 @!p0 $0x100000, s0  }
0x213: {  	[sflag:s0] =	ssyncadd.tile.s32 @!p0 $0x1;
	_ =	shalt  }
.Lfunc_end2:
_tile_overlayer_lowered:
.L_overlay_start_2:
0x214: {  	(tag) =	ssettag $0x2  }
0x215: {  	s0 =	rddreg [dreg:$0x0];
	s2 =	stileid.u32  }
0x216: {  	s1 =	rddreg [dreg:$0x1];
	p0 =	sne.s32 s2, $0x0  }
0x217: {  	s3 =	rddreg [dreg:$0x2];
	[bflag:$0x3] =	sbarrier.arrive $0xFFFF;
	s2 =	simm.s32 @!p0 $0x1C01  }
0x218: {  	[timem:s3], [sflag:s2] =	dma.local @!p0 [hbm:s0], s1  }
0x219: {  	s0 =	simm.s32 @!p0 $0x1  }
0x21a: {  	_ =	swait.ge @!p0 [sflag:s0], s1  }
0x21b: {  	s1 =	ssub.s32 @!p0 $0x0, s1;
	[sflag:s0] =	ssyncset.done @!p0 $0x0  }
0x21c: {  	[sflag:s0] =	ssyncadd.s32 @!p0 s1  }
0x21d: {  	[bflag:$0x3] =	sbarrier.arrive $0xFFFF  }
0x21e: {  	_ =	shalt  }

// kernel: kernel.9.cloned.1.call-start
scs
__scs_entry_jumppad:
0x0: {  	(pc) =	sbr.rel $0x88, $3  }
0x1: {  	(tag) =	ssettag $0x0;
	lr =	simm.s32 $0x1  }
0x2: {  	[smem:$0x3F9D] =	sst lr;
	_ =	strace $0xD0000000  }
0x3: {  	_ = 	snop  }
0x4: {  	_ = 	snop  }
0x5: {  	_ = 	snop  }
0x6: {  	_ = 	snop  }
0x7: {  	_ = 	snop  }
__scs_overlays_trampoline_lowered:
0x8: {  	[smem:$0x3FAC] =	sst s0  }
0x9: {  	[smem:$0x3FAD] =	sst s1  }
0xa: {  	[smem:$0x3FAE] =	sst s2  }
0xb: {  	[smem:$0x3FAF] =	sst s3  }
0xc: {  	[smem:$0x3FB0] =	sst s4  }
0xd: {  	[smem:$0x3FB1] =	sst s5  }
0xe: {  	[smem:$0x3FB2] =	sst s6  }
0xf: {  	[smem:$0x3FB3] =	sst s7  }
0x10: {  	[smem:$0x3FB4] =	sst s8  }
0x11: {  	[smem:$0x3FB5] =	sst s9;
	s0 =	simm.s32 @!p0 $0x0  }
0x12: {  	s1 =	sld [smem:$0x3F9B];
	s0 =	simm.s32 @p0 $0x1  }
0x13: {  	[smem:$0x3FB6] =	sst s0;
	s0 =	simm.s32 @!p1 $0x0  }
0x14: {  	s2 =	sld [smem:$0x3F9A];
	s0 =	simm.s32 @p1 $0x1  }
0x15: {  	[smem:$0x3FB7] =	sst s0;
	s0 =	simm.s32 @!p2 $0x0  }
0x16: {  	s3 =	sld [smem:$0x3FDB];
	s0 =	simm.s32 @p2 $0x1  }
0x17: {  	s4 =	simm.s32 $0x1BF5;
	[smem:$0x3FB9] =	sst s0  }
0x18: {  	s0 =	sld [smem:$0x3F9C];
	_ =	swait.ge [sflag:s4], $0x0  }
0x19: {  	s7 =	sld [smem:$0x3F9D]  }
0x1a: {  	s8 =	sadd.s32 $0xFFFFE003, lr  }
0x1b: {  	s9 =	sadd.s32 $0xFFFFFEF7, lr;
	s5 =	simm.s32 $0xFFFFFFFF;
	p2 =	slt.u32 s8, $0xFFFFF086  }
0x1c: {  	p1 =	slt.u32 s9, $0xF7A;
	s5 =	simm.s32 @!p2 $0x0  }
0x1d: {  	s5 =	simm.s32 @p1 $0x1;
	p0 =	seq.s32 s7, s2  }
0x1e: {  	s7 =	smul.u32 @!p0 $0xF7A, s2;
	p2 =	seq.s32 @!p0 s5, $0x0  }
0x1f: {  	s9 =	smul.u32 $0xF7A, s1;
	s8 =	simm.s32 @!p0 $0x1BF5;
	p2 =	por !p2, p0  }
0x20: {  	[sflag:s8] =	ssyncset.s32 @!p0 $0xFFFFF086;
	s6 =	sadd.s32 @!p0 s3, s7;
	s7 =	simm.s32 @!p0 $0x108  }
0x21: {  	s3 =	sadd.s32 s3, s9;
	s6 =	sadd.s32 @!p0 $0x88, s6;
	s7 =	simm.s32 @p2 $0x1082  }
0x22: {  	[simem:s7], [sflag:s8] =	dma.local @!p0 [hbm:s6], $0xF7A  }
0x23: {  	s9 =	sor.u32 $0xD0000000, s2;
	s6 =	simm.s32 $0x108;
	_ =	swait.ge @!p0 [sflag:s8], $0x0  }
0x24: {  	s3 =	sadd.s32 $0x88, s3;
	s6 =	simm.s32 @!p1 $0x1082;
	[sflag:s4] =	ssyncset.s32 $0xFFFFF086  }
0x25: {  	[simem:s6], [sflag:s4] =	dma.local [hbm:s3], $0xF7A  }
0x26: {  	[smem:$0x3F9D] =	sst s1;
	(tag) =	ssettag s2;
	_ =	strace s9  }
0x27: {  	s1 =	sld [smem:$0x3FAD]  }
0x28: {  	s2 =	sld [smem:$0x3FAE]  }
0x29: {  	s4 =	sld [smem:$0x3FB0]  }
0x2a: {  	p0 =	seq.s32 s5, $0x0;
	s5 =	sld [smem:$0x3FB1]  }
0x2b: {  	s6 =	sld [smem:$0x3FB2]  }
0x2c: {  	s7 =	sld [smem:$0x3FB3]  }
0x2d: {  	s3 =	simm.s32 $0x108;
	s8 =	sld [smem:$0x3FB4]  }
0x2e: {  	s3 =	simm.s32 @!p0 $0x1082;
	s9 =	sld [smem:$0x3FB5]  }
0x2f: {  	lr =	sadd.s32 s0, s3;
	s0 =	sld [smem:$0x3FAC]  }
0x30: {  	s3 =	sld [smem:$0x3FAF]  }
0x31: {  	[smem:$0x3FB8] =	sst s10  }
0x32: {  	s10 =	sld [smem:$0x3FB6];
	_ =	sdelay $0x3  }
0x33: {  	p0 =	seq.s32 s10, $0x1;
	s10 =	sld [smem:$0x3FB8];
	_ =	sdelay $0x3  }
0x34: {  	[smem:$0x3FB8] =	sst s10  }
0x35: {  	s10 =	sld [smem:$0x3FB7];
	_ =	sdelay $0x3  }
0x36: {  	p1 =	seq.s32 s10, $0x1;
	s10 =	sld [smem:$0x3FB8];
	_ =	sdelay $0x3  }
0x37: {  	[smem:$0x3FB8] =	sst s10  }
0x38: {  	s10 =	sld [smem:$0x3FB9]  }
0x39: {  	_ = 	snop;
	(pc) =	sbr.ind lr, $3  }
0x3a: {  	_ = 	snop  }
0x3b: {  	_ = 	snop  }
0x3c: {  	p2 =	seq.s32 s10, $0x1;
	s10 =	sld [smem:$0x3FB8]  }
0x3d: {  	_ =	shalt  }
0x3e: {  	_ =	shalt  }
0x3f: {  	_ =	shalt  }
0x40: {  	_ =	shalt  }
0x41: {  	_ =	shalt  }
0x42: {  	_ =	shalt  }
0x43: {  	_ =	shalt  }
0x44: {  	_ =	shalt  }
0x45: {  	_ =	shalt  }
0x46: {  	_ =	shalt  }
0x47: {  	_ =	shalt  }
0x48: {  	_ =	shalt  }
0x49: {  	_ =	shalt  }
0x4a: {  	_ =	shalt  }
0x4b: {  	_ =	shalt  }
0x4c: {  	_ =	shalt  }
0x4d: {  	_ =	shalt  }
0x4e: {  	_ =	shalt  }
0x4f: {  	_ =	shalt  }
0x50: {  	_ =	shalt  }
0x51: {  	_ =	shalt  }
0x52: {  	_ =	shalt  }
0x53: {  	_ =	shalt  }
0x54: {  	_ =	shalt  }
0x55: {  	_ =	shalt  }
0x56: {  	_ =	shalt  }
0x57: {  	_ =	shalt  }
0x58: {  	_ =	shalt  }
0x59: {  	_ =	shalt  }
0x5a: {  	_ =	shalt  }
0x5b: {  	_ =	shalt  }
0x5c: {  	_ =	shalt  }
0x5d: {  	_ =	shalt  }
0x5e: {  	_ =	shalt  }
0x5f: {  	_ =	shalt  }
0x60: {  	_ =	shalt  }
0x61: {  	_ =	shalt  }
0x62: {  	_ =	shalt  }
0x63: {  	_ =	shalt  }
0x64: {  	_ =	shalt  }
0x65: {  	_ =	shalt  }
0x66: {  	_ =	shalt  }
0x67: {  	_ =	shalt  }
0x68: {  	_ =	shalt  }
0x69: {  	_ =	shalt  }
0x6a: {  	_ =	shalt  }
0x6b: {  	_ =	shalt  }
0x6c: {  	_ =	shalt  }
0x6d: {  	_ =	shalt  }
0x6e: {  	_ =	shalt  }
0x6f: {  	_ =	shalt  }
0x70: {  	_ =	shalt  }
0x71: {  	_ =	shalt  }
0x72: {  	_ =	shalt  }
0x73: {  	_ =	shalt  }
0x74: {  	_ =	shalt  }
0x75: {  	_ =	shalt  }
0x76: {  	_ =	shalt  }
0x77: {  	_ =	shalt  }
0x78: {  	_ =	shalt  }
0x79: {  	_ =	shalt  }
0x7a: {  	_ =	shalt  }
0x7b: {  	_ =	shalt  }
0x7c: {  	_ =	shalt  }
0x7d: {  	_ =	shalt  }
0x7e: {  	_ =	shalt  }
0x7f: {  	_ =	shalt  }
0x80: {  	_ =	shalt  }
0x81: {  	_ =	shalt  }
0x82: {  	_ =	shalt  }
0x83: {  	_ =	shalt  }
0x84: {  	_ =	shalt  }
0x85: {  	_ =	shalt  }
0x86: {  	_ =	shalt  }
0x87: {  	_ =	shalt  }
.Lfunc_end0:
.L_simem_size_0:
called_computation.1_lowered:
.L_overlay_start_0:
0x88: {  	s2 =	sld [smem:$0x3FD9]  }
0x89: {  	s3 =	sld [smem:$0x3FFE];
	_ =	sdelay $0x1  }
0x8a: {  	s1 =	srdreg.scid  }
0x8b: {  	s0 =	sand.u32 $0x1, s1  }
0x8c: {  	s17 =	sshll.u32 s0, $0xA;
	s2 =	sadd.s32 s3, s2  }
0x8d: {  	s2 =	sadd.s32 s2, s17  }
0x8e: {  	[smem:$0x3FC4] =	sst s2  }
0x8f: {  	_ = 	snop  }
0x90: {  	s2 =	sld [smem:$0x3FD0];
	(tm) =	ssettm $0x1  }
0x91: {  	s18 =	sld [smem:$0x3FFB];
	_ =	sdelay $0x3  }
0x92: {  	_ =	strace s18  }
0x93: {  	s3 =	sld [smem:$0x3FFC];
	_ =	sdelay $0x3  }
0x94: {  	_ =	strace s3  }
0x95: {  	s3 =	sld [smem:$0x3FFD];
	_ =	sdelay $0x3  }
0x96: {  	_ =	strace s3  }
0x97: {  	_ =	strace $0x8FFFFFFF  }
0x98: {  	s19 =	sld [smem:$0x3FDB];
	_ =	sdelay $0x1  }
0x99: {  	s4 =	simm.s32 $_scs_section_size  }
0x9a: {  	s5 =	simm.s32 $_size__tile_overlayer_lowered;
	s6 =	simm.s32 $_tile_overlayer_lowered  }
0x9b: {  	s22 =	simm.s32 $0x1BFF;
	s21 =	sshll.u32 s6, $0x1;
	s3 =	sadd.s32 s4, s19  }
0x9c: {  	s7 =	simm.s32 $0x0;
	s20 =	sshll.u32 s5, $0x1;
	s5 =	sadd.s32 s21, s3  }
0x9d: {  	[timem:s7], [sflag:s22] =	dma.local [hbm:s5], s20  }
0x9e: {  	_ =	swait.ge [sflag:s22], s20  }
0x9f: {  	s4 =	ssub.s32 $0x0, s20;
	[sflag:s22] =	ssyncset.done $0x0  }
0xa0: {  	[sflag:s22] =	ssyncadd.s32 s4;
	_ =	sdelay $0x1  }
0xa1: {  	s23 =	simm.s32 $0x1B8B  }
0xa2: {  	_ =	swait.ge [sflag:s23], $0x1  }
0xa3: {  	[sflag:s23] =	ssyncset.done $0x0  }
0xa4: {  	s25 =	simm.s32 $0x1B8E;
	s24 =	sld [smem:$0x3FFE];
	[sflag:s23] =	ssyncadd.s32 $0xFFFFFFFF  }
0xa5: {  	s26 =	simm.s32 $execute0_lowered;
	[smem:$0x3FD2] =	sst s25  }
0xa6: {  	s5 =	sshll.u32 s26, $0x1;
	_ =	strace $0x80000049;
	[dreg:$0x1] =	wrdreg $0xFFFFFFFF  }
0xa7: {  	s28 =	simm.s32 $_size_execute0_lowered;
	s3 =	sadd.s32 s3, s5;
	[dreg:$0x0] =	wrdreg $0x0  }
0xa8: {  	s5 =	sshll.u32 s28, $0x1;
	[dreg:$0x2] =	wrdreg s3  }
0xa9: {  	[dreg:$0x3] =	wrdreg s5  }
0xaa: {  	[dreg:$0x4] =	wrdreg $0xC0  }
0xab: {  	_ =	task [dreg:s7], $0x5FFFF  }
0xac: {  	[dreg:$0x1] =	wrdreg $0xFFFFFFFF  }
0xad: {  	[dreg:$0x0] =	wrdreg $0x60  }
0xae: {  	[dreg:$0x2] =	wrdreg s2  }
0xaf: {  	[dreg:$0x3] =	wrdreg s24  }
0xb0: {  	[dreg:$0x4] =	wrdreg $0x111D00  }
0xb1: {  	[dreg:$0x5] =	wrdreg $0x9  }
0xb2: {  	_ =	task.clear_ibuf [dreg:s7], $0x6FFFF;
	_ =	strace $0x90000049  }
0xb3: {  	s29 =	simm.s32 $0x9;
	_ =	strace $0x8000004B  }
0xb4: {  	_ =	swait.ge [sflag:s29], $0x1  }
0xb5: {  	[sflag:s29] =	ssyncadd.s32 $0xFFFFFFFF  }
0xb6: {  	_ =	strace $0x9000004B  }
0xb7: {  	_ =	sfence  }
0xb8: {  	s30 =	sld [smem:$0x0];
	_ =	sdelay $0x2  }
0xb9: {  	s31 =	sshll.u32 s1, $0xD;
	s1 =	sshrl.u32 s1, $0x2  }
0xba: {  	s3 =	sand.u32 $0x4000, s31;
	s1 =	sadd.s32 s1, s30  }
0xbb: {  	s0 =	sor.u32 s3, s0;
	s1 =	sshll.u32 s1, $0x11  }
0xbc: {  	s0 =	sor.u32 s1, s0  }
0xbd: {  	s0 =	sadd.s32 $0x8F2B, s0  }
0xbe: {  	[sflag:s0] =	ssyncadd.remote.s32 $0x1  }
0xbf: {  	_ =	sfence.sel $0xFFFF  }
0xc0: {  	[dreg:$0x0] =	wrdreg $0xFFFFFFFF;
	(pc) =	sbr.abs _section_cstart, $3  }
0xc1: {  	[dreg:$0x1] =	wrdreg $0xFFFFFFFF  }
0xc2: {  	_ =	task.clear_ibuf [dreg:s7], $0x2FFFF;
	_ =	strace $0x9FFFFFFF  }
0xc3: {  	(tm) =	ssettm $0x7FFFFFFF  }
tec
execute0_lowered:
.L_overlay_start_1:
0x0: {  	(tag) =	ssettag $0x1  }
0x1: {  	s1 =	rddreg [dreg:$0x0]  }
0x2: {  	s0 =	rddreg [dreg:$0x1]  }
0x3: {  	s3 =	rddreg [dreg:$0x2];
	s2 =	srdreg.scid  }
0x4: {  	s8 =	stileid.u32;
	s4 =	simm.s32 $0x0;
	s10 =	simm.s32 $0x3  }
0x5: {  	s11 =	simm.s32 $0x2740;
	s12 =	simm.s32 $0xEAC0;
	s13 =	simm.s32 $0x4E2  }
0x6: {  	s14 =	simm.s32 $0x4E80;
	s16 =	simm.s32 $0x9CA0;
	s17 =	simm.s32 $0x1  }
0x7: {  	s19 =	simm.s32 $0x2;
	s20 =	simm.s32 $0x2C28;
	s21 =	simm.s32 $0xEB8  }
0x8: {  	s22 =	simm.s32 $0x3110;
	s23 =	simm.s32 $0x13A0;
	s24 =	simm.s32 $0x35F8  }
0x9: {  	s28 =	simm.s32 $0x1D70;
	s29 =	simm.s32 $0x3FC8;
	s30 =	simm.s32 $0x2258  }
0xa: {  	s31 =	simm.s32 $0x44B0;
	s2 =	sand.u32 $0x1, s2;
	s7 =	smul.u32 $0x2710, s8  }
0xb: {  	[smem:$0x7FF] =	sst s4;
	s25 =	smul.u32 $0x9C40, s8;
	s6 =	sshll.u32 s2, $0x4  }
0xc: {  	s5 =	smul.u32 $0x27100, s2;
	s2 =	ssub.s32 $0x2, s2;
	s6 =	sor.u32 s8, s6  }
0xd: {  	_ =	strace $0x8000004A;
	s26 =	sshrl.u32 s2, $0x1;
	s6 =	smul.u32 $0x4E8, s6  }
0xe: {  	s5 =	sadd.s32 s7, s5;
	s2 =	ssub.s32 s2, s26;
	s7 =	sshrl.u32 s25, $0x2  }
0xf: {  	s25 =	simm.s32 $0x1888;
	s26 =	simm.s32 $0x3AE0;
	s5 =	sshrl.u32 s5, $0x3  }
0x10: {  	s7 =	sadd.s32 s7, s3;
	s9 =	smax.u32 s2, $0x1;
	s6 =	sadd.s32 s6, s0  }
0x11: {  	s2 =	simm.s32 $0x0;
	s0 =	sadd.s32 s5, s0;
	s5 =	sadd.s32 $0x1FC00, s6  }
0x12: {  	v0 =	vimm.f32 $0.0e+00;
	s6 =	sadd.s32 $0x15E00, s6;
	s8 =	sadd.s32 $0x1800, s0;
	s0 =	simm.s32 $0x4998  }
.LBB2_1:
0x13: {  	[tilespmem:s4], [sflag:$0x3] =	stream.linear.gather [hbm4b:s5+s4], $0x2740, $0x38;
	[tilespmem:$0x138E0] =	vst v63  }
0x14: {  	_ =	swait.ge [sflag:s10], $0x2740  }
0x15: {  	[sflag:s10] =	ssyncset.done $0x0  }
0x16: {  	[sflag:s10] =	ssyncadd.s32 $0xFFFFD8C0  }
0x17: {  	[tilespmem:s11], [sflag:$0x3] =	stream.linear.gather [hbm4b:s6+s4], $0x2740, $0x38;
	[tilespmem:$0x138E0] =	vst v63  }
0x18: {  	_ =	swait.ge [sflag:s10], $0x2740  }
0x19: {  	[sflag:s10] =	ssyncset.done $0x0  }
0x1a: {  	s15 =	simm.s32 $0x40;
	s18 =	simm.s32 $0x0;
	[sflag:s10] =	ssyncadd.s32 $0xFFFFD8C0  }
.LBB2_2:
0x1b: {  	p0 =	sne.s32 s15, $0x9C00;
	[tilespmem:s18+$0xEAC0] =	vst v0;
	s18 =	smov.u32 s15;
	s15 =	sadd.s32 $0x40, s15  }
.Ltmp0:
0x1c: {  	(pc) =	sbr.rel @p0 .LBB2_2-.Ltmp0, $2  }
0x1d: {  	_ =	sdelay $0x2  }
0x1e: {  	s18 =	sshra.s32 s18, $0x2  }
0x1f: {  	[tilespmem:s18+$0xEAC0] =	vst v0  }
0x20: {  	[spmem:s7] =	stream.linear.scatter [tilespmem:s12], [sflag:$0x3], $0x2710, $0x38;
	[tilespmem:$0x138E0] =	vst v63  }
0x21: {  	_ =	swait.ge [sflag:s10], $0x2710  }
0x22: {  	[sflag:s10] =	ssyncset.done $0x0  }
0x23: {  	[sflag:s10] =	ssyncadd.s32 $0xFFFFD8F0  }
0x24: {  	[bflag:$0x0] =	sbarrier.arrive $0xFFFF  }
0x25: {  	[tilespmem:s14], [sflag:$0x1] =	stream.indirect.gather [hbm4b:s1+s13], $0x10, s4, s13, $0xb8;
	[tilespmem:$0x138E0] =	vst v63  }
0x26: {  	s15 =	simm.s32 $0x4E8  }
0x27: {  	[tilespmem:s16], [sflag:$0x2] =	stream.indirect.gather [hbm4b:s1+s13], $0x10, s15, s13, $0xb8;
	[tilespmem:$0x138E0] =	vst v63  }
0x28: {  	_ =	swait.ge [sflag:s17], $0x4E20  }
0x29: {  	[sflag:s17] =	ssyncset.done $0x0  }
0x2a: {  	[sflag:s17] =	ssyncadd.s32 $0xFFFFB1E0  }
0x2b: {  	[spmem:s3] =	stream.indirect.scatter.add.f32 [tilespmem:s14], [sflag:$0x3], $0x10, s11, s13, $0xb8;
	[tilespmem:$0x138E0] =	vst v63  }
0x2c: {  	_ =	swait.ge [sflag:s10], $0x4E20  }
0x2d: {  	[sflag:s10] =	ssyncset.done $0x0  }
0x2e: {  	s18 =	simm.s32 $0x9D0;
	[sflag:s10] =	ssyncadd.s32 $0xFFFFB1E0  }
0x2f: {  	[tilespmem:s14], [sflag:$0x1] =	stream.indirect.gather [hbm4b:s1+s13], $0x10, s18, s13, $0xb8;
	[tilespmem:$0x138E0] =	vst v63  }
0x30: {  	_ =	swait.ge [sflag:s19], $0x4E20  }
0x31: {  	[sflag:s19] =	ssyncset.done $0x0  }
0x32: {  	[sflag:s19] =	ssyncadd.s32 $0xFFFFB1E0  }
0x33: {  	[spmem:s3] =	stream.indirect.scatter.add.f32 [tilespmem:s16], [sflag:$0x3], $0x10, s20, s13, $0xb8;
	[tilespmem:$0x138E0] =	vst v63  }
0x34: {  	_ =	swait.ge [sflag:s10], $0x4E20  }
0x35: {  	[sflag:s10] =	ssyncset.done $0x0  }
0x36: {  	[sflag:s10] =	ssyncadd.s32 $0xFFFFB1E0  }
0x37: {  	[tilespmem:s16], [sflag:$0x2] =	stream.indirect.gather [hbm4b:s1+s13], $0x10, s21, s13, $0xb8;
	[tilespmem:$0x138E0] =	vst v63  }
0x38: {  	_ =	swait.ge [sflag:s17], $0x4E20  }
0x39: {  	[sflag:s17] =	ssyncset.done $0x0  }
0x3a: {  	[sflag:s17] =	ssyncadd.s32 $0xFFFFB1E0  }
0x3b: {  	[spmem:s3] =	stream.indirect.scatter.add.f32 [tilespmem:s14], [sflag:$0x3], $0x10, s22, s13, $0xb8;
	[tilespmem:$0x138E0] =	vst v63  }
0x3c: {  	_ =	swait.ge [sflag:s10], $0x4E20  }
0x3d: {  	[sflag:s10] =	ssyncset.done $0x0  }
0x3e: {  	[sflag:s10] =	ssyncadd.s32 $0xFFFFB1E0  }
0x3f: {  	[tilespmem:s14], [sflag:$0x1] =	stream.indirect.gather [hbm4b:s1+s13], $0x10, s23, s13, $0xb8;
	[tilespmem:$0x138E0] =	vst v63  }
0x40: {  	_ =	swait.ge [sflag:s19], $0x4E20  }
0x41: {  	[sflag:s19] =	ssyncset.done $0x0  }
0x42: {  	[sflag:s19] =	ssyncadd.s32 $0xFFFFB1E0  }
0x43: {  	[spmem:s3] =	stream.indirect.scatter.add.f32 [tilespmem:s16], [sflag:$0x3], $0x10, s24, s13, $0xb8;
	[tilespmem:$0x138E0] =	vst v63  }
0x44: {  	_ =	swait.ge [sflag:s10], $0x4E20  }
0x45: {  	[sflag:s10] =	ssyncset.done $0x0  }
0x46: {  	[sflag:s10] =	ssyncadd.s32 $0xFFFFB1E0  }
0x47: {  	[tilespmem:s16], [sflag:$0x2] =	stream.indirect.gather [hbm4b:s1+s13], $0x10, s25, s13, $0xb8;
	[tilespmem:$0x138E0] =	vst v63  }
0x48: {  	_ =	swait.ge [sflag:s17], $0x4E20  }
0x49: {  	[sflag:s17] =	ssyncset.done $0x0  }
0x4a: {  	[sflag:s17] =	ssyncadd.s32 $0xFFFFB1E0  }
0x4b: {  	[spmem:s3] =	stream.indirect.scatter.add.f32 [tilespmem:s14], [sflag:$0x3], $0x10, s26, s13, $0xb8;
	[tilespmem:$0x138E0] =	vst v63  }
0x4c: {  	_ =	swait.ge [sflag:s10], $0x4E20  }
0x4d: {  	[sflag:s10] =	ssyncset.done $0x0  }
0x4e: {  	[sflag:s10] =	ssyncadd.s32 $0xFFFFB1E0  }
0x4f: {  	[tilespmem:s14], [sflag:$0x1] =	stream.indirect.gather [hbm4b:s1+s13], $0x10, s28, s13, $0xb8;
	[tilespmem:$0x138E0] =	vst v63  }
0x50: {  	_ =	swait.ge [sflag:s19], $0x4E20  }
0x51: {  	[sflag:s19] =	ssyncset.done $0x0  }
0x52: {  	[sflag:s19] =	ssyncadd.s32 $0xFFFFB1E0  }
0x53: {  	[spmem:s3] =	stream.indirect.scatter.add.f32 [tilespmem:s16], [sflag:$0x3], $0x10, s29, s13, $0xb8;
	[tilespmem:$0x138E0] =	vst v63  }
0x54: {  	_ =	swait.ge [sflag:s10], $0x4E20  }
0x55: {  	[sflag:s10] =	ssyncset.done $0x0  }
0x56: {  	[sflag:s10] =	ssyncadd.s32 $0xFFFFB1E0  }
0x57: {  	[tilespmem:s16], [sflag:$0x2] =	stream.indirect.gather [hbm4b:s1+s13], $0x10, s30, s13, $0xb8;
	[tilespmem:$0x138E0] =	vst v63  }
0x58: {  	_ =	swait.ge [sflag:s17], $0x4E20  }
0x59: {  	[sflag:s17] =	ssyncset.done $0x0  }
0x5a: {  	[sflag:s17] =	ssyncadd.s32 $0xFFFFB1E0  }
0x5b: {  	[spmem:s3] =	stream.indirect.scatter.add.f32 [tilespmem:s14], [sflag:$0x3], $0x10, s31, s13, $0xb8;
	[tilespmem:$0x138E0] =	vst v63  }
0x5c: {  	_ =	swait.ge [sflag:s10], $0x4E20  }
0x5d: {  	[sflag:s10] =	ssyncset.done $0x0  }
0x5e: {  	[sflag:s10] =	ssyncadd.s32 $0xFFFFB1E0  }
0x5f: {  	_ =	swait.ge [sflag:s19], $0x4E20  }
0x60: {  	[sflag:s19] =	ssyncset.done $0x0  }
0x61: {  	[sflag:s19] =	ssyncadd.s32 $0xFFFFB1E0  }
0x62: {  	[spmem:s3] =	stream.indirect.scatter.add.f32 [tilespmem:s16], [sflag:$0x3], $0x10, s0, s13, $0xb8;
	[tilespmem:$0x138E0] =	vst v63  }
0x63: {  	_ =	swait.ge [sflag:s10], $0x4E20  }
0x64: {  	[sflag:s10] =	ssyncset.done $0x0  }
0x65: {  	[sflag:s10] =	ssyncadd.s32 $0xFFFFB1E0  }
0x66: {  	[bflag:$0x0] =	sbarrier.arrive $0xFFFF  }
0x67: {  	[tilespmem:s12], [sflag:$0x3] =	stream.linear.gather [spmem:s7], $0x2710, $0x38;
	[tilespmem:$0x138E0] =	vst v63  }
0x68: {  	s2 =	sadd.s32 $0x1, s2;
	_ =	swait.ge [sflag:s10], $0x2710  }
0x69: {  	p0 =	sne.s32 s2, s9;
	[sflag:s10] =	ssyncset.done $0x0  }
.Ltmp1:
0x6a: {  	[sflag:s10] =	ssyncadd.s32 $0xFFFFD8F0;
	(pc) =	sbr.rel @p0 .LBB2_1-.Ltmp1, $4  }
0x6b: {  	[hbm4b:s8+s4] =	stream.linear.scatter [tilespmem:s12], [sflag:$0x3], $0x2710, $0x38;
	[tilespmem:$0x138E0] =	vst v63  }
0x6c: {  	_ =	swait.ge [sflag:s10], $0x2710  }
0x6d: {  	[sflag:s10] =	ssyncset.done $0x0  }
0x6e: {  	[sflag:s10] =	ssyncadd.s32 $0xFFFFD8F0  }
0x6f: {  	_ =	sfence.sel $0x180000  }
0x70: {  	[bflag:$0x0] =	sbarrier.arrive $0xFFFF  }
0x71: {  	_ =	strace $0x9000004A  }
0x72: {  	s0 =	stileid.u32;
	[bflag:$0x2] =	sbarrier.arrive $0xFFFF  }
0x73: {  	p0 =	sne.s32 s0, $0x0;
	s0 =	rddreg [dreg:$0x3]  }
0x74: {  	s0 =	sadd.s32 @!p0 $0x100000, s0  }
0x75: {  	[sflag:s0] =	ssyncadd.tile.s32 @!p0 $0x1;
	_ =	shalt  }
.Lfunc_end2:
_tile_overlayer_lowered:
.L_overlay_start_2:
0x76: {  	(tag) =	ssettag $0x2  }
0x77: {  	s0 =	rddreg [dreg:$0x0];
	s2 =	stileid.u32  }
0x78: {  	s1 =	rddreg [dreg:$0x1];
	p0 =	sne.s32 s2, $0x0  }
0x79: {  	s3 =	rddreg [dreg:$0x2];
	[bflag:$0x3] =	sbarrier.arrive $0xFFFF;
	s2 =	simm.s32 @!p0 $0x1C03  }
0x7a: {  	[timem:s3], [sflag:s2] =	dma.local @!p0 [hbm:s0], s1  }
0x7b: {  	s0 =	simm.s32 @!p0 $0x3  }
0x7c: {  	_ =	swait.ge @!p0 [sflag:s0], s1  }
0x7d: {  	s1 =	ssub.s32 @!p0 $0x0, s1;
	[sflag:s0] =	ssyncset.done @!p0 $0x0  }
0x7e: {  	[sflag:s0] =	ssyncadd.s32 @!p0 s1  }
0x7f: {  	[bflag:$0x3] =	sbarrier.arrive $0xFFFF  }
0x80: {  	_ =	shalt  }

</sc_bundles>
